<compile_context>
chip_gen: v7x
topology: tpu7x:2x2x1
jax: 0.10.2.dev20260603
libtpu: 0.0.44.dev20260713+nightly
codegen_flags: <defaults>
</compile_context>

<pallas_src>
import functools

import jax
import jax.numpy as jnp
from jax import lax
from jax.experimental import pallas as pl
from jax.experimental.pallas import tpu as pltpu
from jax.experimental.pallas import tpu_sc as plsc

_LANE = 128
_BLK = 128
_NBUF = 8


@functools.lru_cache(maxsize=None)
def _make_gather(V, D, B):
    info = plsc.get_sparse_core_info()
    NC, NS = info.num_cores, info.num_subcores
    NW = NC * NS
    per_w = B // NW
    n_ch = per_w // 16
    flushes = _BLK // 16
    max_col = ((V - 1) >> 7) * _LANE
    mesh = plsc.VectorSubcoreMesh(core_axis_name="c", subcore_axis_name="s")

    @functools.partial(
        pl.kernel,
        mesh=mesh,
        out_type=jax.ShapeDtypeStruct((D, B), jnp.float32),
        scratch_types=[
            pltpu.VMEM((per_w + 16,), jnp.int32),
            pltpu.VMEM((_NBUF, D, _LANE), jnp.float32),
            pltpu.VMEM((D, _BLK), jnp.float32),
        ] + [pltpu.SemaphoreType.DMA] * _NBUF,
        compiler_params=pltpu.CompilerParams(
            use_tc_tiling_on_sc=True, needs_layout_passes=False
        ),
    )
    def gather_kernel(table_hbm, idx_hbm, out_hbm, idx_v, blk_v, stage_v,
                      *sems):
        wid = lax.axis_index("s") * NC + lax.axis_index("c")
        b0 = wid * per_w
        pltpu.sync_copy(idx_hbm.at[pl.ds(b0, per_w)], idx_v.at[pl.ds(0, per_w)])
        row_ids = lax.iota(jnp.int32, 16)

        def fire(r, slot):
            col = jnp.clip((r >> 7) * _LANE, 0, max_col)
            col = pl.multiple_of(col, _LANE)
            return pltpu.async_copy(
                table_hbm.at[:, pl.ds(col, _LANE)], blk_v.at[slot], sems[slot]
            )

        def slot_wait(slot):
            pltpu.make_async_copy(
                table_hbm.at[:, pl.ds(0, _LANE)], blk_v.at[slot], sems[slot]
            ).wait()

        def extract(r, k, slot):
            lane_v = jnp.full((16,), r & (_LANE - 1), jnp.int32)
            k_v = jnp.full((16,), k, jnp.int32)
            for q in range(D // 16):
                f_v = row_ids + q * 16
                vals = plsc.load_gather(blk_v.at[slot], [f_v, lane_v])
                plsc.store_scatter(stage_v, [f_v, k_v], vals)

        r0 = idx_v[pl.ds(0, 16)]
        for j in range(_NBUF):
            fire(r0[j], j)

        def do_chunk(ch, _):
            base = ch * 16
            r_cur = idx_v[pl.ds(base, 16)]
            r_nxt = idx_v[pl.ds(base + 16, 16)]
            kc = (ch % flushes) * 16
            for j in range(16):
                slot = j % _NBUF
                slot_wait(slot)
                extract(r_cur[j], kc + j, slot)
                if j < _NBUF:
                    fire(r_cur[j + _NBUF], slot)
                else:
                    fire(r_nxt[j - _NBUF], slot)

            @pl.when(ch % flushes == flushes - 1)
            def _flush():
                start = pl.multiple_of(b0 + (ch + 1) * 16 - _BLK, _BLK)
                pltpu.sync_copy(stage_v, out_hbm.at[:, pl.ds(start, _BLK)])

            return 0

        lax.fori_loop(0, n_ch, do_chunk, 0)
        for j in range(_NBUF):
            slot_wait(j)

    return gather_kernel


def kernel(inputs, embedding):
    B = inputs.shape[0]
    V = embedding.shape[0]
    D = embedding.shape[-1]
    table_t = embedding.reshape(V, D).T
    idx = inputs.astype(jnp.int32)
    out_t = _make_gather(V, D, B)(table_t, idx)
    return out_t.T.reshape(inputs.shape + (1, 1, D))

# --- scband reference (transcript-rebuilt; emitter-appended) ---
"""Pipeline reference for scband-embed-4277787427178 (READ-ONLY COPY).

The authoritative reference and input builder live on the scoring server;
editing this copy changes nothing except your own understanding.
"""

import jax, jax.numpy as jnp
import numpy as np

NUM_EMBEDDINGS = 1000000
FEATURES = 64
BATCH = 16384


def setup_inputs(seed: int = 0) -> dict:
    key = jax.random.key(seed)
    k_idx, k_emb = jax.random.split(key)
    inputs = jax.random.randint(k_idx, (BATCH,), 0, NUM_EMBEDDINGS, dtype=jnp.int64) if jax.config.jax_enable_x64 else jax.random.randint(k_idx, (BATCH,), 0, NUM_EMBEDDINGS, dtype=jnp.int32)
    # variance_scaling(1.0, 'fan_in', 'normal', out_axis=0) on shape (N,1,1,F): fan_in = F
    std = 1.0 / np.sqrt(FEATURES)
    embedding = jax.random.normal(k_emb, (NUM_EMBEDDINGS, 1, 1, FEATURES), dtype=jnp.float32) * std
    return {"inputs": inputs, "embedding": embedding}


def reference(inputs, embedding):
    # Faithful translation of Embed.__call__: jnp.take along axis 0.
    # Output shape: inputs.shape + (1, 1, FEATURES)
    return jnp.take(embedding, inputs, axis=0)

if __name__ == "__main__":
    import jax
    _d = setup_inputs()
    print(jax.jit(kernel)(*tuple(_d.values())))

</pallas_src>

<mosaic_0001>
#map = affine_map<(d0, d1) -> (0, 0)>
#map1 = affine_map<(d0, d1) -> (0)>
module attributes {stable_mosaic.version = 14 : i64} {
  func.func @gather_kernel(%arg0: i32, %arg1: i32, %arg2: memref<64x1000000xf32, #tpu.memory_space<hbm>>, %arg3: memref<16384xi32, #tpu.memory_space<hbm>>, %arg4: memref<64x16384xf32, #tpu.memory_space<hbm>>, %arg5: memref<528xi32, #tpu.memory_space<vmem>>, %arg6: memref<8x64x128xf32, #tpu.memory_space<vmem>>, %arg7: memref<64x128xf32, #tpu.memory_space<vmem>>, %arg8: memref<!tpu.dma_semaphore, #tpu.memory_space<semaphore_mem>>, %arg9: memref<!tpu.dma_semaphore, #tpu.memory_space<semaphore_mem>>, %arg10: memref<!tpu.dma_semaphore, #tpu.memory_space<semaphore_mem>>, %arg11: memref<!tpu.dma_semaphore, #tpu.memory_space<semaphore_mem>>, %arg12: memref<!tpu.dma_semaphore, #tpu.memory_space<semaphore_mem>>, %arg13: memref<!tpu.dma_semaphore, #tpu.memory_space<semaphore_mem>>, %arg14: memref<!tpu.dma_semaphore, #tpu.memory_space<semaphore_mem>>, %arg15: memref<!tpu.dma_semaphore, #tpu.memory_space<semaphore_mem>>) attributes {dimension_semantics = [#tpu.dimension_semantics<core_parallel>, #tpu.dimension_semantics<subcore_parallel>], iteration_bounds = array<i64: 2, 16>, scalar_prefetch = 0 : i64, scratch_operands = 11 : i64, tpu.core_type = #tpu.core_type<sc_vector_subcore>, window_params = [{transform_indices = #map}, {transform_indices = #map1}, {transform_indices = #map}]} {
    %mul3A = arith.constant 2 : i32
    %mul3A_0 = arith.muli %arg1, %mul3A : i32
    %add3A = arith.addi %mul3A_0, %arg0 : i32
    %mul3A_1 = arith.constant 512 : i32
    %mul3A_2 = arith.muli %add3A, %mul3A_1 : i32
    "tpu.region"() ({
      %run_scoped3A = tpu.sem_alloc : memref<!tpu.dma_semaphore, #tpu.memory_space<semaphore_mem>>
      %dma_start3A_313 = arith.constant 0 : i32
      %dma_start3A_314 = tpu.memref_slice %arg5[%dma_start3A_313] : memref<528xi32, #tpu.memory_space<vmem>> -> memref<512xi32, #tpu.memory_space<vmem>>
      %dma_start3A_315 = tpu.memref_slice %arg3[%mul3A_2] : memref<16384xi32, #tpu.memory_space<hbm>> -> memref<512xi32, #tpu.memory_space<hbm>>
      %dma_start3A_316 = arith.constant 0 : i32
      %dma_start3A_317 = tpu.memref_slice %arg5[%dma_start3A_316] : memref<528xi32, #tpu.memory_space<vmem>> -> memref<512xi32, #tpu.memory_space<vmem>>
      %dma_start3A_318 = tpu.memref_slice %arg3[%mul3A_2] : memref<16384xi32, #tpu.memory_space<hbm>> -> memref<512xi32, #tpu.memory_space<hbm>>
      tpu.enqueue_dma source(%dma_start3A_318 : memref<512xi32, #tpu.memory_space<hbm>>) target(%dma_start3A_317 : memref<512xi32, #tpu.memory_space<vmem>>) target_semaphore(%run_scoped3A : memref<!tpu.dma_semaphore, #tpu.memory_space<semaphore_mem>>)
      %dma_wait3A_319 = arith.constant 0 : i32
      %dma_wait3A_320 = tpu.memref_slice %arg5[%dma_wait3A_319] : memref<528xi32, #tpu.memory_space<vmem>> -> memref<512xi32, #tpu.memory_space<vmem>>
      %dma_wait3A_321 = tpu.memref_slice %arg3[%mul3A_2] : memref<16384xi32, #tpu.memory_space<hbm>> -> memref<512xi32, #tpu.memory_space<hbm>>
      %dma_wait3A_322 = arith.constant 0 : i32
      %dma_wait3A_323 = tpu.memref_slice %arg5[%dma_wait3A_322] : memref<528xi32, #tpu.memory_space<vmem>> -> memref<512xi32, #tpu.memory_space<vmem>>
      %dma_wait3A_324 = tpu.memref_slice %arg3[%mul3A_2] : memref<16384xi32, #tpu.memory_space<hbm>> -> memref<512xi32, #tpu.memory_space<hbm>>
      tpu.wait_dma2 semaphore(%run_scoped3A : memref<!tpu.dma_semaphore, #tpu.memory_space<semaphore_mem>>) src(%dma_wait3A_324 : memref<512xi32, #tpu.memory_space<hbm>>) dst(%dma_wait3A_323 : memref<512xi32, #tpu.memory_space<vmem>>)
      tpu.yield
    }) : () -> ()
    %iota3A = tpu.iota {dimensions = array<i32: 0>} : vector<16xi32>
    %get3A = arith.constant 0 : index
    %get3A_3 = tpu.vector_load %arg5[%get3A] {strides = array<i32>} : memref<528xi32, #tpu.memory_space<vmem>>, vector<16xi32>,
    %slice3A = vector.extract_strided_slice %get3A_3 {offsets = [0], sizes = [1], strides = [1]} : vector<16xi32> to vector<1xi32>
    %squeeze3A = vector.extract %slice3A[0] : i32 from vector<1xi32>
    %shift_right_arithmetic3A = arith.constant 7 : i32
    %shift_right_arithmetic3A_4 = arith.shrsi %squeeze3A, %shift_right_arithmetic3A : i32
    %mul3A_5 = arith.constant 128 : i32
    %mul3A_6 = arith.muli %shift_right_arithmetic3A_4, %mul3A_5 : i32
    %jit3A = arith.constant 0 : i32
    %jit3A_7 = arith.constant 999936 : i32
    %max3A = arith.maxsi %jit3A, %mul3A_6 : i32
    %min3A = arith.minsi %jit3A_7, %max3A : i32
    %multiple_of3A = tpu.assume_multiple %min3A, 128 : i32
    %dma_start3A = arith.constant 0 : i32
    %dma_start3A_8 = arith.constant 0 : i32
    %dma_start3A_9 = arith.constant 0 : i32
    %dma_start3A_10 = tpu.memref_slice %arg6[%dma_start3A, %dma_start3A_8, %dma_start3A_9] : memref<8x64x128xf32, #tpu.memory_space<vmem>> -> memref<1x64x128xf32, #tpu.memory_space<vmem>>
    %dma_start3A_11 = tpu.memref_squeeze %dma_start3A_10 : memref<1x64x128xf32, #tpu.memory_space<vmem>> -> memref<64x128xf32, #tpu.memory_space<vmem>>
    %dma_start3A_12 = arith.constant 0 : i32
    %dma_start3A_13 = tpu.memref_slice %arg2[%dma_start3A_12, %multiple_of3A] : memref<64x1000000xf32, #tpu.memory_space<hbm>> -> memref<64x128xf32, #tpu.memory_space<hbm>>
    %dma_start3A_14 = arith.constant 0 : i32
    %dma_start3A_15 = arith.constant 0 : i32
    %dma_start3A_16 = tpu.memref_slice %arg6[%dma_start3A, %dma_start3A_14, %dma_start3A_15] : memref<8x64x128xf32, #tpu.memory_space<vmem>> -> memref<1x64x128xf32, #tpu.memory_space<vmem>>
    %dma_start3A_17 = tpu.memref_squeeze %dma_start3A_16 : memref<1x64x128xf32, #tpu.memory_space<vmem>> -> memref<64x128xf32, #tpu.memory_space<vmem>>
    %dma_start3A_18 = arith.constant 0 : i32
    %dma_start3A_19 = tpu.memref_slice %arg2[%dma_start3A_18, %multiple_of3A] : memref<64x1000000xf32, #tpu.memory_space<hbm>> -> memref<64x128xf32, #tpu.memory_space<hbm>>
    tpu.enqueue_dma source(%dma_start3A_19 : memref<64x128xf32, #tpu.memory_space<hbm>>) target(%dma_start3A_17 : memref<64x128xf32, #tpu.memory_space<vmem>>) target_semaphore(%arg8 : memref<!tpu.dma_semaphore, #tpu.memory_space<semaphore_mem>>)
    %slice3A_20 = vector.extract_strided_slice %get3A_3 {offsets = [1], sizes = [1], strides = [1]} : vector<16xi32> to vector<1xi32>
    %squeeze3A_21 = vector.extract %slice3A_20[0] : i32 from vector<1xi32>
    %shift_right_arithmetic3A_22 = arith.constant 7 : i32
    %shift_right_arithmetic3A_23 = arith.shrsi %squeeze3A_21, %shift_right_arithmetic3A_22 : i32
    %mul3A_24 = arith.constant 128 : i32
    %mul3A_25 = arith.muli %shift_right_arithmetic3A_23, %mul3A_24 : i32
    %jit3A_26 = arith.constant 0 : i32
    %jit3A_27 = arith.constant 999936 : i32
    %max3A_28 = arith.maxsi %jit3A_26, %mul3A_25 : i32
    %min3A_29 = arith.minsi %jit3A_27, %max3A_28 : i32
    %multiple_of3A_30 = tpu.assume_multiple %min3A_29, 128 : i32
    %dma_start3A_31 = arith.constant 1 : i32
    %dma_start3A_32 = arith.constant 0 : i32
    %dma_start3A_33 = arith.constant 0 : i32
    %dma_start3A_34 = tpu.memref_slice %arg6[%dma_start3A_31, %dma_start3A_32, %dma_start3A_33] : memref<8x64x128xf32, #tpu.memory_space<vmem>> -> memref<1x64x128xf32, #tpu.memory_space<vmem>>
    %dma_start3A_35 = tpu.memref_squeeze %dma_start3A_34 : memref<1x64x128xf32, #tpu.memory_space<vmem>> -> memref<64x128xf32, #tpu.memory_space<vmem>>
    %dma_start3A_36 = arith.constant 0 : i32
    %dma_start3A_37 = tpu.memref_slice %arg2[%dma_start3A_36, %multiple_of3A_30] : memref<64x1000000xf32, #tpu.memory_space<hbm>> -> memref<64x128xf32, #tpu.memory_space<hbm>>
    %dma_start3A_38 = arith.constant 0 : i32
    %dma_start3A_39 = arith.constant 0 : i32
    %dma_start3A_40 = tpu.memref_slice %arg6[%dma_start3A_31, %dma_start3A_38, %dma_start3A_39] : memref<8x64x128xf32, #tpu.memory_space<vmem>> -> memref<1x64x128xf32, #tpu.memory_space<vmem>>
    %dma_start3A_41 = tpu.memref_squeeze %dma_start3A_40 : memref<1x64x128xf32, #tpu.memory_space<vmem>> -> memref<64x128xf32, #tpu.memory_space<vmem>>
    %dma_start3A_42 = arith.constant 0 : i32
    %dma_start3A_43 = tpu.memref_slice %arg2[%dma_start3A_42, %multiple_of3A_30] : memref<64x1000000xf32, #tpu.memory_space<hbm>> -> memref<64x128xf32, #tpu.memory_space<hbm>>
    tpu.enqueue_dma source(%dma_start3A_43 : memref<64x128xf32, #tpu.memory_space<hbm>>) target(%dma_start3A_41 : memref<64x128xf32, #tpu.memory_space<vmem>>) target_semaphore(%arg9 : memref<!tpu.dma_semaphore, #tpu.memory_space<semaphore_mem>>)
    %slice3A_44 = vector.extract_strided_slice %get3A_3 {offsets = [2], sizes = [1], strides = [1]} : vector<16xi32> to vector<1xi32>
    %squeeze3A_45 = vector.extract %slice3A_44[0] : i32 from vector<1xi32>
    %shift_right_arithmetic3A_46 = arith.constant 7 : i32
    %shift_right_arithmetic3A_47 = arith.shrsi %squeeze3A_45, %shift_right_arithmetic3A_46 : i32
    %mul3A_48 = arith.constant 128 : i32
    %mul3A_49 = arith.muli %shift_right_arithmetic3A_47, %mul3A_48 : i32
    %jit3A_50 = arith.constant 0 : i32
    %jit3A_51 = arith.constant 999936 : i32
    %max3A_52 = arith.maxsi %jit3A_50, %mul3A_49 : i32
    %min3A_53 = arith.minsi %jit3A_51, %max3A_52 : i32
    %multiple_of3A_54 = tpu.assume_multiple %min3A_53, 128 : i32
    %dma_start3A_55 = arith.constant 2 : i32
    %dma_start3A_56 = arith.constant 0 : i32
    %dma_start3A_57 = arith.constant 0 : i32
    %dma_start3A_58 = tpu.memref_slice %arg6[%dma_start3A_55, %dma_start3A_56, %dma_start3A_57] : memref<8x64x128xf32, #tpu.memory_space<vmem>> -> memref<1x64x128xf32, #tpu.memory_space<vmem>>
    %dma_start3A_59 = tpu.memref_squeeze %dma_start3A_58 : memref<1x64x128xf32, #tpu.memory_space<vmem>> -> memref<64x128xf32, #tpu.memory_space<vmem>>
    %dma_start3A_60 = arith.constant 0 : i32
    %dma_start3A_61 = tpu.memref_slice %arg2[%dma_start3A_60, %multiple_of3A_54] : memref<64x1000000xf32, #tpu.memory_space<hbm>> -> memref<64x128xf32, #tpu.memory_space<hbm>>
    %dma_start3A_62 = arith.constant 0 : i32
    %dma_start3A_63 = arith.constant 0 : i32
    %dma_start3A_64 = tpu.memref_slice %arg6[%dma_start3A_55, %dma_start3A_62, %dma_start3A_63] : memref<8x64x128xf32, #tpu.memory_space<vmem>> -> memref<1x64x128xf32, #tpu.memory_space<vmem>>
    %dma_start3A_65 = tpu.memref_squeeze %dma_start3A_64 : memref<1x64x128xf32, #tpu.memory_space<vmem>> -> memref<64x128xf32, #tpu.memory_space<vmem>>
    %dma_start3A_66 = arith.constant 0 : i32
    %dma_start3A_67 = tpu.memref_slice %arg2[%dma_start3A_66, %multiple_of3A_54] : memref<64x1000000xf32, #tpu.memory_space<hbm>> -> memref<64x128xf32, #tpu.memory_space<hbm>>
    tpu.enqueue_dma source(%dma_start3A_67 : memref<64x128xf32, #tpu.memory_space<hbm>>) target(%dma_start3A_65 : memref<64x128xf32, #tpu.memory_space<vmem>>) target_semaphore(%arg10 : memref<!tpu.dma_semaphore, #tpu.memory_space<semaphore_mem>>)
    %slice3A_68 = vector.extract_strided_slice %get3A_3 {offsets = [3], sizes = [1], strides = [1]} : vector<16xi32> to vector<1xi32>
    %squeeze3A_69 = vector.extract %slice3A_68[0] : i32 from vector<1xi32>
    %shift_right_arithmetic3A_70 = arith.constant 7 : i32
    %shift_right_arithmetic3A_71 = arith.shrsi %squeeze3A_69, %shift_right_arithmetic3A_70 : i32
    %mul3A_72 = arith.constant 128 : i32
    %mul3A_73 = arith.muli %shift_right_arithmetic3A_71, %mul3A_72 : i32
    %jit3A_74 = arith.constant 0 : i32
    %jit3A_75 = arith.constant 999936 : i32
    %max3A_76 = arith.maxsi %jit3A_74, %mul3A_73 : i32
    %min3A_77 = arith.minsi %jit3A_75, %max3A_76 : i32
    %multiple_of3A_78 = tpu.assume_multiple %min3A_77, 128 : i32
    %dma_start3A_79 = arith.constant 3 : i32
    %dma_start3A_80 = arith.constant 0 : i32
    %dma_start3A_81 = arith.constant 0 : i32
    %dma_start3A_82 = tpu.memref_slice %arg6[%dma_start3A_79, %dma_start3A_80, %dma_start3A_81] : memref<8x64x128xf32, #tpu.memory_space<vmem>> -> memref<1x64x128xf32, #tpu.memory_space<vmem>>
    %dma_start3A_83 = tpu.memref_squeeze %dma_start3A_82 : memref<1x64x128xf32, #tpu.memory_space<vmem>> -> memref<64x128xf32, #tpu.memory_space<vmem>>
    %dma_start3A_84 = arith.constant 0 : i32
    %dma_start3A_85 = tpu.memref_slice %arg2[%dma_start3A_84, %multiple_of3A_78] : memref<64x1000000xf32, #tpu.memory_space<hbm>> -> memref<64x128xf32, #tpu.memory_space<hbm>>
    %dma_start3A_86 = arith.constant 0 : i32
    %dma_start3A_87 = arith.constant 0 : i32
    %dma_start3A_88 = tpu.memref_slice %arg6[%dma_start3A_79, %dma_start3A_86, %dma_start3A_87] : memref<8x64x128xf32, #tpu.memory_space<vmem>> -> memref<1x64x128xf32, #tpu.memory_space<vmem>>
    %dma_start3A_89 = tpu.memref_squeeze %dma_start3A_88 : memref<1x64x128xf32, #tpu.memory_space<vmem>> -> memref<64x128xf32, #tpu.memory_space<vmem>>
    %dma_start3A_90 = arith.constant 0 : i32
    %dma_start3A_91 = tpu.memref_slice %arg2[%dma_start3A_90, %multiple_of3A_78] : memref<64x1000000xf32, #tpu.memory_space<hbm>> -> memref<64x128xf32, #tpu.memory_space<hbm>>
    tpu.enqueue_dma source(%dma_start3A_91 : memref<64x128xf32, #tpu.memory_space<hbm>>) target(%dma_start3A_89 : memref<64x128xf32, #tpu.memory_space<vmem>>) target_semaphore(%arg11 : memref<!tpu.dma_semaphore, #tpu.memory_space<semaphore_mem>>)
    %slice3A_92 = vector.extract_strided_slice %get3A_3 {offsets = [4], sizes = [1], strides = [1]} : vector<16xi32> to vector<1xi32>
    %squeeze3A_93 = vector.extract %slice3A_92[0] : i32 from vector<1xi32>
    %shift_right_arithmetic3A_94 = arith.constant 7 : i32
    %shift_right_arithmetic3A_95 = arith.shrsi %squeeze3A_93, %shift_right_arithmetic3A_94 : i32
    %mul3A_96 = arith.constant 128 : i32
    %mul3A_97 = arith.muli %shift_right_arithmetic3A_95, %mul3A_96 : i32
    %jit3A_98 = arith.constant 0 : i32
    %jit3A_99 = arith.constant 999936 : i32
    %max3A_100 = arith.maxsi %jit3A_98, %mul3A_97 : i32
    %min3A_101 = arith.minsi %jit3A_99, %max3A_100 : i32
    %multiple_of3A_102 = tpu.assume_multiple %min3A_101, 128 : i32
    %dma_start3A_103 = arith.constant 4 : i32
    %dma_start3A_104 = arith.constant 0 : i32
    %dma_start3A_105 = arith.constant 0 : i32
    %dma_start3A_106 = tpu.memref_slice %arg6[%dma_start3A_103, %dma_start3A_104, %dma_start3A_105] : memref<8x64x128xf32, #tpu.memory_space<vmem>> -> memref<1x64x128xf32, #tpu.memory_space<vmem>>
    %dma_start3A_107 = tpu.memref_squeeze %dma_start3A_106 : memref<1x64x128xf32, #tpu.memory_space<vmem>> -> memref<64x128xf32, #tpu.memory_space<vmem>>
    %dma_start3A_108 = arith.constant 0 : i32
    %dma_start3A_109 = tpu.memref_slice %arg2[%dma_start3A_108, %multiple_of3A_102] : memref<64x1000000xf32, #tpu.memory_space<hbm>> -> memref<64x128xf32, #tpu.memory_space<hbm>>
    %dma_start3A_110 = arith.constant 0 : i32
    %dma_start3A_111 = arith.constant 0 : i32
    %dma_start3A_112 = tpu.memref_slice %arg6[%dma_start3A_103, %dma_start3A_110, %dma_start3A_111] : memref<8x64x128xf32, #tpu.memory_space<vmem>> -> memref<1x64x128xf32, #tpu.memory_space<vmem>>
    %dma_start3A_113 = tpu.memref_squeeze %dma_start3A_112 : memref<1x64x128xf32, #tpu.memory_space<vmem>> -> memref<64x128xf32, #tpu.memory_space<vmem>>
    %dma_start3A_114 = arith.constant 0 : i32
    %dma_start3A_115 = tpu.memref_slice %arg2[%dma_start3A_114, %multiple_of3A_102] : memref<64x1000000xf32, #tpu.memory_space<hbm>> -> memref<64x128xf32, #tpu.memory_space<hbm>>
    tpu.enqueue_dma source(%dma_start3A_115 : memref<64x128xf32, #tpu.memory_space<hbm>>) target(%dma_start3A_113 : memref<64x128xf32, #tpu.memory_space<vmem>>) target_semaphore(%arg12 : memref<!tpu.dma_semaphore, #tpu.memory_space<semaphore_mem>>)
    %slice3A_116 = vector.extract_strided_slice %get3A_3 {offsets = [5], sizes = [1], strides = [1]} : vector<16xi32> to vector<1xi32>
    %squeeze3A_117 = vector.extract %slice3A_116[0] : i32 from vector<1xi32>
    %shift_right_arithmetic3A_118 = arith.constant 7 : i32
    %shift_right_arithmetic3A_119 = arith.shrsi %squeeze3A_117, %shift_right_arithmetic3A_118 : i32
    %mul3A_120 = arith.constant 128 : i32
    %mul3A_121 = arith.muli %shift_right_arithmetic3A_119, %mul3A_120 : i32
    %jit3A_122 = arith.constant 0 : i32
    %jit3A_123 = arith.constant 999936 : i32
    %max3A_124 = arith.maxsi %jit3A_122, %mul3A_121 : i32
    %min3A_125 = arith.minsi %jit3A_123, %max3A_124 : i32
    %multiple_of3A_126 = tpu.assume_multiple %min3A_125, 128 : i32
    %dma_start3A_127 = arith.constant 5 : i32
    %dma_start3A_128 = arith.constant 0 : i32
    %dma_start3A_129 = arith.constant 0 : i32
    %dma_start3A_130 = tpu.memref_slice %arg6[%dma_start3A_127, %dma_start3A_128, %dma_start3A_129] : memref<8x64x128xf32, #tpu.memory_space<vmem>> -> memref<1x64x128xf32, #tpu.memory_space<vmem>>
    %dma_start3A_131 = tpu.memref_squeeze %dma_start3A_130 : memref<1x64x128xf32, #tpu.memory_space<vmem>> -> memref<64x128xf32, #tpu.memory_space<vmem>>
    %dma_start3A_132 = arith.constant 0 : i32
    %dma_start3A_133 = tpu.memref_slice %arg2[%dma_start3A_132, %multiple_of3A_126] : memref<64x1000000xf32, #tpu.memory_space<hbm>> -> memref<64x128xf32, #tpu.memory_space<hbm>>
    %dma_start3A_134 = arith.constant 0 : i32
    %dma_start3A_135 = arith.constant 0 : i32
    %dma_start3A_136 = tpu.memref_slice %arg6[%dma_start3A_127, %dma_start3A_134, %dma_start3A_135] : memref<8x64x128xf32, #tpu.memory_space<vmem>> -> memref<1x64x128xf32, #tpu.memory_space<vmem>>
    %dma_start3A_137 = tpu.memref_squeeze %dma_start3A_136 : memref<1x64x128xf32, #tpu.memory_space<vmem>> -> memref<64x128xf32, #tpu.memory_space<vmem>>
    %dma_start3A_138 = arith.constant 0 : i32
    %dma_start3A_139 = tpu.memref_slice %arg2[%dma_start3A_138, %multiple_of3A_126] : memref<64x1000000xf32, #tpu.memory_space<hbm>> -> memref<64x128xf32, #tpu.memory_space<hbm>>
    tpu.enqueue_dma source(%dma_start3A_139 : memref<64x128xf32, #tpu.memory_space<hbm>>) target(%dma_start3A_137 : memref<64x128xf32, #tpu.memory_space<vmem>>) target_semaphore(%arg13 : memref<!tpu.dma_semaphore, #tpu.memory_space<semaphore_mem>>)
    %slice3A_140 = vector.extract_strided_slice %get3A_3 {offsets = [6], sizes = [1], strides = [1]} : vector<16xi32> to vector<1xi32>
    %squeeze3A_141 = vector.extract %slice3A_140[0] : i32 from vector<1xi32>
    %shift_right_arithmetic3A_142 = arith.constant 7 : i32
    %shift_right_arithmetic3A_143 = arith.shrsi %squeeze3A_141, %shift_right_arithmetic3A_142 : i32
    %mul3A_144 = arith.constant 128 : i32
    %mul3A_145 = arith.muli %shift_right_arithmetic3A_143, %mul3A_144 : i32
    %jit3A_146 = arith.constant 0 : i32
    %jit3A_147 = arith.constant 999936 : i32
    %max3A_148 = arith.maxsi %jit3A_146, %mul3A_145 : i32
    %min3A_149 = arith.minsi %jit3A_147, %max3A_148 : i32
    %multiple_of3A_150 = tpu.assume_multiple %min3A_149, 128 : i32
    %dma_start3A_151 = arith.constant 6 : i32
    %dma_start3A_152 = arith.constant 0 : i32
    %dma_start3A_153 = arith.constant 0 : i32
    %dma_start3A_154 = tpu.memref_slice %arg6[%dma_start3A_151, %dma_start3A_152, %dma_start3A_153] : memref<8x64x128xf32, #tpu.memory_space<vmem>> -> memref<1x64x128xf32, #tpu.memory_space<vmem>>
    %dma_start3A_155 = tpu.memref_squeeze %dma_start3A_154 : memref<1x64x128xf32, #tpu.memory_space<vmem>> -> memref<64x128xf32, #tpu.memory_space<vmem>>
    %dma_start3A_156 = arith.constant 0 : i32
    %dma_start3A_157 = tpu.memref_slice %arg2[%dma_start3A_156, %multiple_of3A_150] : memref<64x1000000xf32, #tpu.memory_space<hbm>> -> memref<64x128xf32, #tpu.memory_space<hbm>>
    %dma_start3A_158 = arith.constant 0 : i32
    %dma_start3A_159 = arith.constant 0 : i32
    %dma_start3A_160 = tpu.memref_slice %arg6[%dma_start3A_151, %dma_start3A_158, %dma_start3A_159] : memref<8x64x128xf32, #tpu.memory_space<vmem>> -> memref<1x64x128xf32, #tpu.memory_space<vmem>>
    %dma_start3A_161 = tpu.memref_squeeze %dma_start3A_160 : memref<1x64x128xf32, #tpu.memory_space<vmem>> -> memref<64x128xf32, #tpu.memory_space<vmem>>
    %dma_start3A_162 = arith.constant 0 : i32
    %dma_start3A_163 = tpu.memref_slice %arg2[%dma_start3A_162, %multiple_of3A_150] : memref<64x1000000xf32, #tpu.memory_space<hbm>> -> memref<64x128xf32, #tpu.memory_space<hbm>>
    tpu.enqueue_dma source(%dma_start3A_163 : memref<64x128xf32, #tpu.memory_space<hbm>>) target(%dma_start3A_161 : memref<64x128xf32, #tpu.memory_space<vmem>>) target_semaphore(%arg14 : memref<!tpu.dma_semaphore, #tpu.memory_space<semaphore_mem>>)
    %slice3A_164 = vector.extract_strided_slice %get3A_3 {offsets = [7], sizes = [1], strides = [1]} : vector<16xi32> to vector<1xi32>
    %squeeze3A_165 = vector.extract %slice3A_164[0] : i32 from vector<1xi32>
    %shift_right_arithmetic3A_166 = arith.constant 7 : i32
    %shift_right_arithmetic3A_167 = arith.shrsi %squeeze3A_165, %shift_right_arithmetic3A_166 : i32
    %mul3A_168 = arith.constant 128 : i32
    %mul3A_169 = arith.muli %shift_right_arithmetic3A_167, %mul3A_168 : i32
    %jit3A_170 = arith.constant 0 : i32
    %jit3A_171 = arith.constant 999936 : i32
    %max3A_172 = arith.maxsi %jit3A_170, %mul3A_169 : i32
    %min3A_173 = arith.minsi %jit3A_171, %max3A_172 : i32
    %multiple_of3A_174 = tpu.assume_multiple %min3A_173, 128 : i32
    %dma_start3A_175 = arith.constant 7 : i32
    %dma_start3A_176 = arith.constant 0 : i32
    %dma_start3A_177 = arith.constant 0 : i32
    %dma_start3A_178 = tpu.memref_slice %arg6[%dma_start3A_175, %dma_start3A_176, %dma_start3A_177] : memref<8x64x128xf32, #tpu.memory_space<vmem>> -> memref<1x64x128xf32, #tpu.memory_space<vmem>>
    %dma_start3A_179 = tpu.memref_squeeze %dma_start3A_178 : memref<1x64x128xf32, #tpu.memory_space<vmem>> -> memref<64x128xf32, #tpu.memory_space<vmem>>
    %dma_start3A_180 = arith.constant 0 : i32
    %dma_start3A_181 = tpu.memref_slice %arg2[%dma_start3A_180, %multiple_of3A_174] : memref<64x1000000xf32, #tpu.memory_space<hbm>> -> memref<64x128xf32, #tpu.memory_space<hbm>>
    %dma_start3A_182 = arith.constant 0 : i32
    %dma_start3A_183 = arith.constant 0 : i32
    %dma_start3A_184 = tpu.memref_slice %arg6[%dma_start3A_175, %dma_start3A_182, %dma_start3A_183] : memref<8x64x128xf32, #tpu.memory_space<vmem>> -> memref<1x64x128xf32, #tpu.memory_space<vmem>>
    %dma_start3A_185 = tpu.memref_squeeze %dma_start3A_184 : memref<1x64x128xf32, #tpu.memory_space<vmem>> -> memref<64x128xf32, #tpu.memory_space<vmem>>
    %dma_start3A_186 = arith.constant 0 : i32
    %dma_start3A_187 = tpu.memref_slice %arg2[%dma_start3A_186, %multiple_of3A_174] : memref<64x1000000xf32, #tpu.memory_space<hbm>> -> memref<64x128xf32, #tpu.memory_space<hbm>>
    tpu.enqueue_dma source(%dma_start3A_187 : memref<64x128xf32, #tpu.memory_space<hbm>>) target(%dma_start3A_185 : memref<64x128xf32, #tpu.memory_space<vmem>>) target_semaphore(%arg15 : memref<!tpu.dma_semaphore, #tpu.memory_space<semaphore_mem>>)
    %scan3A = arith.constant 0 : i32
    %scan3A_188 = arith.constant 0 : i32
    %scan3A_189 = arith.constant 32 : i32
    %scan3A_190 = arith.addi %scan3A_188, %scan3A_189 : i32
    %scan3A_191 = arith.constant 1 : i32
    %scan3A_192 = scf.for %scan3A_313 = %scan3A_188 to %scan3A_190 step %scan3A_191 iter_args(%scan3A_314 = %scan3A) -> (i32)  : i32 {
      %mul3A_315 = arith.constant 16 : i32
      %mul3A_316 = arith.muli %scan3A_313, %mul3A_315 : i32
      %get3A_317 = arith.index_cast %mul3A_316 : i32 to index
      %get3A_318 = tpu.vector_load %arg5[%get3A_317] {strides = array<i32>} : memref<528xi32, #tpu.memory_space<vmem>>, vector<16xi32>,
      %add3A_319 = arith.constant 16 : i32
      %add3A_320 = arith.addi %mul3A_316, %add3A_319 : i32
      %get3A_321 = arith.index_cast %add3A_320 : i32 to index
      %get3A_322 = tpu.vector_load %arg5[%get3A_321] {strides = array<i32>} : memref<528xi32, #tpu.memory_space<vmem>>, vector<16xi32>,
      %jit3A_323 = arith.constant 8 : i32
      %eq3A = arith.constant 0 : i32
      %eq3A_324 = arith.cmpi eq, %jit3A_323, %eq3A : i32
      %jit3A_325 = arith.constant 1 : i32
      %select_n3A = arith.select %eq3A_324, %jit3A_325, %jit3A_323 : i32
      %rem3A = arith.remsi %scan3A_313, %select_n3A : i32
      %ne3A = arith.constant 0 : i32
      %ne3A_326 = arith.cmpi ne, %rem3A, %ne3A : i32
      %lt3A = arith.constant 0 : i32
      %lt3A_327 = arith.cmpi slt, %rem3A, %lt3A : i32
      %lt3A_328 = arith.constant 0 : i32
      %lt3A_329 = arith.cmpi slt, %select_n3A, %lt3A_328 : i32
      %ne3A_330 = arith.xori %lt3A_327, %lt3A_329 : i1
      %and3A = arith.andi %ne3A_330, %ne3A_326 : i1
      %add3A_331 = arith.addi %rem3A, %select_n3A : i32
      %select_n3A_332 = arith.select %and3A, %add3A_331, %rem3A : i32
      %mul3A_333 = arith.constant 16 : i32
      %mul3A_334 = arith.muli %select_n3A_332, %mul3A_333 : i32
      %dma_wait3A_335 = arith.constant 0 : i32
      %dma_wait3A_336 = arith.constant 0 : i32
      %dma_wait3A_337 = arith.constant 0 : i32
      %dma_wait3A_338 = tpu.memref_slice %arg6[%dma_wait3A_335, %dma_wait3A_336, %dma_wait3A_337] : memref<8x64x128xf32, #tpu.memory_space<vmem>> -> memref<1x64x128xf32, #tpu.memory_space<vmem>>
      %dma_wait3A_339 = tpu.memref_squeeze %dma_wait3A_338 : memref<1x64x128xf32, #tpu.memory_space<vmem>> -> memref<64x128xf32, #tpu.memory_space<vmem>>
      %dma_wait3A_340 = arith.constant 0 : i32
      %dma_wait3A_341 = arith.constant 0 : i32
      %dma_wait3A_342 = tpu.memref_slice %arg2[%dma_wait3A_340, %dma_wait3A_341] : memref<64x1000000xf32, #tpu.memory_space<hbm>> -> memref<64x128xf32, #tpu.memory_space<hbm>>
      %dma_wait3A_343 = arith.constant 0 : i32
      %dma_wait3A_344 = arith.constant 0 : i32
      %dma_wait3A_345 = tpu.memref_slice %arg6[%dma_wait3A_335, %dma_wait3A_343, %dma_wait3A_344] : memref<8x64x128xf32, #tpu.memory_space<vmem>> -> memref<1x64x128xf32, #tpu.memory_space<vmem>>
      %dma_wait3A_346 = tpu.memref_squeeze %dma_wait3A_345 : memref<1x64x128xf32, #tpu.memory_space<vmem>> -> memref<64x128xf32, #tpu.memory_space<vmem>>
      %dma_wait3A_347 = arith.constant 0 : i32
      %dma_wait3A_348 = arith.constant 0 : i32
      %dma_wait3A_349 = tpu.memref_slice %arg2[%dma_wait3A_347, %dma_wait3A_348] : memref<64x1000000xf32, #tpu.memory_space<hbm>> -> memref<64x128xf32, #tpu.memory_space<hbm>>
      tpu.wait_dma2 semaphore(%arg8 : memref<!tpu.dma_semaphore, #tpu.memory_space<semaphore_mem>>) src(%dma_wait3A_349 : memref<64x128xf32, #tpu.memory_space<hbm>>) dst(%dma_wait3A_346 : memref<64x128xf32, #tpu.memory_space<vmem>>)
      %slice3A_350 = vector.extract_strided_slice %get3A_318 {offsets = [0], sizes = [1], strides = [1]} : vector<16xi32> to vector<1xi32>
      %squeeze3A_351 = vector.extract %slice3A_350[0] : i32 from vector<1xi32>
      %add3A_352 = arith.constant 0 : i32
      %add3A_353 = arith.addi %mul3A_334, %add3A_352 : i32
      %and3A_354 = arith.constant 127 : i32
      %and3A_355 = arith.andi %squeeze3A_351, %and3A_354 : i32
      %broadcast_in_dim3A = vector.broadcast %and3A_355 : i32 to vector<16xi32>
      %broadcast_in_dim3A_356 = vector.broadcast %add3A_353 : i32 to vector<16xi32>
      %add3A_357 = arith.constant 0 : i32
      %add3A_358 = vector.broadcast %add3A_357 : i32 to vector<16xi32>
      %add3A_359 = arith.addi %iota3A, %add3A_358 : vector<16xi32>
      %gather3A = arith.constant 0 : i32
      %gather3A_360 = arith.constant 0 : i32
      %gather3A_361 = arith.constant 0 : i32
      %gather3A_362 = tpu.memref_slice %arg6[%gather3A, %gather3A_360, %gather3A_361] : memref<8x64x128xf32, #tpu.memory_space<vmem>> -> memref<1x64x128xf32, #tpu.memory_space<vmem>>
      %gather3A_363 = tpu.memref_squeeze %gather3A_362 : memref<1x64x128xf32, #tpu.memory_space<vmem>> -> memref<64x128xf32, #tpu.memory_space<vmem>>
      %gather3A_364 = tpu.vector_load_idx %gather3A_363[%add3A_359, %broadcast_in_dim3A] : memref<64x128xf32, #tpu.memory_space<vmem>>[vector<16xi32>, vector<16xi32>], vector<16xf32>,
      tpu.vector_store_idx %arg7[%add3A_359, %broadcast_in_dim3A_356], %gather3A_364 : memref<64x128xf32, #tpu.memory_space<vmem>>[vector<16xi32>, vector<16xi32>], vector<16xf32>,
      %add3A_365 = arith.constant 16 : i32
      %add3A_366 = vector.broadcast %add3A_365 : i32 to vector<16xi32>
      %add3A_367 = arith.addi %iota3A, %add3A_366 : vector<16xi32>
      %gather3A_368 = arith.constant 0 : i32
      %gather3A_369 = arith.constant 0 : i32
      %gather3A_370 = arith.constant 0 : i32
      %gather3A_371 = tpu.memref_slice %arg6[%gather3A_368, %gather3A_369, %gather3A_370] : memref<8x64x128xf32, #tpu.memory_space<vmem>> -> memref<1x64x128xf32, #tpu.memory_space<vmem>>
      %gather3A_372 = tpu.memref_squeeze %gather3A_371 : memref<1x64x128xf32, #tpu.memory_space<vmem>> -> memref<64x128xf32, #tpu.memory_space<vmem>>
      %gather3A_373 = tpu.vector_load_idx %gather3A_372[%add3A_367, %broadcast_in_dim3A] : memref<64x128xf32, #tpu.memory_space<vmem>>[vector<16xi32>, vector<16xi32>], vector<16xf32>,
      tpu.vector_store_idx %arg7[%add3A_367, %broadcast_in_dim3A_356], %gather3A_373 : memref<64x128xf32, #tpu.memory_space<vmem>>[vector<16xi32>, vector<16xi32>], vector<16xf32>,
      %add3A_374 = arith.constant 32 : i32
      %add3A_375 = vector.broadcast %add3A_374 : i32 to vector<16xi32>
      %add3A_376 = arith.addi %iota3A, %add3A_375 : vector<16xi32>
      %gather3A_377 = arith.constant 0 : i32
      %gather3A_378 = arith.constant 0 : i32
      %gather3A_379 = arith.constant 0 : i32
      %gather3A_380 = tpu.memref_slice %arg6[%gather3A_377, %gather3A_378, %gather3A_379] : memref<8x64x128xf32, #tpu.memory_space<vmem>> -> memref<1x64x128xf32, #tpu.memory_space<vmem>>
      %gather3A_381 = tpu.memref_squeeze %gather3A_380 : memref<1x64x128xf32, #tpu.memory_space<vmem>> -> memref<64x128xf32, #tpu.memory_space<vmem>>
      %gather3A_382 = tpu.vector_load_idx %gather3A_381[%add3A_376, %broadcast_in_dim3A] : memref<64x128xf32, #tpu.memory_space<vmem>>[vector<16xi32>, vector<16xi32>], vector<16xf32>,
      tpu.vector_store_idx %arg7[%add3A_376, %broadcast_in_dim3A_356], %gather3A_382 : memref<64x128xf32, #tpu.memory_space<vmem>>[vector<16xi32>, vector<16xi32>], vector<16xf32>,
      %add3A_383 = arith.constant 48 : i32
      %add3A_384 = vector.broadcast %add3A_383 : i32 to vector<16xi32>
      %add3A_385 = arith.addi %iota3A, %add3A_384 : vector<16xi32>
      %gather3A_386 = arith.constant 0 : i32
      %gather3A_387 = arith.constant 0 : i32
      %gather3A_388 = arith.constant 0 : i32
      %gather3A_389 = tpu.memref_slice %arg6[%gather3A_386, %gather3A_387, %gather3A_388] : memref<8x64x128xf32, #tpu.memory_space<vmem>> -> memref<1x64x128xf32, #tpu.memory_space<vmem>>
      %gather3A_390 = tpu.memref_squeeze %gather3A_389 : memref<1x64x128xf32, #tpu.memory_space<vmem>> -> memref<64x128xf32, #tpu.memory_space<vmem>>
      %gather3A_391 = tpu.vector_load_idx %gather3A_390[%add3A_385, %broadcast_in_dim3A] : memref<64x128xf32, #tpu.memory_space<vmem>>[vector<16xi32>, vector<16xi32>], vector<16xf32>,
      tpu.vector_store_idx %arg7[%add3A_385, %broadcast_in_dim3A_356], %gather3A_391 : memref<64x128xf32, #tpu.memory_space<vmem>>[vector<16xi32>, vector<16xi32>], vector<16xf32>,
      %slice3A_392 = vector.extract_strided_slice %get3A_318 {offsets = [8], sizes = [1], strides = [1]} : vector<16xi32> to vector<1xi32>
      %squeeze3A_393 = vector.extract %slice3A_392[0] : i32 from vector<1xi32>
      %shift_right_arithmetic3A_394 = arith.constant 7 : i32
      %shift_right_arithmetic3A_395 = arith.shrsi %squeeze3A_393, %shift_right_arithmetic3A_394 : i32
      %mul3A_396 = arith.constant 128 : i32
      %mul3A_397 = arith.muli %shift_right_arithmetic3A_395, %mul3A_396 : i32
      %jit3A_398 = arith.constant 0 : i32
      %jit3A_399 = arith.constant 999936 : i32
      %max3A_400 = arith.maxsi %jit3A_398, %mul3A_397 : i32
      %min3A_401 = arith.minsi %jit3A_399, %max3A_400 : i32
      %multiple_of3A_402 = tpu.assume_multiple %min3A_401, 128 : i32
      %dma_start3A_403 = arith.constant 0 : i32
      %dma_start3A_404 = arith.constant 0 : i32
      %dma_start3A_405 = arith.constant 0 : i32
      %dma_start3A_406 = tpu.memref_slice %arg6[%dma_start3A_403, %dma_start3A_404, %dma_start3A_405] : memref<8x64x128xf32, #tpu.memory_space<vmem>> -> memref<1x64x128xf32, #tpu.memory_space<vmem>>
      %dma_start3A_407 = tpu.memref_squeeze %dma_start3A_406 : memref<1x64x128xf32, #tpu.memory_space<vmem>> -> memref<64x128xf32, #tpu.memory_space<vmem>>
      %dma_start3A_408 = arith.constant 0 : i32
      %dma_start3A_409 = tpu.memref_slice %arg2[%dma_start3A_408, %multiple_of3A_402] : memref<64x1000000xf32, #tpu.memory_space<hbm>> -> memref<64x128xf32, #tpu.memory_space<hbm>>
      %dma_start3A_410 = arith.constant 0 : i32
      %dma_start3A_411 = arith.constant 0 : i32
      %dma_start3A_412 = tpu.memref_slice %arg6[%dma_start3A_403, %dma_start3A_410, %dma_start3A_411] : memref<8x64x128xf32, #tpu.memory_space<vmem>> -> memref<1x64x128xf32, #tpu.memory_space<vmem>>
      %dma_start3A_413 = tpu.memref_squeeze %dma_start3A_412 : memref<1x64x128xf32, #tpu.memory_space<vmem>> -> memref<64x128xf32, #tpu.memory_space<vmem>>
      %dma_start3A_414 = arith.constant 0 : i32
      %dma_start3A_415 = tpu.memref_slice %arg2[%dma_start3A_414, %multiple_of3A_402] : memref<64x1000000xf32, #tpu.memory_space<hbm>> -> memref<64x128xf32, #tpu.memory_space<hbm>>
      tpu.enqueue_dma source(%dma_start3A_415 : memref<64x128xf32, #tpu.memory_space<hbm>>) target(%dma_start3A_413 : memref<64x128xf32, #tpu.memory_space<vmem>>) target_semaphore(%arg8 : memref<!tpu.dma_semaphore, #tpu.memory_space<semaphore_mem>>)
      %dma_wait3A_416 = arith.constant 1 : i32
      %dma_wait3A_417 = arith.constant 0 : i32
      %dma_wait3A_418 = arith.constant 0 : i32
      %dma_wait3A_419 = tpu.memref_slice %arg6[%dma_wait3A_416, %dma_wait3A_417, %dma_wait3A_418] : memref<8x64x128xf32, #tpu.memory_space<vmem>> -> memref<1x64x128xf32, #tpu.memory_space<vmem>>
      %dma_wait3A_420 = tpu.memref_squeeze %dma_wait3A_419 : memref<1x64x128xf32, #tpu.memory_space<vmem>> -> memref<64x128xf32, #tpu.memory_space<vmem>>
      %dma_wait3A_421 = arith.constant 0 : i32
      %dma_wait3A_422 = arith.constant 0 : i32
      %dma_wait3A_423 = tpu.memref_slice %arg2[%dma_wait3A_421, %dma_wait3A_422] : memref<64x1000000xf32, #tpu.memory_space<hbm>> -> memref<64x128xf32, #tpu.memory_space<hbm>>
      %dma_wait3A_424 = arith.constant 0 : i32
      %dma_wait3A_425 = arith.constant 0 : i32
      %dma_wait3A_426 = tpu.memref_slice %arg6[%dma_wait3A_416, %dma_wait3A_424, %dma_wait3A_425] : memref<8x64x128xf32, #tpu.memory_space<vmem>> -> memref<1x64x128xf32, #tpu.memory_space<vmem>>
      %dma_wait3A_427 = tpu.memref_squeeze %dma_wait3A_426 : memref<1x64x128xf32, #tpu.memory_space<vmem>> -> memref<64x128xf32, #tpu.memory_space<vmem>>
      %dma_wait3A_428 = arith.constant 0 : i32
      %dma_wait3A_429 = arith.constant 0 : i32
      %dma_wait3A_430 = tpu.memref_slice %arg2[%dma_wait3A_428, %dma_wait3A_429] : memref<64x1000000xf32, #tpu.memory_space<hbm>> -> memref<64x128xf32, #tpu.memory_space<hbm>>
      tpu.wait_dma2 semaphore(%arg9 : memref<!tpu.dma_semaphore, #tpu.memory_space<semaphore_mem>>) src(%dma_wait3A_430 : memref<64x128xf32, #tpu.memory_space<hbm>>) dst(%dma_wait3A_427 : memref<64x128xf32, #tpu.memory_space<vmem>>)
      %slice3A_431 = vector.extract_strided_slice %get3A_318 {offsets = [1], sizes = [1], strides = [1]} : vector<16xi32> to vector<1xi32>
      %squeeze3A_432 = vector.extract %slice3A_431[0] : i32 from vector<1xi32>
      %add3A_433 = arith.constant 1 : i32
      %add3A_434 = arith.addi %mul3A_334, %add3A_433 : i32
      %and3A_435 = arith.constant 127 : i32
      %and3A_436 = arith.andi %squeeze3A_432, %and3A_435 : i32
      %broadcast_in_dim3A_437 = vector.broadcast %and3A_436 : i32 to vector<16xi32>
      %broadcast_in_dim3A_438 = vector.broadcast %add3A_434 : i32 to vector<16xi32>
      %add3A_439 = arith.constant 0 : i32
      %add3A_440 = vector.broadcast %add3A_439 : i32 to vector<16xi32>
      %add3A_441 = arith.addi %iota3A, %add3A_440 : vector<16xi32>
      %gather3A_442 = arith.constant 1 : i32
      %gather3A_443 = arith.constant 0 : i32
      %gather3A_444 = arith.constant 0 : i32
      %gather3A_445 = tpu.memref_slice %arg6[%gather3A_442, %gather3A_443, %gather3A_444] : memref<8x64x128xf32, #tpu.memory_space<vmem>> -> memref<1x64x128xf32, #tpu.memory_space<vmem>>
      %gather3A_446 = tpu.memref_squeeze %gather3A_445 : memref<1x64x128xf32, #tpu.memory_space<vmem>> -> memref<64x128xf32, #tpu.memory_space<vmem>>
      %gather3A_447 = tpu.vector_load_idx %gather3A_446[%add3A_441, %broadcast_in_dim3A_437] : memref<64x128xf32, #tpu.memory_space<vmem>>[vector<16xi32>, vector<16xi32>], vector<16xf32>,
      tpu.vector_store_idx %arg7[%add3A_441, %broadcast_in_dim3A_438], %gather3A_447 : memref<64x128xf32, #tpu.memory_space<vmem>>[vector<16xi32>, vector<16xi32>], vector<16xf32>,
      %add3A_448 = arith.constant 16 : i32
      %add3A_449 = vector.broadcast %add3A_448 : i32 to vector<16xi32>
      %add3A_450 = arith.addi %iota3A, %add3A_449 : vector<16xi32>
      %gather3A_451 = arith.constant 1 : i32
      %gather3A_452 = arith.constant 0 : i32
      %gather3A_453 = arith.constant 0 : i32
      %gather3A_454 = tpu.memref_slice %arg6[%gather3A_451, %gather3A_452, %gather3A_453] : memref<8x64x128xf32, #tpu.memory_space<vmem>> -> memref<1x64x128xf32, #tpu.memory_space<vmem>>
      %gather3A_455 = tpu.memref_squeeze %gather3A_454 : memref<1x64x128xf32, #tpu.memory_space<vmem>> -> memref<64x128xf32, #tpu.memory_space<vmem>>
      %gather3A_456 = tpu.vector_load_idx %gather3A_455[%add3A_450, %broadcast_in_dim3A_437] : memref<64x128xf32, #tpu.memory_space<vmem>>[vector<16xi32>, vector<16xi32>], vector<16xf32>,
      tpu.vector_store_idx %arg7[%add3A_450, %broadcast_in_dim3A_438], %gather3A_456 : memref<64x128xf32, #tpu.memory_space<vmem>>[vector<16xi32>, vector<16xi32>], vector<16xf32>,
      %add3A_457 = arith.constant 32 : i32
      %add3A_458 = vector.broadcast %add3A_457 : i32 to vector<16xi32>
      %add3A_459 = arith.addi %iota3A, %add3A_458 : vector<16xi32>
      %gather3A_460 = arith.constant 1 : i32
      %gather3A_461 = arith.constant 0 : i32
      %gather3A_462 = arith.constant 0 : i32
      %gather3A_463 = tpu.memref_slice %arg6[%gather3A_460, %gather3A_461, %gather3A_462] : memref<8x64x128xf32, #tpu.memory_space<vmem>> -> memref<1x64x128xf32, #tpu.memory_space<vmem>>
      %gather3A_464 = tpu.memref_squeeze %gather3A_463 : memref<1x64x128xf32, #tpu.memory_space<vmem>> -> memref<64x128xf32, #tpu.memory_space<vmem>>
      %gather3A_465 = tpu.vector_load_idx %gather3A_464[%add3A_459, %broadcast_in_dim3A_437] : memref<64x128xf32, #tpu.memory_space<vmem>>[vector<16xi32>, vector<16xi32>], vector<16xf32>,
      tpu.vector_store_idx %arg7[%add3A_459, %broadcast_in_dim3A_438], %gather3A_465 : memref<64x128xf32, #tpu.memory_space<vmem>>[vector<16xi32>, vector<16xi32>], vector<16xf32>,
      %add3A_466 = arith.constant 48 : i32
      %add3A_467 = vector.broadcast %add3A_466 : i32 to vector<16xi32>
      %add3A_468 = arith.addi %iota3A, %add3A_467 : vector<16xi32>
      %gather3A_469 = arith.constant 1 : i32
      %gather3A_470 = arith.constant 0 : i32
      %gather3A_471 = arith.constant 0 : i32
      %gather3A_472 = tpu.memref_slice %arg6[%gather3A_469, %gather3A_470, %gather3A_471] : memref<8x64x128xf32, #tpu.memory_space<vmem>> -> memref<1x64x128xf32, #tpu.memory_space<vmem>>
      %gather3A_473 = tpu.memref_squeeze %gather3A_472 : memref<1x64x128xf32, #tpu.memory_space<vmem>> -> memref<64x128xf32, #tpu.memory_space<vmem>>
      %gather3A_474 = tpu.vector_load_idx %gather3A_473[%add3A_468, %broadcast_in_dim3A_437] : memref<64x128xf32, #tpu.memory_space<vmem>>[vector<16xi32>, vector<16xi32>], vector<16xf32>,
      tpu.vector_store_idx %arg7[%add3A_468, %broadcast_in_dim3A_438], %gather3A_474 : memref<64x128xf32, #tpu.memory_space<vmem>>[vector<16xi32>, vector<16xi32>], vector<16xf32>,
      %slice3A_475 = vector.extract_strided_slice %get3A_318 {offsets = [9], sizes = [1], strides = [1]} : vector<16xi32> to vector<1xi32>
      %squeeze3A_476 = vector.extract %slice3A_475[0] : i32 from vector<1xi32>
      %shift_right_arithmetic3A_477 = arith.constant 7 : i32
      %shift_right_arithmetic3A_478 = arith.shrsi %squeeze3A_476, %shift_right_arithmetic3A_477 : i32
      %mul3A_479 = arith.constant 128 : i32
      %mul3A_480 = arith.muli %shift_right_arithmetic3A_478, %mul3A_479 : i32
      %jit3A_481 = arith.constant 0 : i32
      %jit3A_482 = arith.constant 999936 : i32
      %max3A_483 = arith.maxsi %jit3A_481, %mul3A_480 : i32
      %min3A_484 = arith.minsi %jit3A_482, %max3A_483 : i32
      %multiple_of3A_485 = tpu.assume_multiple %min3A_484, 128 : i32
      %dma_start3A_486 = arith.constant 1 : i32
      %dma_start3A_487 = arith.constant 0 : i32
      %dma_start3A_488 = arith.constant 0 : i32
      %dma_start3A_489 = tpu.memref_slice %arg6[%dma_start3A_486, %dma_start3A_487, %dma_start3A_488] : memref<8x64x128xf32, #tpu.memory_space<vmem>> -> memref<1x64x128xf32, #tpu.memory_space<vmem>>
      %dma_start3A_490 = tpu.memref_squeeze %dma_start3A_489 : memref<1x64x128xf32, #tpu.memory_space<vmem>> -> memref<64x128xf32, #tpu.memory_space<vmem>>
      %dma_start3A_491 = arith.constant 0 : i32
      %dma_start3A_492 = tpu.memref_slice %arg2[%dma_start3A_491, %multiple_of3A_485] : memref<64x1000000xf32, #tpu.memory_space<hbm>> -> memref<64x128xf32, #tpu.memory_space<hbm>>
      %dma_start3A_493 = arith.constant 0 : i32
      %dma_start3A_494 = arith.constant 0 : i32
      %dma_start3A_495 = tpu.memref_slice %arg6[%dma_start3A_486, %dma_start3A_493, %dma_start3A_494] : memref<8x64x128xf32, #tpu.memory_space<vmem>> -> memref<1x64x128xf32, #tpu.memory_space<vmem>>
      %dma_start3A_496 = tpu.memref_squeeze %dma_start3A_495 : memref<1x64x128xf32, #tpu.memory_space<vmem>> -> memref<64x128xf32, #tpu.memory_space<vmem>>
      %dma_start3A_497 = arith.constant 0 : i32
      %dma_start3A_498 = tpu.memref_slice %arg2[%dma_start3A_497, %multiple_of3A_485] : memref<64x1000000xf32, #tpu.memory_space<hbm>> -> memref<64x128xf32, #tpu.memory_space<hbm>>
      tpu.enqueue_dma source(%dma_start3A_498 : memref<64x128xf32, #tpu.memory_space<hbm>>) target(%dma_start3A_496 : memref<64x128xf32, #tpu.memory_space<vmem>>) target_semaphore(%arg9 : memref<!tpu.dma_semaphore, #tpu.memory_space<semaphore_mem>>)
      %dma_wait3A_499 = arith.constant 2 : i32
      %dma_wait3A_500 = arith.constant 0 : i32
      %dma_wait3A_501 = arith.constant 0 : i32
      %dma_wait3A_502 = tpu.memref_slice %arg6[%dma_wait3A_499, %dma_wait3A_500, %dma_wait3A_501] : memref<8x64x128xf32, #tpu.memory_space<vmem>> -> memref<1x64x128xf32, #tpu.memory_space<vmem>>
      %dma_wait3A_503 = tpu.memref_squeeze %dma_wait3A_502 : memref<1x64x128xf32, #tpu.memory_space<vmem>> -> memref<64x128xf32, #tpu.memory_space<vmem>>
      %dma_wait3A_504 = arith.constant 0 : i32
      %dma_wait3A_505 = arith.constant 0 : i32
      %dma_wait3A_506 = tpu.memref_slice %arg2[%dma_wait3A_504, %dma_wait3A_505] : memref<64x1000000xf32, #tpu.memory_space<hbm>> -> memref<64x128xf32, #tpu.memory_space<hbm>>
      %dma_wait3A_507 = arith.constant 0 : i32
      %dma_wait3A_508 = arith.constant 0 : i32
      %dma_wait3A_509 = tpu.memref_slice %arg6[%dma_wait3A_499, %dma_wait3A_507, %dma_wait3A_508] : memref<8x64x128xf32, #tpu.memory_space<vmem>> -> memref<1x64x128xf32, #tpu.memory_space<vmem>>
      %dma_wait3A_510 = tpu.memref_squeeze %dma_wait3A_509 : memref<1x64x128xf32, #tpu.memory_space<vmem>> -> memref<64x128xf32, #tpu.memory_space<vmem>>
      %dma_wait3A_511 = arith.constant 0 : i32
      %dma_wait3A_512 = arith.constant 0 : i32
      %dma_wait3A_513 = tpu.memref_slice %arg2[%dma_wait3A_511, %dma_wait3A_512] : memref<64x1000000xf32, #tpu.memory_space<hbm>> -> memref<64x128xf32, #tpu.memory_space<hbm>>
      tpu.wait_dma2 semaphore(%arg10 : memref<!tpu.dma_semaphore, #tpu.memory_space<semaphore_mem>>) src(%dma_wait3A_513 : memref<64x128xf32, #tpu.memory_space<hbm>>) dst(%dma_wait3A_510 : memref<64x128xf32, #tpu.memory_space<vmem>>)
      %slice3A_514 = vector.extract_strided_slice %get3A_318 {offsets = [2], sizes = [1], strides = [1]} : vector<16xi32> to vector<1xi32>
      %squeeze3A_515 = vector.extract %slice3A_514[0] : i32 from vector<1xi32>
      %add3A_516 = arith.constant 2 : i32
      %add3A_517 = arith.addi %mul3A_334, %add3A_516 : i32
      %and3A_518 = arith.constant 127 : i32
      %and3A_519 = arith.andi %squeeze3A_515, %and3A_518 : i32
      %broadcast_in_dim3A_520 = vector.broadcast %and3A_519 : i32 to vector<16xi32>
      %broadcast_in_dim3A_521 = vector.broadcast %add3A_517 : i32 to vector<16xi32>
      %add3A_522 = arith.constant 0 : i32
      %add3A_523 = vector.broadcast %add3A_522 : i32 to vector<16xi32>
      %add3A_524 = arith.addi %iota3A, %add3A_523 : vector<16xi32>
      %gather3A_525 = arith.constant 2 : i32
      %gather3A_526 = arith.constant 0 : i32
      %gather3A_527 = arith.constant 0 : i32
      %gather3A_528 = tpu.memref_slice %arg6[%gather3A_525, %gather3A_526, %gather3A_527] : memref<8x64x128xf32, #tpu.memory_space<vmem>> -> memref<1x64x128xf32, #tpu.memory_space<vmem>>
      %gather3A_529 = tpu.memref_squeeze %gather3A_528 : memref<1x64x128xf32, #tpu.memory_space<vmem>> -> memref<64x128xf32, #tpu.memory_space<vmem>>
      %gather3A_530 = tpu.vector_load_idx %gather3A_529[%add3A_524, %broadcast_in_dim3A_520] : memref<64x128xf32, #tpu.memory_space<vmem>>[vector<16xi32>, vector<16xi32>], vector<16xf32>,
      tpu.vector_store_idx %arg7[%add3A_524, %broadcast_in_dim3A_521], %gather3A_530 : memref<64x128xf32, #tpu.memory_space<vmem>>[vector<16xi32>, vector<16xi32>], vector<16xf32>,
      %add3A_531 = arith.constant 16 : i32
      %add3A_532 = vector.broadcast %add3A_531 : i32 to vector<16xi32>
      %add3A_533 = arith.addi %iota3A, %add3A_532 : vector<16xi32>
      %gather3A_534 = arith.constant 2 : i32
      %gather3A_535 = arith.constant 0 : i32
      %gather3A_536 = arith.constant 0 : i32
      %gather3A_537 = tpu.memref_slice %arg6[%gather3A_534, %gather3A_535, %gather3A_536] : memref<8x64x128xf32, #tpu.memory_space<vmem>> -> memref<1x64x128xf32, #tpu.memory_space<vmem>>
      %gather3A_538 = tpu.memref_squeeze %gather3A_537 : memref<1x64x128xf32, #tpu.memory_space<vmem>> -> memref<64x128xf32, #tpu.memory_space<vmem>>
      %gather3A_539 = tpu.vector_load_idx %gather3A_538[%add3A_533, %broadcast_in_dim3A_520] : memref<64x128xf32, #tpu.memory_space<vmem>>[vector<16xi32>, vector<16xi32>], vector<16xf32>,
      tpu.vector_store_idx %arg7[%add3A_533, %broadcast_in_dim3A_521], %gather3A_539 : memref<64x128xf32, #tpu.memory_space<vmem>>[vector<16xi32>, vector<16xi32>], vector<16xf32>,
      %add3A_540 = arith.constant 32 : i32
      %add3A_541 = vector.broadcast %add3A_540 : i32 to vector<16xi32>
      %add3A_542 = arith.addi %iota3A, %add3A_541 : vector<16xi32>
      %gather3A_543 = arith.constant 2 : i32
      %gather3A_544 = arith.constant 0 : i32
      %gather3A_545 = arith.constant 0 : i32
      %gather3A_546 = tpu.memref_slice %arg6[%gather3A_543, %gather3A_544, %gather3A_545] : memref<8x64x128xf32, #tpu.memory_space<vmem>> -> memref<1x64x128xf32, #tpu.memory_space<vmem>>
      %gather3A_547 = tpu.memref_squeeze %gather3A_546 : memref<1x64x128xf32, #tpu.memory_space<vmem>> -> memref<64x128xf32, #tpu.memory_space<vmem>>
      %gather3A_548 = tpu.vector_load_idx %gather3A_547[%add3A_542, %broadcast_in_dim3A_520] : memref<64x128xf32, #tpu.memory_space<vmem>>[vector<16xi32>, vector<16xi32>], vector<16xf32>,
      tpu.vector_store_idx %arg7[%add3A_542, %broadcast_in_dim3A_521], %gather3A_548 : memref<64x128xf32, #tpu.memory_space<vmem>>[vector<16xi32>, vector<16xi32>], vector<16xf32>,
      %add3A_549 = arith.constant 48 : i32
      %add3A_550 = vector.broadcast %add3A_549 : i32 to vector<16xi32>
      %add3A_551 = arith.addi %iota3A, %add3A_550 : vector<16xi32>
      %gather3A_552 = arith.constant 2 : i32
      %gather3A_553 = arith.constant 0 : i32
      %gather3A_554 = arith.constant 0 : i32
      %gather3A_555 = tpu.memref_slice %arg6[%gather3A_552, %gather3A_553, %gather3A_554] : memref<8x64x128xf32, #tpu.memory_space<vmem>> -> memref<1x64x128xf32, #tpu.memory_space<vmem>>
      %gather3A_556 = tpu.memref_squeeze %gather3A_555 : memref<1x64x128xf32, #tpu.memory_space<vmem>> -> memref<64x128xf32, #tpu.memory_space<vmem>>
      %gather3A_557 = tpu.vector_load_idx %gather3A_556[%add3A_551, %broadcast_in_dim3A_520] : memref<64x128xf32, #tpu.memory_space<vmem>>[vector<16xi32>, vector<16xi32>], vector<16xf32>,
      tpu.vector_store_idx %arg7[%add3A_551, %broadcast_in_dim3A_521], %gather3A_557 : memref<64x128xf32, #tpu.memory_space<vmem>>[vector<16xi32>, vector<16xi32>], vector<16xf32>,
      %slice3A_558 = vector.extract_strided_slice %get3A_318 {offsets = [10], sizes = [1], strides = [1]} : vector<16xi32> to vector<1xi32>
      %squeeze3A_559 = vector.extract %slice3A_558[0] : i32 from vector<1xi32>
      %shift_right_arithmetic3A_560 = arith.constant 7 : i32
      %shift_right_arithmetic3A_561 = arith.shrsi %squeeze3A_559, %shift_right_arithmetic3A_560 : i32
      %mul3A_562 = arith.constant 128 : i32
      %mul3A_563 = arith.muli %shift_right_arithmetic3A_561, %mul3A_562 : i32
      %jit3A_564 = arith.constant 0 : i32
      %jit3A_565 = arith.constant 999936 : i32
      %max3A_566 = arith.maxsi %jit3A_564, %mul3A_563 : i32
      %min3A_567 = arith.minsi %jit3A_565, %max3A_566 : i32
      %multiple_of3A_568 = tpu.assume_multiple %min3A_567, 128 : i32
      %dma_start3A_569 = arith.constant 2 : i32
      %dma_start3A_570 = arith.constant 0 : i32
      %dma_start3A_571 = arith.constant 0 : i32
      %dma_start3A_572 = tpu.memref_slice %arg6[%dma_start3A_569, %dma_start3A_570, %dma_start3A_571] : memref<8x64x128xf32, #tpu.memory_space<vmem>> -> memref<1x64x128xf32, #tpu.memory_space<vmem>>
      %dma_start3A_573 = tpu.memref_squeeze %dma_start3A_572 : memref<1x64x128xf32, #tpu.memory_space<vmem>> -> memref<64x128xf32, #tpu.memory_space<vmem>>
      %dma_start3A_574 = arith.constant 0 : i32
      %dma_start3A_575 = tpu.memref_slice %arg2[%dma_start3A_574, %multiple_of3A_568] : memref<64x1000000xf32, #tpu.memory_space<hbm>> -> memref<64x128xf32, #tpu.memory_space<hbm>>
      %dma_start3A_576 = arith.constant 0 : i32
      %dma_start3A_577 = arith.constant 0 : i32
      %dma_start3A_578 = tpu.memref_slice %arg6[%dma_start3A_569, %dma_start3A_576, %dma_start3A_577] : memref<8x64x128xf32, #tpu.memory_space<vmem>> -> memref<1x64x128xf32, #tpu.memory_space<vmem>>
      %dma_start3A_579 = tpu.memref_squeeze %dma_start3A_578 : memref<1x64x128xf32, #tpu.memory_space<vmem>> -> memref<64x128xf32, #tpu.memory_space<vmem>>
      %dma_start3A_580 = arith.constant 0 : i32
      %dma_start3A_581 = tpu.memref_slice %arg2[%dma_start3A_580, %multiple_of3A_568] : memref<64x1000000xf32, #tpu.memory_space<hbm>> -> memref<64x128xf32, #tpu.memory_space<hbm>>
      tpu.enqueue_dma source(%dma_start3A_581 : memref<64x128xf32, #tpu.memory_space<hbm>>) target(%dma_start3A_579 : memref<64x128xf32, #tpu.memory_space<vmem>>) target_semaphore(%arg10 : memref<!tpu.dma_semaphore, #tpu.memory_space<semaphore_mem>>)
      %dma_wait3A_582 = arith.constant 3 : i32
      %dma_wait3A_583 = arith.constant 0 : i32
      %dma_wait3A_584 = arith.constant 0 : i32
      %dma_wait3A_585 = tpu.memref_slice %arg6[%dma_wait3A_582, %dma_wait3A_583, %dma_wait3A_584] : memref<8x64x128xf32, #tpu.memory_space<vmem>> -> memref<1x64x128xf32, #tpu.memory_space<vmem>>
      %dma_wait3A_586 = tpu.memref_squeeze %dma_wait3A_585 : memref<1x64x128xf32, #tpu.memory_space<vmem>> -> memref<64x128xf32, #tpu.memory_space<vmem>>
      %dma_wait3A_587 = arith.constant 0 : i32
      %dma_wait3A_588 = arith.constant 0 : i32
      %dma_wait3A_589 = tpu.memref_slice %arg2[%dma_wait3A_587, %dma_wait3A_588] : memref<64x1000000xf32, #tpu.memory_space<hbm>> -> memref<64x128xf32, #tpu.memory_space<hbm>>
      %dma_wait3A_590 = arith.constant 0 : i32
      %dma_wait3A_591 = arith.constant 0 : i32
      %dma_wait3A_592 = tpu.memref_slice %arg6[%dma_wait3A_582, %dma_wait3A_590, %dma_wait3A_591] : memref<8x64x128xf32, #tpu.memory_space<vmem>> -> memref<1x64x128xf32, #tpu.memory_space<vmem>>
      %dma_wait3A_593 = tpu.memref_squeeze %dma_wait3A_592 : memref<1x64x128xf32, #tpu.memory_space<vmem>> -> memref<64x128xf32, #tpu.memory_space<vmem>>
      %dma_wait3A_594 = arith.constant 0 : i32
      %dma_wait3A_595 = arith.constant 0 : i32
      %dma_wait3A_596 = tpu.memref_slice %arg2[%dma_wait3A_594, %dma_wait3A_595] : memref<64x1000000xf32, #tpu.memory_space<hbm>> -> memref<64x128xf32, #tpu.memory_space<hbm>>
      tpu.wait_dma2 semaphore(%arg11 : memref<!tpu.dma_semaphore, #tpu.memory_space<semaphore_mem>>) src(%dma_wait3A_596 : memref<64x128xf32, #tpu.memory_space<hbm>>) dst(%dma_wait3A_593 : memref<64x128xf32, #tpu.memory_space<vmem>>)
      %slice3A_597 = vector.extract_strided_slice %get3A_318 {offsets = [3], sizes = [1], strides = [1]} : vector<16xi32> to vector<1xi32>
      %squeeze3A_598 = vector.extract %slice3A_597[0] : i32 from vector<1xi32>
      %add3A_599 = arith.constant 3 : i32
      %add3A_600 = arith.addi %mul3A_334, %add3A_599 : i32
      %and3A_601 = arith.constant 127 : i32
      %and3A_602 = arith.andi %squeeze3A_598, %and3A_601 : i32
      %broadcast_in_dim3A_603 = vector.broadcast %and3A_602 : i32 to vector<16xi32>
      %broadcast_in_dim3A_604 = vector.broadcast %add3A_600 : i32 to vector<16xi32>
      %add3A_605 = arith.constant 0 : i32
      %add3A_606 = vector.broadcast %add3A_605 : i32 to vector<16xi32>
      %add3A_607 = arith.addi %iota3A, %add3A_606 : vector<16xi32>
      %gather3A_608 = arith.constant 3 : i32
      %gather3A_609 = arith.constant 0 : i32
      %gather3A_610 = arith.constant 0 : i32
      %gather3A_611 = tpu.memref_slice %arg6[%gather3A_608, %gather3A_609, %gather3A_610] : memref<8x64x128xf32, #tpu.memory_space<vmem>> -> memref<1x64x128xf32, #tpu.memory_space<vmem>>
      %gather3A_612 = tpu.memref_squeeze %gather3A_611 : memref<1x64x128xf32, #tpu.memory_space<vmem>> -> memref<64x128xf32, #tpu.memory_space<vmem>>
      %gather3A_613 = tpu.vector_load_idx %gather3A_612[%add3A_607, %broadcast_in_dim3A_603] : memref<64x128xf32, #tpu.memory_space<vmem>>[vector<16xi32>, vector<16xi32>], vector<16xf32>,
      tpu.vector_store_idx %arg7[%add3A_607, %broadcast_in_dim3A_604], %gather3A_613 : memref<64x128xf32, #tpu.memory_space<vmem>>[vector<16xi32>, vector<16xi32>], vector<16xf32>,
      %add3A_614 = arith.constant 16 : i32
      %add3A_615 = vector.broadcast %add3A_614 : i32 to vector<16xi32>
      %add3A_616 = arith.addi %iota3A, %add3A_615 : vector<16xi32>
      %gather3A_617 = arith.constant 3 : i32
      %gather3A_618 = arith.constant 0 : i32
      %gather3A_619 = arith.constant 0 : i32
      %gather3A_620 = tpu.memref_slice %arg6[%gather3A_617, %gather3A_618, %gather3A_619] : memref<8x64x128xf32, #tpu.memory_space<vmem>> -> memref<1x64x128xf32, #tpu.memory_space<vmem>>
      %gather3A_621 = tpu.memref_squeeze %gather3A_620 : memref<1x64x128xf32, #tpu.memory_space<vmem>> -> memref<64x128xf32, #tpu.memory_space<vmem>>
      %gather3A_622 = tpu.vector_load_idx %gather3A_621[%add3A_616, %broadcast_in_dim3A_603] : memref<64x128xf32, #tpu.memory_space<vmem>>[vector<16xi32>, vector<16xi32>], vector<16xf32>,
      tpu.vector_store_idx %arg7[%add3A_616, %broadcast_in_dim3A_604], %gather3A_622 : memref<64x128xf32, #tpu.memory_space<vmem>>[vector<16xi32>, vector<16xi32>], vector<16xf32>,
      %add3A_623 = arith.constant 32 : i32
      %add3A_624 = vector.broadcast %add3A_623 : i32 to vector<16xi32>
      %add3A_625 = arith.addi %iota3A, %add3A_624 : vector<16xi32>
      %gather3A_626 = arith.constant 3 : i32
      %gather3A_627 = arith.constant 0 : i32
      %gather3A_628 = arith.constant 0 : i32
      %gather3A_629 = tpu.memref_slice %arg6[%gather3A_626, %gather3A_627, %gather3A_628] : memref<8x64x128xf32, #tpu.memory_space<vmem>> -> memref<1x64x128xf32, #tpu.memory_space<vmem>>
      %gather3A_630 = tpu.memref_squeeze %gather3A_629 : memref<1x64x128xf32, #tpu.memory_space<vmem>> -> memref<64x128xf32, #tpu.memory_space<vmem>>
      %gather3A_631 = tpu.vector_load_idx %gather3A_630[%add3A_625, %broadcast_in_dim3A_603] : memref<64x128xf32, #tpu.memory_space<vmem>>[vector<16xi32>, vector<16xi32>], vector<16xf32>,
      tpu.vector_store_idx %arg7[%add3A_625, %broadcast_in_dim3A_604], %gather3A_631 : memref<64x128xf32, #tpu.memory_space<vmem>>[vector<16xi32>, vector<16xi32>], vector<16xf32>,
      %add3A_632 = arith.constant 48 : i32
      %add3A_633 = vector.broadcast %add3A_632 : i32 to vector<16xi32>
      %add3A_634 = arith.addi %iota3A, %add3A_633 : vector<16xi32>
      %gather3A_635 = arith.constant 3 : i32
      %gather3A_636 = arith.constant 0 : i32
      %gather3A_637 = arith.constant 0 : i32
      %gather3A_638 = tpu.memref_slice %arg6[%gather3A_635, %gather3A_636, %gather3A_637] : memref<8x64x128xf32, #tpu.memory_space<vmem>> -> memref<1x64x128xf32, #tpu.memory_space<vmem>>
      %gather3A_639 = tpu.memref_squeeze %gather3A_638 : memref<1x64x128xf32, #tpu.memory_space<vmem>> -> memref<64x128xf32, #tpu.memory_space<vmem>>
      %gather3A_640 = tpu.vector_load_idx %gather3A_639[%add3A_634, %broadcast_in_dim3A_603] : memref<64x128xf32, #tpu.memory_space<vmem>>[vector<16xi32>, vector<16xi32>], vector<16xf32>,
      tpu.vector_store_idx %arg7[%add3A_634, %broadcast_in_dim3A_604], %gather3A_640 : memref<64x128xf32, #tpu.memory_space<vmem>>[vector<16xi32>, vector<16xi32>], vector<16xf32>,
      %slice3A_641 = vector.extract_strided_slice %get3A_318 {offsets = [11], sizes = [1], strides = [1]} : vector<16xi32> to vector<1xi32>
      %squeeze3A_642 = vector.extract %slice3A_641[0] : i32 from vector<1xi32>
      %shift_right_arithmetic3A_643 = arith.constant 7 : i32
      %shift_right_arithmetic3A_644 = arith.shrsi %squeeze3A_642, %shift_right_arithmetic3A_643 : i32
      %mul3A_645 = arith.constant 128 : i32
      %mul3A_646 = arith.muli %shift_right_arithmetic3A_644, %mul3A_645 : i32
      %jit3A_647 = arith.constant 0 : i32
      %jit3A_648 = arith.constant 999936 : i32
      %max3A_649 = arith.maxsi %jit3A_647, %mul3A_646 : i32
      %min3A_650 = arith.minsi %jit3A_648, %max3A_649 : i32
      %multiple_of3A_651 = tpu.assume_multiple %min3A_650, 128 : i32
      %dma_start3A_652 = arith.constant 3 : i32
      %dma_start3A_653 = arith.constant 0 : i32
      %dma_start3A_654 = arith.constant 0 : i32
      %dma_start3A_655 = tpu.memref_slice %arg6[%dma_start3A_652, %dma_start3A_653, %dma_start3A_654] : memref<8x64x128xf32, #tpu.memory_space<vmem>> -> memref<1x64x128xf32, #tpu.memory_space<vmem>>
      %dma_start3A_656 = tpu.memref_squeeze %dma_start3A_655 : memref<1x64x128xf32, #tpu.memory_space<vmem>> -> memref<64x128xf32, #tpu.memory_space<vmem>>
      %dma_start3A_657 = arith.constant 0 : i32
      %dma_start3A_658 = tpu.memref_slice %arg2[%dma_start3A_657, %multiple_of3A_651] : memref<64x1000000xf32, #tpu.memory_space<hbm>> -> memref<64x128xf32, #tpu.memory_space<hbm>>
      %dma_start3A_659 = arith.constant 0 : i32
      %dma_start3A_660 = arith.constant 0 : i32
      %dma_start3A_661 = tpu.memref_slice %arg6[%dma_start3A_652, %dma_start3A_659, %dma_start3A_660] : memref<8x64x128xf32, #tpu.memory_space<vmem>> -> memref<1x64x128xf32, #tpu.memory_space<vmem>>
      %dma_start3A_662 = tpu.memref_squeeze %dma_start3A_661 : memref<1x64x128xf32, #tpu.memory_space<vmem>> -> memref<64x128xf32, #tpu.memory_space<vmem>>
      %dma_start3A_663 = arith.constant 0 : i32
      %dma_start3A_664 = tpu.memref_slice %arg2[%dma_start3A_663, %multiple_of3A_651] : memref<64x1000000xf32, #tpu.memory_space<hbm>> -> memref<64x128xf32, #tpu.memory_space<hbm>>
      tpu.enqueue_dma source(%dma_start3A_664 : memref<64x128xf32, #tpu.memory_space<hbm>>) target(%dma_start3A_662 : memref<64x128xf32, #tpu.memory_space<vmem>>) target_semaphore(%arg11 : memref<!tpu.dma_semaphore, #tpu.memory_space<semaphore_mem>>)
      %dma_wait3A_665 = arith.constant 4 : i32
      %dma_wait3A_666 = arith.constant 0 : i32
      %dma_wait3A_667 = arith.constant 0 : i32
      %dma_wait3A_668 = tpu.memref_slice %arg6[%dma_wait3A_665, %dma_wait3A_666, %dma_wait3A_667] : memref<8x64x128xf32, #tpu.memory_space<vmem>> -> memref<1x64x128xf32, #tpu.memory_space<vmem>>
      %dma_wait3A_669 = tpu.memref_squeeze %dma_wait3A_668 : memref<1x64x128xf32, #tpu.memory_space<vmem>> -> memref<64x128xf32, #tpu.memory_space<vmem>>
      %dma_wait3A_670 = arith.constant 0 : i32
      %dma_wait3A_671 = arith.constant 0 : i32
      %dma_wait3A_672 = tpu.memref_slice %arg2[%dma_wait3A_670, %dma_wait3A_671] : memref<64x1000000xf32, #tpu.memory_space<hbm>> -> memref<64x128xf32, #tpu.memory_space<hbm>>
      %dma_wait3A_673 = arith.constant 0 : i32
      %dma_wait3A_674 = arith.constant 0 : i32
      %dma_wait3A_675 = tpu.memref_slice %arg6[%dma_wait3A_665, %dma_wait3A_673, %dma_wait3A_674] : memref<8x64x128xf32, #tpu.memory_space<vmem>> -> memref<1x64x128xf32, #tpu.memory_space<vmem>>
      %dma_wait3A_676 = tpu.memref_squeeze %dma_wait3A_675 : memref<1x64x128xf32, #tpu.memory_space<vmem>> -> memref<64x128xf32, #tpu.memory_space<vmem>>
      %dma_wait3A_677 = arith.constant 0 : i32
      %dma_wait3A_678 = arith.constant 0 : i32
      %dma_wait3A_679 = tpu.memref_slice %arg2[%dma_wait3A_677, %dma_wait3A_678] : memref<64x1000000xf32, #tpu.memory_space<hbm>> -> memref<64x128xf32, #tpu.memory_space<hbm>>
      tpu.wait_dma2 semaphore(%arg12 : memref<!tpu.dma_semaphore, #tpu.memory_space<semaphore_mem>>) src(%dma_wait3A_679 : memref<64x128xf32, #tpu.memory_space<hbm>>) dst(%dma_wait3A_676 : memref<64x128xf32, #tpu.memory_space<vmem>>)
      %slice3A_680 = vector.extract_strided_slice %get3A_318 {offsets = [4], sizes = [1], strides = [1]} : vector<16xi32> to vector<1xi32>
      %squeeze3A_681 = vector.extract %slice3A_680[0] : i32 from vector<1xi32>
      %add3A_682 = arith.constant 4 : i32
      %add3A_683 = arith.addi %mul3A_334, %add3A_682 : i32
      %and3A_684 = arith.constant 127 : i32
      %and3A_685 = arith.andi %squeeze3A_681, %and3A_684 : i32
      %broadcast_in_dim3A_686 = vector.broadcast %and3A_685 : i32 to vector<16xi32>
      %broadcast_in_dim3A_687 = vector.broadcast %add3A_683 : i32 to vector<16xi32>
      %add3A_688 = arith.constant 0 : i32
      %add3A_689 = vector.broadcast %add3A_688 : i32 to vector<16xi32>
      %add3A_690 = arith.addi %iota3A, %add3A_689 : vector<16xi32>
      %gather3A_691 = arith.constant 4 : i32
      %gather3A_692 = arith.constant 0 : i32
      %gather3A_693 = arith.constant 0 : i32
      %gather3A_694 = tpu.memref_slice %arg6[%gather3A_691, %gather3A_692, %gather3A_693] : memref<8x64x128xf32, #tpu.memory_space<vmem>> -> memref<1x64x128xf32, #tpu.memory_space<vmem>>
      %gather3A_695 = tpu.memref_squeeze %gather3A_694 : memref<1x64x128xf32, #tpu.memory_space<vmem>> -> memref<64x128xf32, #tpu.memory_space<vmem>>
      %gather3A_696 = tpu.vector_load_idx %gather3A_695[%add3A_690, %broadcast_in_dim3A_686] : memref<64x128xf32, #tpu.memory_space<vmem>>[vector<16xi32>, vector<16xi32>], vector<16xf32>,
      tpu.vector_store_idx %arg7[%add3A_690, %broadcast_in_dim3A_687], %gather3A_696 : memref<64x128xf32, #tpu.memory_space<vmem>>[vector<16xi32>, vector<16xi32>], vector<16xf32>,
      %add3A_697 = arith.constant 16 : i32
      %add3A_698 = vector.broadcast %add3A_697 : i32 to vector<16xi32>
      %add3A_699 = arith.addi %iota3A, %add3A_698 : vector<16xi32>
      %gather3A_700 = arith.constant 4 : i32
      %gather3A_701 = arith.constant 0 : i32
      %gather3A_702 = arith.constant 0 : i32
      %gather3A_703 = tpu.memref_slice %arg6[%gather3A_700, %gather3A_701, %gather3A_702] : memref<8x64x128xf32, #tpu.memory_space<vmem>> -> memref<1x64x128xf32, #tpu.memory_space<vmem>>
      %gather3A_704 = tpu.memref_squeeze %gather3A_703 : memref<1x64x128xf32, #tpu.memory_space<vmem>> -> memref<64x128xf32, #tpu.memory_space<vmem>>
      %gather3A_705 = tpu.vector_load_idx %gather3A_704[%add3A_699, %broadcast_in_dim3A_686] : memref<64x128xf32, #tpu.memory_space<vmem>>[vector<16xi32>, vector<16xi32>], vector<16xf32>,
      tpu.vector_store_idx %arg7[%add3A_699, %broadcast_in_dim3A_687], %gather3A_705 : memref<64x128xf32, #tpu.memory_space<vmem>>[vector<16xi32>, vector<16xi32>], vector<16xf32>,
      %add3A_706 = arith.constant 32 : i32
      %add3A_707 = vector.broadcast %add3A_706 : i32 to vector<16xi32>
      %add3A_708 = arith.addi %iota3A, %add3A_707 : vector<16xi32>
      %gather3A_709 = arith.constant 4 : i32
      %gather3A_710 = arith.constant 0 : i32
      %gather3A_711 = arith.constant 0 : i32
      %gather3A_712 = tpu.memref_slice %arg6[%gather3A_709, %gather3A_710, %gather3A_711] : memref<8x64x128xf32, #tpu.memory_space<vmem>> -> memref<1x64x128xf32, #tpu.memory_space<vmem>>
      %gather3A_713 = tpu.memref_squeeze %gather3A_712 : memref<1x64x128xf32, #tpu.memory_space<vmem>> -> memref<64x128xf32, #tpu.memory_space<vmem>>
      %gather3A_714 = tpu.vector_load_idx %gather3A_713[%add3A_708, %broadcast_in_dim3A_686] : memref<64x128xf32, #tpu.memory_space<vmem>>[vector<16xi32>, vector<16xi32>], vector<16xf32>,
      tpu.vector_store_idx %arg7[%add3A_708, %broadcast_in_dim3A_687], %gather3A_714 : memref<64x128xf32, #tpu.memory_space<vmem>>[vector<16xi32>, vector<16xi32>], vector<16xf32>,
      %add3A_715 = arith.constant 48 : i32
      %add3A_716 = vector.broadcast %add3A_715 : i32 to vector<16xi32>
      %add3A_717 = arith.addi %iota3A, %add3A_716 : vector<16xi32>
      %gather3A_718 = arith.constant 4 : i32
      %gather3A_719 = arith.constant 0 : i32
      %gather3A_720 = arith.constant 0 : i32
      %gather3A_721 = tpu.memref_slice %arg6[%gather3A_718, %gather3A_719, %gather3A_720] : memref<8x64x128xf32, #tpu.memory_space<vmem>> -> memref<1x64x128xf32, #tpu.memory_space<vmem>>
      %gather3A_722 = tpu.memref_squeeze %gather3A_721 : memref<1x64x128xf32, #tpu.memory_space<vmem>> -> memref<64x128xf32, #tpu.memory_space<vmem>>
      %gather3A_723 = tpu.vector_load_idx %gather3A_722[%add3A_717, %broadcast_in_dim3A_686] : memref<64x128xf32, #tpu.memory_space<vmem>>[vector<16xi32>, vector<16xi32>], vector<16xf32>,
      tpu.vector_store_idx %arg7[%add3A_717, %broadcast_in_dim3A_687], %gather3A_723 : memref<64x128xf32, #tpu.memory_space<vmem>>[vector<16xi32>, vector<16xi32>], vector<16xf32>,
      %slice3A_724 = vector.extract_strided_slice %get3A_318 {offsets = [12], sizes = [1], strides = [1]} : vector<16xi32> to vector<1xi32>
      %squeeze3A_725 = vector.extract %slice3A_724[0] : i32 from vector<1xi32>
      %shift_right_arithmetic3A_726 = arith.constant 7 : i32
      %shift_right_arithmetic3A_727 = arith.shrsi %squeeze3A_725, %shift_right_arithmetic3A_726 : i32
      %mul3A_728 = arith.constant 128 : i32
      %mul3A_729 = arith.muli %shift_right_arithmetic3A_727, %mul3A_728 : i32
      %jit3A_730 = arith.constant 0 : i32
      %jit3A_731 = arith.constant 999936 : i32
      %max3A_732 = arith.maxsi %jit3A_730, %mul3A_729 : i32
      %min3A_733 = arith.minsi %jit3A_731, %max3A_732 : i32
      %multiple_of3A_734 = tpu.assume_multiple %min3A_733, 128 : i32
      %dma_start3A_735 = arith.constant 4 : i32
      %dma_start3A_736 = arith.constant 0 : i32
      %dma_start3A_737 = arith.constant 0 : i32
      %dma_start3A_738 = tpu.memref_slice %arg6[%dma_start3A_735, %dma_start3A_736, %dma_start3A_737] : memref<8x64x128xf32, #tpu.memory_space<vmem>> -> memref<1x64x128xf32, #tpu.memory_space<vmem>>
      %dma_start3A_739 = tpu.memref_squeeze %dma_start3A_738 : memref<1x64x128xf32, #tpu.memory_space<vmem>> -> memref<64x128xf32, #tpu.memory_space<vmem>>
      %dma_start3A_740 = arith.constant 0 : i32
      %dma_start3A_741 = tpu.memref_slice %arg2[%dma_start3A_740, %multiple_of3A_734] : memref<64x1000000xf32, #tpu.memory_space<hbm>> -> memref<64x128xf32, #tpu.memory_space<hbm>>
      %dma_start3A_742 = arith.constant 0 : i32
      %dma_start3A_743 = arith.constant 0 : i32
      %dma_start3A_744 = tpu.memref_slice %arg6[%dma_start3A_735, %dma_start3A_742, %dma_start3A_743] : memref<8x64x128xf32, #tpu.memory_space<vmem>> -> memref<1x64x128xf32, #tpu.memory_space<vmem>>
      %dma_start3A_745 = tpu.memref_squeeze %dma_start3A_744 : memref<1x64x128xf32, #tpu.memory_space<vmem>> -> memref<64x128xf32, #tpu.memory_space<vmem>>
      %dma_start3A_746 = arith.constant 0 : i32
      %dma_start3A_747 = tpu.memref_slice %arg2[%dma_start3A_746, %multiple_of3A_734] : memref<64x1000000xf32, #tpu.memory_space<hbm>> -> memref<64x128xf32, #tpu.memory_space<hbm>>
      tpu.enqueue_dma source(%dma_start3A_747 : memref<64x128xf32, #tpu.memory_space<hbm>>) target(%dma_start3A_745 : memref<64x128xf32, #tpu.memory_space<vmem>>) target_semaphore(%arg12 : memref<!tpu.dma_semaphore, #tpu.memory_space<semaphore_mem>>)
      %dma_wait3A_748 = arith.constant 5 : i32
      %dma_wait3A_749 = arith.constant 0 : i32
      %dma_wait3A_750 = arith.constant 0 : i32
      %dma_wait3A_751 = tpu.memref_slice %arg6[%dma_wait3A_748, %dma_wait3A_749, %dma_wait3A_750] : memref<8x64x128xf32, #tpu.memory_space<vmem>> -> memref<1x64x128xf32, #tpu.memory_space<vmem>>
      %dma_wait3A_752 = tpu.memref_squeeze %dma_wait3A_751 : memref<1x64x128xf32, #tpu.memory_space<vmem>> -> memref<64x128xf32, #tpu.memory_space<vmem>>
      %dma_wait3A_753 = arith.constant 0 : i32
      %dma_wait3A_754 = arith.constant 0 : i32
      %dma_wait3A_755 = tpu.memref_slice %arg2[%dma_wait3A_753, %dma_wait3A_754] : memref<64x1000000xf32, #tpu.memory_space<hbm>> -> memref<64x128xf32, #tpu.memory_space<hbm>>
      %dma_wait3A_756 = arith.constant 0 : i32
      %dma_wait3A_757 = arith.constant 0 : i32
      %dma_wait3A_758 = tpu.memref_slice %arg6[%dma_wait3A_748, %dma_wait3A_756, %dma_wait3A_757] : memref<8x64x128xf32, #tpu.memory_space<vmem>> -> memref<1x64x128xf32, #tpu.memory_space<vmem>>
      %dma_wait3A_759 = tpu.memref_squeeze %dma_wait3A_758 : memref<1x64x128xf32, #tpu.memory_space<vmem>> -> memref<64x128xf32, #tpu.memory_space<vmem>>
      %dma_wait3A_760 = arith.constant 0 : i32
      %dma_wait3A_761 = arith.constant 0 : i32
      %dma_wait3A_762 = tpu.memref_slice %arg2[%dma_wait3A_760, %dma_wait3A_761] : memref<64x1000000xf32, #tpu.memory_space<hbm>> -> memref<64x128xf32, #tpu.memory_space<hbm>>
      tpu.wait_dma2 semaphore(%arg13 : memref<!tpu.dma_semaphore, #tpu.memory_space<semaphore_mem>>) src(%dma_wait3A_762 : memref<64x128xf32, #tpu.memory_space<hbm>>) dst(%dma_wait3A_759 : memref<64x128xf32, #tpu.memory_space<vmem>>)
      %slice3A_763 = vector.extract_strided_slice %get3A_318 {offsets = [5], sizes = [1], strides = [1]} : vector<16xi32> to vector<1xi32>
      %squeeze3A_764 = vector.extract %slice3A_763[0] : i32 from vector<1xi32>
      %add3A_765 = arith.constant 5 : i32
      %add3A_766 = arith.addi %mul3A_334, %add3A_765 : i32
      %and3A_767 = arith.constant 127 : i32
      %and3A_768 = arith.andi %squeeze3A_764, %and3A_767 : i32
      %broadcast_in_dim3A_769 = vector.broadcast %and3A_768 : i32 to vector<16xi32>
      %broadcast_in_dim3A_770 = vector.broadcast %add3A_766 : i32 to vector<16xi32>
      %add3A_771 = arith.constant 0 : i32
      %add3A_772 = vector.broadcast %add3A_771 : i32 to vector<16xi32>
      %add3A_773 = arith.addi %iota3A, %add3A_772 : vector<16xi32>
      %gather3A_774 = arith.constant 5 : i32
      %gather3A_775 = arith.constant 0 : i32
      %gather3A_776 = arith.constant 0 : i32
      %gather3A_777 = tpu.memref_slice %arg6[%gather3A_774, %gather3A_775, %gather3A_776] : memref<8x64x128xf32, #tpu.memory_space<vmem>> -> memref<1x64x128xf32, #tpu.memory_space<vmem>>
      %gather3A_778 = tpu.memref_squeeze %gather3A_777 : memref<1x64x128xf32, #tpu.memory_space<vmem>> -> memref<64x128xf32, #tpu.memory_space<vmem>>
      %gather3A_779 = tpu.vector_load_idx %gather3A_778[%add3A_773, %broadcast_in_dim3A_769] : memref<64x128xf32, #tpu.memory_space<vmem>>[vector<16xi32>, vector<16xi32>], vector<16xf32>,
      tpu.vector_store_idx %arg7[%add3A_773, %broadcast_in_dim3A_770], %gather3A_779 : memref<64x128xf32, #tpu.memory_space<vmem>>[vector<16xi32>, vector<16xi32>], vector<16xf32>,
      %add3A_780 = arith.constant 16 : i32
      %add3A_781 = vector.broadcast %add3A_780 : i32 to vector<16xi32>
      %add3A_782 = arith.addi %iota3A, %add3A_781 : vector<16xi32>
      %gather3A_783 = arith.constant 5 : i32
      %gather3A_784 = arith.constant 0 : i32
      %gather3A_785 = arith.constant 0 : i32
      %gather3A_786 = tpu.memref_slice %arg6[%gather3A_783, %gather3A_784, %gather3A_785] : memref<8x64x128xf32, #tpu.memory_space<vmem>> -> memref<1x64x128xf32, #tpu.memory_space<vmem>>
      %gather3A_787 = tpu.memref_squeeze %gather3A_786 : memref<1x64x128xf32, #tpu.memory_space<vmem>> -> memref<64x128xf32, #tpu.memory_space<vmem>>
      %gather3A_788 = tpu.vector_load_idx %gather3A_787[%add3A_782, %broadcast_in_dim3A_769] : memref<64x128xf32, #tpu.memory_space<vmem>>[vector<16xi32>, vector<16xi32>], vector<16xf32>,
      tpu.vector_store_idx %arg7[%add3A_782, %broadcast_in_dim3A_770], %gather3A_788 : memref<64x128xf32, #tpu.memory_space<vmem>>[vector<16xi32>, vector<16xi32>], vector<16xf32>,
      %add3A_789 = arith.constant 32 : i32
      %add3A_790 = vector.broadcast %add3A_789 : i32 to vector<16xi32>
      %add3A_791 = arith.addi %iota3A, %add3A_790 : vector<16xi32>
      %gather3A_792 = arith.constant 5 : i32
      %gather3A_793 = arith.constant 0 : i32
      %gather3A_794 = arith.constant 0 : i32
      %gather3A_795 = tpu.memref_slice %arg6[%gather3A_792, %gather3A_793, %gather3A_794] : memref<8x64x128xf32, #tpu.memory_space<vmem>> -> memref<1x64x128xf32, #tpu.memory_space<vmem>>
      %gather3A_796 = tpu.memref_squeeze %gather3A_795 : memref<1x64x128xf32, #tpu.memory_space<vmem>> -> memref<64x128xf32, #tpu.memory_space<vmem>>
      %gather3A_797 = tpu.vector_load_idx %gather3A_796[%add3A_791, %broadcast_in_dim3A_769] : memref<64x128xf32, #tpu.memory_space<vmem>>[vector<16xi32>, vector<16xi32>], vector<16xf32>,
      tpu.vector_store_idx %arg7[%add3A_791, %broadcast_in_dim3A_770], %gather3A_797 : memref<64x128xf32, #tpu.memory_space<vmem>>[vector<16xi32>, vector<16xi32>], vector<16xf32>,
      %add3A_798 = arith.constant 48 : i32
      %add3A_799 = vector.broadcast %add3A_798 : i32 to vector<16xi32>
      %add3A_800 = arith.addi %iota3A, %add3A_799 : vector<16xi32>
      %gather3A_801 = arith.constant 5 : i32
      %gather3A_802 = arith.constant 0 : i32
      %gather3A_803 = arith.constant 0 : i32
      %gather3A_804 = tpu.memref_slice %arg6[%gather3A_801, %gather3A_802, %gather3A_803] : memref<8x64x128xf32, #tpu.memory_space<vmem>> -> memref<1x64x128xf32, #tpu.memory_space<vmem>>
      %gather3A_805 = tpu.memref_squeeze %gather3A_804 : memref<1x64x128xf32, #tpu.memory_space<vmem>> -> memref<64x128xf32, #tpu.memory_space<vmem>>
      %gather3A_806 = tpu.vector_load_idx %gather3A_805[%add3A_800, %broadcast_in_dim3A_769] : memref<64x128xf32, #tpu.memory_space<vmem>>[vector<16xi32>, vector<16xi32>], vector<16xf32>,
      tpu.vector_store_idx %arg7[%add3A_800, %broadcast_in_dim3A_770], %gather3A_806 : memref<64x128xf32, #tpu.memory_space<vmem>>[vector<16xi32>, vector<16xi32>], vector<16xf32>,
      %slice3A_807 = vector.extract_strided_slice %get3A_318 {offsets = [13], sizes = [1], strides = [1]} : vector<16xi32> to vector<1xi32>
      %squeeze3A_808 = vector.extract %slice3A_807[0] : i32 from vector<1xi32>
      %shift_right_arithmetic3A_809 = arith.constant 7 : i32
      %shift_right_arithmetic3A_810 = arith.shrsi %squeeze3A_808, %shift_right_arithmetic3A_809 : i32
      %mul3A_811 = arith.constant 128 : i32
      %mul3A_812 = arith.muli %shift_right_arithmetic3A_810, %mul3A_811 : i32
      %jit3A_813 = arith.constant 0 : i32
      %jit3A_814 = arith.constant 999936 : i32
      %max3A_815 = arith.maxsi %jit3A_813, %mul3A_812 : i32
      %min3A_816 = arith.minsi %jit3A_814, %max3A_815 : i32
      %multiple_of3A_817 = tpu.assume_multiple %min3A_816, 128 : i32
      %dma_start3A_818 = arith.constant 5 : i32
      %dma_start3A_819 = arith.constant 0 : i32
      %dma_start3A_820 = arith.constant 0 : i32
      %dma_start3A_821 = tpu.memref_slice %arg6[%dma_start3A_818, %dma_start3A_819, %dma_start3A_820] : memref<8x64x128xf32, #tpu.memory_space<vmem>> -> memref<1x64x128xf32, #tpu.memory_space<vmem>>
      %dma_start3A_822 = tpu.memref_squeeze %dma_start3A_821 : memref<1x64x128xf32, #tpu.memory_space<vmem>> -> memref<64x128xf32, #tpu.memory_space<vmem>>
      %dma_start3A_823 = arith.constant 0 : i32
      %dma_start3A_824 = tpu.memref_slice %arg2[%dma_start3A_823, %multiple_of3A_817] : memref<64x1000000xf32, #tpu.memory_space<hbm>> -> memref<64x128xf32, #tpu.memory_space<hbm>>
      %dma_start3A_825 = arith.constant 0 : i32
      %dma_start3A_826 = arith.constant 0 : i32
      %dma_start3A_827 = tpu.memref_slice %arg6[%dma_start3A_818, %dma_start3A_825, %dma_start3A_826] : memref<8x64x128xf32, #tpu.memory_space<vmem>> -> memref<1x64x128xf32, #tpu.memory_space<vmem>>
      %dma_start3A_828 = tpu.memref_squeeze %dma_start3A_827 : memref<1x64x128xf32, #tpu.memory_space<vmem>> -> memref<64x128xf32, #tpu.memory_space<vmem>>
      %dma_start3A_829 = arith.constant 0 : i32
      %dma_start3A_830 = tpu.memref_slice %arg2[%dma_start3A_829, %multiple_of3A_817] : memref<64x1000000xf32, #tpu.memory_space<hbm>> -> memref<64x128xf32, #tpu.memory_space<hbm>>
      tpu.enqueue_dma source(%dma_start3A_830 : memref<64x128xf32, #tpu.memory_space<hbm>>) target(%dma_start3A_828 : memref<64x128xf32, #tpu.memory_space<vmem>>) target_semaphore(%arg13 : memref<!tpu.dma_semaphore, #tpu.memory_space<semaphore_mem>>)
      %dma_wait3A_831 = arith.constant 6 : i32
      %dma_wait3A_832 = arith.constant 0 : i32
      %dma_wait3A_833 = arith.constant 0 : i32
      %dma_wait3A_834 = tpu.memref_slice %arg6[%dma_wait3A_831, %dma_wait3A_832, %dma_wait3A_833] : memref<8x64x128xf32, #tpu.memory_space<vmem>> -> memref<1x64x128xf32, #tpu.memory_space<vmem>>
      %dma_wait3A_835 = tpu.memref_squeeze %dma_wait3A_834 : memref<1x64x128xf32, #tpu.memory_space<vmem>> -> memref<64x128xf32, #tpu.memory_space<vmem>>
      %dma_wait3A_836 = arith.constant 0 : i32
      %dma_wait3A_837 = arith.constant 0 : i32
      %dma_wait3A_838 = tpu.memref_slice %arg2[%dma_wait3A_836, %dma_wait3A_837] : memref<64x1000000xf32, #tpu.memory_space<hbm>> -> memref<64x128xf32, #tpu.memory_space<hbm>>
      %dma_wait3A_839 = arith.constant 0 : i32
      %dma_wait3A_840 = arith.constant 0 : i32
      %dma_wait3A_841 = tpu.memref_slice %arg6[%dma_wait3A_831, %dma_wait3A_839, %dma_wait3A_840] : memref<8x64x128xf32, #tpu.memory_space<vmem>> -> memref<1x64x128xf32, #tpu.memory_space<vmem>>
      %dma_wait3A_842 = tpu.memref_squeeze %dma_wait3A_841 : memref<1x64x128xf32, #tpu.memory_space<vmem>> -> memref<64x128xf32, #tpu.memory_space<vmem>>
      %dma_wait3A_843 = arith.constant 0 : i32
      %dma_wait3A_844 = arith.constant 0 : i32
      %dma_wait3A_845 = tpu.memref_slice %arg2[%dma_wait3A_843, %dma_wait3A_844] : memref<64x1000000xf32, #tpu.memory_space<hbm>> -> memref<64x128xf32, #tpu.memory_space<hbm>>
      tpu.wait_dma2 semaphore(%arg14 : memref<!tpu.dma_semaphore, #tpu.memory_space<semaphore_mem>>) src(%dma_wait3A_845 : memref<64x128xf32, #tpu.memory_space<hbm>>) dst(%dma_wait3A_842 : memref<64x128xf32, #tpu.memory_space<vmem>>)
      %slice3A_846 = vector.extract_strided_slice %get3A_318 {offsets = [6], sizes = [1], strides = [1]} : vector<16xi32> to vector<1xi32>
      %squeeze3A_847 = vector.extract %slice3A_846[0] : i32 from vector<1xi32>
      %add3A_848 = arith.constant 6 : i32
      %add3A_849 = arith.addi %mul3A_334, %add3A_848 : i32
      %and3A_850 = arith.constant 127 : i32
      %and3A_851 = arith.andi %squeeze3A_847, %and3A_850 : i32
      %broadcast_in_dim3A_852 = vector.broadcast %and3A_851 : i32 to vector<16xi32>
      %broadcast_in_dim3A_853 = vector.broadcast %add3A_849 : i32 to vector<16xi32>
      %add3A_854 = arith.constant 0 : i32
      %add3A_855 = vector.broadcast %add3A_854 : i32 to vector<16xi32>
      %add3A_856 = arith.addi %iota3A, %add3A_855 : vector<16xi32>
      %gather3A_857 = arith.constant 6 : i32
      %gather3A_858 = arith.constant 0 : i32
      %gather3A_859 = arith.constant 0 : i32
      %gather3A_860 = tpu.memref_slice %arg6[%gather3A_857, %gather3A_858, %gather3A_859] : memref<8x64x128xf32, #tpu.memory_space<vmem>> -> memref<1x64x128xf32, #tpu.memory_space<vmem>>
      %gather3A_861 = tpu.memref_squeeze %gather3A_860 : memref<1x64x128xf32, #tpu.memory_space<vmem>> -> memref<64x128xf32, #tpu.memory_space<vmem>>
      %gather3A_862 = tpu.vector_load_idx %gather3A_861[%add3A_856, %broadcast_in_dim3A_852] : memref<64x128xf32, #tpu.memory_space<vmem>>[vector<16xi32>, vector<16xi32>], vector<16xf32>,
      tpu.vector_store_idx %arg7[%add3A_856, %broadcast_in_dim3A_853], %gather3A_862 : memref<64x128xf32, #tpu.memory_space<vmem>>[vector<16xi32>, vector<16xi32>], vector<16xf32>,
      %add3A_863 = arith.constant 16 : i32
      %add3A_864 = vector.broadcast %add3A_863 : i32 to vector<16xi32>
      %add3A_865 = arith.addi %iota3A, %add3A_864 : vector<16xi32>
      %gather3A_866 = arith.constant 6 : i32
      %gather3A_867 = arith.constant 0 : i32
      %gather3A_868 = arith.constant 0 : i32
      %gather3A_869 = tpu.memref_slice %arg6[%gather3A_866, %gather3A_867, %gather3A_868] : memref<8x64x128xf32, #tpu.memory_space<vmem>> -> memref<1x64x128xf32, #tpu.memory_space<vmem>>
      %gather3A_870 = tpu.memref_squeeze %gather3A_869 : memref<1x64x128xf32, #tpu.memory_space<vmem>> -> memref<64x128xf32, #tpu.memory_space<vmem>>
      %gather3A_871 = tpu.vector_load_idx %gather3A_870[%add3A_865, %broadcast_in_dim3A_852] : memref<64x128xf32, #tpu.memory_space<vmem>>[vector<16xi32>, vector<16xi32>], vector<16xf32>,
      tpu.vector_store_idx %arg7[%add3A_865, %broadcast_in_dim3A_853], %gather3A_871 : memref<64x128xf32, #tpu.memory_space<vmem>>[vector<16xi32>, vector<16xi32>], vector<16xf32>,
      %add3A_872 = arith.constant 32 : i32
      %add3A_873 = vector.broadcast %add3A_872 : i32 to vector<16xi32>
      %add3A_874 = arith.addi %iota3A, %add3A_873 : vector<16xi32>
      %gather3A_875 = arith.constant 6 : i32
      %gather3A_876 = arith.constant 0 : i32
      %gather3A_877 = arith.constant 0 : i32
      %gather3A_878 = tpu.memref_slice %arg6[%gather3A_875, %gather3A_876, %gather3A_877] : memref<8x64x128xf32, #tpu.memory_space<vmem>> -> memref<1x64x128xf32, #tpu.memory_space<vmem>>
      %gather3A_879 = tpu.memref_squeeze %gather3A_878 : memref<1x64x128xf32, #tpu.memory_space<vmem>> -> memref<64x128xf32, #tpu.memory_space<vmem>>
      %gather3A_880 = tpu.vector_load_idx %gather3A_879[%add3A_874, %broadcast_in_dim3A_852] : memref<64x128xf32, #tpu.memory_space<vmem>>[vector<16xi32>, vector<16xi32>], vector<16xf32>,
      tpu.vector_store_idx %arg7[%add3A_874, %broadcast_in_dim3A_853], %gather3A_880 : memref<64x128xf32, #tpu.memory_space<vmem>>[vector<16xi32>, vector<16xi32>], vector<16xf32>,
      %add3A_881 = arith.constant 48 : i32
      %add3A_882 = vector.broadcast %add3A_881 : i32 to vector<16xi32>
      %add3A_883 = arith.addi %iota3A, %add3A_882 : vector<16xi32>
      %gather3A_884 = arith.constant 6 : i32
      %gather3A_885 = arith.constant 0 : i32
      %gather3A_886 = arith.constant 0 : i32
      %gather3A_887 = tpu.memref_slice %arg6[%gather3A_884, %gather3A_885, %gather3A_886] : memref<8x64x128xf32, #tpu.memory_space<vmem>> -> memref<1x64x128xf32, #tpu.memory_space<vmem>>
      %gather3A_888 = tpu.memref_squeeze %gather3A_887 : memref<1x64x128xf32, #tpu.memory_space<vmem>> -> memref<64x128xf32, #tpu.memory_space<vmem>>
      %gather3A_889 = tpu.vector_load_idx %gather3A_888[%add3A_883, %broadcast_in_dim3A_852] : memref<64x128xf32, #tpu.memory_space<vmem>>[vector<16xi32>, vector<16xi32>], vector<16xf32>,
      tpu.vector_store_idx %arg7[%add3A_883, %broadcast_in_dim3A_853], %gather3A_889 : memref<64x128xf32, #tpu.memory_space<vmem>>[vector<16xi32>, vector<16xi32>], vector<16xf32>,
      %slice3A_890 = vector.extract_strided_slice %get3A_318 {offsets = [14], sizes = [1], strides = [1]} : vector<16xi32> to vector<1xi32>
      %squeeze3A_891 = vector.extract %slice3A_890[0] : i32 from vector<1xi32>
      %shift_right_arithmetic3A_892 = arith.constant 7 : i32
      %shift_right_arithmetic3A_893 = arith.shrsi %squeeze3A_891, %shift_right_arithmetic3A_892 : i32
      %mul3A_894 = arith.constant 128 : i32
      %mul3A_895 = arith.muli %shift_right_arithmetic3A_893, %mul3A_894 : i32
      %jit3A_896 = arith.constant 0 : i32
      %jit3A_897 = arith.constant 999936 : i32
      %max3A_898 = arith.maxsi %jit3A_896, %mul3A_895 : i32
      %min3A_899 = arith.minsi %jit3A_897, %max3A_898 : i32
      %multiple_of3A_900 = tpu.assume_multiple %min3A_899, 128 : i32
      %dma_start3A_901 = arith.constant 6 : i32
      %dma_start3A_902 = arith.constant 0 : i32
      %dma_start3A_903 = arith.constant 0 : i32
      %dma_start3A_904 = tpu.memref_slice %arg6[%dma_start3A_901, %dma_start3A_902, %dma_start3A_903] : memref<8x64x128xf32, #tpu.memory_space<vmem>> -> memref<1x64x128xf32, #tpu.memory_space<vmem>>
      %dma_start3A_905 = tpu.memref_squeeze %dma_start3A_904 : memref<1x64x128xf32, #tpu.memory_space<vmem>> -> memref<64x128xf32, #tpu.memory_space<vmem>>
      %dma_start3A_906 = arith.constant 0 : i32
      %dma_start3A_907 = tpu.memref_slice %arg2[%dma_start3A_906, %multiple_of3A_900] : memref<64x1000000xf32, #tpu.memory_space<hbm>> -> memref<64x128xf32, #tpu.memory_space<hbm>>
      %dma_start3A_908 = arith.constant 0 : i32
      %dma_start3A_909 = arith.constant 0 : i32
      %dma_start3A_910 = tpu.memref_slice %arg6[%dma_start3A_901, %dma_start3A_908, %dma_start3A_909] : memref<8x64x128xf32, #tpu.memory_space<vmem>> -> memref<1x64x128xf32, #tpu.memory_space<vmem>>
      %dma_start3A_911 = tpu.memref_squeeze %dma_start3A_910 : memref<1x64x128xf32, #tpu.memory_space<vmem>> -> memref<64x128xf32, #tpu.memory_space<vmem>>
      %dma_start3A_912 = arith.constant 0 : i32
      %dma_start3A_913 = tpu.memref_slice %arg2[%dma_start3A_912, %multiple_of3A_900] : memref<64x1000000xf32, #tpu.memory_space<hbm>> -> memref<64x128xf32, #tpu.memory_space<hbm>>
      tpu.enqueue_dma source(%dma_start3A_913 : memref<64x128xf32, #tpu.memory_space<hbm>>) target(%dma_start3A_911 : memref<64x128xf32, #tpu.memory_space<vmem>>) target_semaphore(%arg14 : memref<!tpu.dma_semaphore, #tpu.memory_space<semaphore_mem>>)
      %dma_wait3A_914 = arith.constant 7 : i32
      %dma_wait3A_915 = arith.constant 0 : i32
      %dma_wait3A_916 = arith.constant 0 : i32
      %dma_wait3A_917 = tpu.memref_slice %arg6[%dma_wait3A_914, %dma_wait3A_915, %dma_wait3A_916] : memref<8x64x128xf32, #tpu.memory_space<vmem>> -> memref<1x64x128xf32, #tpu.memory_space<vmem>>
      %dma_wait3A_918 = tpu.memref_squeeze %dma_wait3A_917 : memref<1x64x128xf32, #tpu.memory_space<vmem>> -> memref<64x128xf32, #tpu.memory_space<vmem>>
      %dma_wait3A_919 = arith.constant 0 : i32
      %dma_wait3A_920 = arith.constant 0 : i32
      %dma_wait3A_921 = tpu.memref_slice %arg2[%dma_wait3A_919, %dma_wait3A_920] : memref<64x1000000xf32, #tpu.memory_space<hbm>> -> memref<64x128xf32, #tpu.memory_space<hbm>>
      %dma_wait3A_922 = arith.constant 0 : i32
      %dma_wait3A_923 = arith.constant 0 : i32
      %dma_wait3A_924 = tpu.memref_slice %arg6[%dma_wait3A_914, %dma_wait3A_922, %dma_wait3A_923] : memref<8x64x128xf32, #tpu.memory_space<vmem>> -> memref<1x64x128xf32, #tpu.memory_space<vmem>>
      %dma_wait3A_925 = tpu.memref_squeeze %dma_wait3A_924 : memref<1x64x128xf32, #tpu.memory_space<vmem>> -> memref<64x128xf32, #tpu.memory_space<vmem>>
      %dma_wait3A_926 = arith.constant 0 : i32
      %dma_wait3A_927 = arith.constant 0 : i32
      %dma_wait3A_928 = tpu.memref_slice %arg2[%dma_wait3A_926, %dma_wait3A_927] : memref<64x1000000xf32, #tpu.memory_space<hbm>> -> memref<64x128xf32, #tpu.memory_space<hbm>>
      tpu.wait_dma2 semaphore(%arg15 : memref<!tpu.dma_semaphore, #tpu.memory_space<semaphore_mem>>) src(%dma_wait3A_928 : memref<64x128xf32, #tpu.memory_space<hbm>>) dst(%dma_wait3A_925 : memref<64x128xf32, #tpu.memory_space<vmem>>)
      %slice3A_929 = vector.extract_strided_slice %get3A_318 {offsets = [7], sizes = [1], strides = [1]} : vector<16xi32> to vector<1xi32>
      %squeeze3A_930 = vector.extract %slice3A_929[0] : i32 from vector<1xi32>
      %add3A_931 = arith.constant 7 : i32
      %add3A_932 = arith.addi %mul3A_334, %add3A_931 : i32
      %and3A_933 = arith.constant 127 : i32
      %and3A_934 = arith.andi %squeeze3A_930, %and3A_933 : i32
      %broadcast_in_dim3A_935 = vector.broadcast %and3A_934 : i32 to vector<16xi32>
      %broadcast_in_dim3A_936 = vector.broadcast %add3A_932 : i32 to vector<16xi32>
      %add3A_937 = arith.constant 0 : i32
      %add3A_938 = vector.broadcast %add3A_937 : i32 to vector<16xi32>
      %add3A_939 = arith.addi %iota3A, %add3A_938 : vector<16xi32>
      %gather3A_940 = arith.constant 7 : i32
      %gather3A_941 = arith.constant 0 : i32
      %gather3A_942 = arith.constant 0 : i32
      %gather3A_943 = tpu.memref_slice %arg6[%gather3A_940, %gather3A_941, %gather3A_942] : memref<8x64x128xf32, #tpu.memory_space<vmem>> -> memref<1x64x128xf32, #tpu.memory_space<vmem>>
      %gather3A_944 = tpu.memref_squeeze %gather3A_943 : memref<1x64x128xf32, #tpu.memory_space<vmem>> -> memref<64x128xf32, #tpu.memory_space<vmem>>
      %gather3A_945 = tpu.vector_load_idx %gather3A_944[%add3A_939, %broadcast_in_dim3A_935] : memref<64x128xf32, #tpu.memory_space<vmem>>[vector<16xi32>, vector<16xi32>], vector<16xf32>,
      tpu.vector_store_idx %arg7[%add3A_939, %broadcast_in_dim3A_936], %gather3A_945 : memref<64x128xf32, #tpu.memory_space<vmem>>[vector<16xi32>, vector<16xi32>], vector<16xf32>,
      %add3A_946 = arith.constant 16 : i32
      %add3A_947 = vector.broadcast %add3A_946 : i32 to vector<16xi32>
      %add3A_948 = arith.addi %iota3A, %add3A_947 : vector<16xi32>
      %gather3A_949 = arith.constant 7 : i32
      %gather3A_950 = arith.constant 0 : i32
      %gather3A_951 = arith.constant 0 : i32
      %gather3A_952 = tpu.memref_slice %arg6[%gather3A_949, %gather3A_950, %gather3A_951] : memref<8x64x128xf32, #tpu.memory_space<vmem>> -> memref<1x64x128xf32, #tpu.memory_space<vmem>>
      %gather3A_953 = tpu.memref_squeeze %gather3A_952 : memref<1x64x128xf32, #tpu.memory_space<vmem>> -> memref<64x128xf32, #tpu.memory_space<vmem>>
      %gather3A_954 = tpu.vector_load_idx %gather3A_953[%add3A_948, %broadcast_in_dim3A_935] : memref<64x128xf32, #tpu.memory_space<vmem>>[vector<16xi32>, vector<16xi32>], vector<16xf32>,
      tpu.vector_store_idx %arg7[%add3A_948, %broadcast_in_dim3A_936], %gather3A_954 : memref<64x128xf32, #tpu.memory_space<vmem>>[vector<16xi32>, vector<16xi32>], vector<16xf32>,
      %add3A_955 = arith.constant 32 : i32
      %add3A_956 = vector.broadcast %add3A_955 : i32 to vector<16xi32>
      %add3A_957 = arith.addi %iota3A, %add3A_956 : vector<16xi32>
      %gather3A_958 = arith.constant 7 : i32
      %gather3A_959 = arith.constant 0 : i32
      %gather3A_960 = arith.constant 0 : i32
      %gather3A_961 = tpu.memref_slice %arg6[%gather3A_958, %gather3A_959, %gather3A_960] : memref<8x64x128xf32, #tpu.memory_space<vmem>> -> memref<1x64x128xf32, #tpu.memory_space<vmem>>
      %gather3A_962 = tpu.memref_squeeze %gather3A_961 : memref<1x64x128xf32, #tpu.memory_space<vmem>> -> memref<64x128xf32, #tpu.memory_space<vmem>>
      %gather3A_963 = tpu.vector_load_idx %gather3A_962[%add3A_957, %broadcast_in_dim3A_935] : memref<64x128xf32, #tpu.memory_space<vmem>>[vector<16xi32>, vector<16xi32>], vector<16xf32>,
      tpu.vector_store_idx %arg7[%add3A_957, %broadcast_in_dim3A_936], %gather3A_963 : memref<64x128xf32, #tpu.memory_space<vmem>>[vector<16xi32>, vector<16xi32>], vector<16xf32>,
      %add3A_964 = arith.constant 48 : i32
      %add3A_965 = vector.broadcast %add3A_964 : i32 to vector<16xi32>
      %add3A_966 = arith.addi %iota3A, %add3A_965 : vector<16xi32>
      %gather3A_967 = arith.constant 7 : i32
      %gather3A_968 = arith.constant 0 : i32
      %gather3A_969 = arith.constant 0 : i32
      %gather3A_970 = tpu.memref_slice %arg6[%gather3A_967, %gather3A_968, %gather3A_969] : memref<8x64x128xf32, #tpu.memory_space<vmem>> -> memref<1x64x128xf32, #tpu.memory_space<vmem>>
      %gather3A_971 = tpu.memref_squeeze %gather3A_970 : memref<1x64x128xf32, #tpu.memory_space<vmem>> -> memref<64x128xf32, #tpu.memory_space<vmem>>
      %gather3A_972 = tpu.vector_load_idx %gather3A_971[%add3A_966, %broadcast_in_dim3A_935] : memref<64x128xf32, #tpu.memory_space<vmem>>[vector<16xi32>, vector<16xi32>], vector<16xf32>,
      tpu.vector_store_idx %arg7[%add3A_966, %broadcast_in_dim3A_936], %gather3A_972 : memref<64x128xf32, #tpu.memory_space<vmem>>[vector<16xi32>, vector<16xi32>], vector<16xf32>,
      %slice3A_973 = vector.extract_strided_slice %get3A_318 {offsets = [15], sizes = [1], strides = [1]} : vector<16xi32> to vector<1xi32>
      %squeeze3A_974 = vector.extract %slice3A_973[0] : i32 from vector<1xi32>
      %shift_right_arithmetic3A_975 = arith.constant 7 : i32
      %shift_right_arithmetic3A_976 = arith.shrsi %squeeze3A_974, %shift_right_arithmetic3A_975 : i32
      %mul3A_977 = arith.constant 128 : i32
      %mul3A_978 = arith.muli %shift_right_arithmetic3A_976, %mul3A_977 : i32
      %jit3A_979 = arith.constant 0 : i32
      %jit3A_980 = arith.constant 999936 : i32
      %max3A_981 = arith.maxsi %jit3A_979, %mul3A_978 : i32
      %min3A_982 = arith.minsi %jit3A_980, %max3A_981 : i32
      %multiple_of3A_983 = tpu.assume_multiple %min3A_982, 128 : i32
      %dma_start3A_984 = arith.constant 7 : i32
      %dma_start3A_985 = arith.constant 0 : i32
      %dma_start3A_986 = arith.constant 0 : i32
      %dma_start3A_987 = tpu.memref_slice %arg6[%dma_start3A_984, %dma_start3A_985, %dma_start3A_986] : memref<8x64x128xf32, #tpu.memory_space<vmem>> -> memref<1x64x128xf32, #tpu.memory_space<vmem>>
      %dma_start3A_988 = tpu.memref_squeeze %dma_start3A_987 : memref<1x64x128xf32, #tpu.memory_space<vmem>> -> memref<64x128xf32, #tpu.memory_space<vmem>>
      %dma_start3A_989 = arith.constant 0 : i32
      %dma_start3A_990 = tpu.memref_slice %arg2[%dma_start3A_989, %multiple_of3A_983] : memref<64x1000000xf32, #tpu.memory_space<hbm>> -> memref<64x128xf32, #tpu.memory_space<hbm>>
      %dma_start3A_991 = arith.constant 0 : i32
      %dma_start3A_992 = arith.constant 0 : i32
      %dma_start3A_993 = tpu.memref_slice %arg6[%dma_start3A_984, %dma_start3A_991, %dma_start3A_992] : memref<8x64x128xf32, #tpu.memory_space<vmem>> -> memref<1x64x128xf32, #tpu.memory_space<vmem>>
      %dma_start3A_994 = tpu.memref_squeeze %dma_start3A_993 : memref<1x64x128xf32, #tpu.memory_space<vmem>> -> memref<64x128xf32, #tpu.memory_space<vmem>>
      %dma_start3A_995 = arith.constant 0 : i32
      %dma_start3A_996 = tpu.memref_slice %arg2[%dma_start3A_995, %multiple_of3A_983] : memref<64x1000000xf32, #tpu.memory_space<hbm>> -> memref<64x128xf32, #tpu.memory_space<hbm>>
      tpu.enqueue_dma source(%dma_start3A_996 : memref<64x128xf32, #tpu.memory_space<hbm>>) target(%dma_start3A_994 : memref<64x128xf32, #tpu.memory_space<vmem>>) target_semaphore(%arg15 : memref<!tpu.dma_semaphore, #tpu.memory_space<semaphore_mem>>)
      %dma_wait3A_997 = arith.constant 0 : i32
      %dma_wait3A_998 = arith.constant 0 : i32
      %dma_wait3A_999 = arith.constant 0 : i32
      %dma_wait3A_1000 = tpu.memref_slice %arg6[%dma_wait3A_997, %dma_wait3A_998, %dma_wait3A_999] : memref<8x64x128xf32, #tpu.memory_space<vmem>> -> memref<1x64x128xf32, #tpu.memory_space<vmem>>
      %dma_wait3A_1001 = tpu.memref_squeeze %dma_wait3A_1000 : memref<1x64x128xf32, #tpu.memory_space<vmem>> -> memref<64x128xf32, #tpu.memory_space<vmem>>
      %dma_wait3A_1002 = arith.constant 0 : i32
      %dma_wait3A_1003 = arith.constant 0 : i32
      %dma_wait3A_1004 = tpu.memref_slice %arg2[%dma_wait3A_1002, %dma_wait3A_1003] : memref<64x1000000xf32, #tpu.memory_space<hbm>> -> memref<64x128xf32, #tpu.memory_space<hbm>>
      %dma_wait3A_1005 = arith.constant 0 : i32
      %dma_wait3A_1006 = arith.constant 0 : i32
      %dma_wait3A_1007 = tpu.memref_slice %arg6[%dma_wait3A_997, %dma_wait3A_1005, %dma_wait3A_1006] : memref<8x64x128xf32, #tpu.memory_space<vmem>> -> memref<1x64x128xf32, #tpu.memory_space<vmem>>
      %dma_wait3A_1008 = tpu.memref_squeeze %dma_wait3A_1007 : memref<1x64x128xf32, #tpu.memory_space<vmem>> -> memref<64x128xf32, #tpu.memory_space<vmem>>
      %dma_wait3A_1009 = arith.constant 0 : i32
      %dma_wait3A_1010 = arith.constant 0 : i32
      %dma_wait3A_1011 = tpu.memref_slice %arg2[%dma_wait3A_1009, %dma_wait3A_1010] : memref<64x1000000xf32, #tpu.memory_space<hbm>> -> memref<64x128xf32, #tpu.memory_space<hbm>>
      tpu.wait_dma2 semaphore(%arg8 : memref<!tpu.dma_semaphore, #tpu.memory_space<semaphore_mem>>) src(%dma_wait3A_1011 : memref<64x128xf32, #tpu.memory_space<hbm>>) dst(%dma_wait3A_1008 : memref<64x128xf32, #tpu.memory_space<vmem>>)
      %slice3A_1012 = vector.extract_strided_slice %get3A_318 {offsets = [8], sizes = [1], strides = [1]} : vector<16xi32> to vector<1xi32>
      %squeeze3A_1013 = vector.extract %slice3A_1012[0] : i32 from vector<1xi32>
      %add3A_1014 = arith.constant 8 : i32
      %add3A_1015 = arith.addi %mul3A_334, %add3A_1014 : i32
      %and3A_1016 = arith.constant 127 : i32
      %and3A_1017 = arith.andi %squeeze3A_1013, %and3A_1016 : i32
      %broadcast_in_dim3A_1018 = vector.broadcast %and3A_1017 : i32 to vector<16xi32>
      %broadcast_in_dim3A_1019 = vector.broadcast %add3A_1015 : i32 to vector<16xi32>
      %add3A_1020 = arith.constant 0 : i32
      %add3A_1021 = vector.broadcast %add3A_1020 : i32 to vector<16xi32>
      %add3A_1022 = arith.addi %iota3A, %add3A_1021 : vector<16xi32>
      %gather3A_1023 = arith.constant 0 : i32
      %gather3A_1024 = arith.constant 0 : i32
      %gather3A_1025 = arith.constant 0 : i32
      %gather3A_1026 = tpu.memref_slice %arg6[%gather3A_1023, %gather3A_1024, %gather3A_1025] : memref<8x64x128xf32, #tpu.memory_space<vmem>> -> memref<1x64x128xf32, #tpu.memory_space<vmem>>
      %gather3A_1027 = tpu.memref_squeeze %gather3A_1026 : memref<1x64x128xf32, #tpu.memory_space<vmem>> -> memref<64x128xf32, #tpu.memory_space<vmem>>
      %gather3A_1028 = tpu.vector_load_idx %gather3A_1027[%add3A_1022, %broadcast_in_dim3A_1018] : memref<64x128xf32, #tpu.memory_space<vmem>>[vector<16xi32>, vector<16xi32>], vector<16xf32>,
      tpu.vector_store_idx %arg7[%add3A_1022, %broadcast_in_dim3A_1019], %gather3A_1028 : memref<64x128xf32, #tpu.memory_space<vmem>>[vector<16xi32>, vector<16xi32>], vector<16xf32>,
      %add3A_1029 = arith.constant 16 : i32
      %add3A_1030 = vector.broadcast %add3A_1029 : i32 to vector<16xi32>
      %add3A_1031 = arith.addi %iota3A, %add3A_1030 : vector<16xi32>
      %gather3A_1032 = arith.constant 0 : i32
      %gather3A_1033 = arith.constant 0 : i32
      %gather3A_1034 = arith.constant 0 : i32
      %gather3A_1035 = tpu.memref_slice %arg6[%gather3A_1032, %gather3A_1033, %gather3A_1034] : memref<8x64x128xf32, #tpu.memory_space<vmem>> -> memref<1x64x128xf32, #tpu.memory_space<vmem>>
      %gather3A_1036 = tpu.memref_squeeze %gather3A_1035 : memref<1x64x128xf32, #tpu.memory_space<vmem>> -> memref<64x128xf32, #tpu.memory_space<vmem>>
      %gather3A_1037 = tpu.vector_load_idx %gather3A_1036[%add3A_1031, %broadcast_in_dim3A_1018] : memref<64x128xf32, #tpu.memory_space<vmem>>[vector<16xi32>, vector<16xi32>], vector<16xf32>,
      tpu.vector_store_idx %arg7[%add3A_1031, %broadcast_in_dim3A_1019], %gather3A_1037 : memref<64x128xf32, #tpu.memory_space<vmem>>[vector<16xi32>, vector<16xi32>], vector<16xf32>,
      %add3A_1038 = arith.constant 32 : i32
      %add3A_1039 = vector.broadcast %add3A_1038 : i32 to vector<16xi32>
      %add3A_1040 = arith.addi %iota3A, %add3A_1039 : vector<16xi32>
      %gather3A_1041 = arith.constant 0 : i32
      %gather3A_1042 = arith.constant 0 : i32
      %gather3A_1043 = arith.constant 0 : i32
      %gather3A_1044 = tpu.memref_slice %arg6[%gather3A_1041, %gather3A_1042, %gather3A_1043] : memref<8x64x128xf32, #tpu.memory_space<vmem>> -> memref<1x64x128xf32, #tpu.memory_space<vmem>>
      %gather3A_1045 = tpu.memref_squeeze %gather3A_1044 : memref<1x64x128xf32, #tpu.memory_space<vmem>> -> memref<64x128xf32, #tpu.memory_space<vmem>>
      %gather3A_1046 = tpu.vector_load_idx %gather3A_1045[%add3A_1040, %broadcast_in_dim3A_1018] : memref<64x128xf32, #tpu.memory_space<vmem>>[vector<16xi32>, vector<16xi32>], vector<16xf32>,
      tpu.vector_store_idx %arg7[%add3A_1040, %broadcast_in_dim3A_1019], %gather3A_1046 : memref<64x128xf32, #tpu.memory_space<vmem>>[vector<16xi32>, vector<16xi32>], vector<16xf32>,
      %add3A_1047 = arith.constant 48 : i32
      %add3A_1048 = vector.broadcast %add3A_1047 : i32 to vector<16xi32>
      %add3A_1049 = arith.addi %iota3A, %add3A_1048 : vector<16xi32>
      %gather3A_1050 = arith.constant 0 : i32
      %gather3A_1051 = arith.constant 0 : i32
      %gather3A_1052 = arith.constant 0 : i32
      %gather3A_1053 = tpu.memref_slice %arg6[%gather3A_1050, %gather3A_1051, %gather3A_1052] : memref<8x64x128xf32, #tpu.memory_space<vmem>> -> memref<1x64x128xf32, #tpu.memory_space<vmem>>
      %gather3A_1054 = tpu.memref_squeeze %gather3A_1053 : memref<1x64x128xf32, #tpu.memory_space<vmem>> -> memref<64x128xf32, #tpu.memory_space<vmem>>
      %gather3A_1055 = tpu.vector_load_idx %gather3A_1054[%add3A_1049, %broadcast_in_dim3A_1018] : memref<64x128xf32, #tpu.memory_space<vmem>>[vector<16xi32>, vector<16xi32>], vector<16xf32>,
      tpu.vector_store_idx %arg7[%add3A_1049, %broadcast_in_dim3A_1019], %gather3A_1055 : memref<64x128xf32, #tpu.memory_space<vmem>>[vector<16xi32>, vector<16xi32>], vector<16xf32>,
      %slice3A_1056 = vector.extract_strided_slice %get3A_322 {offsets = [0], sizes = [1], strides = [1]} : vector<16xi32> to vector<1xi32>
      %squeeze3A_1057 = vector.extract %slice3A_1056[0] : i32 from vector<1xi32>
      %shift_right_arithmetic3A_1058 = arith.constant 7 : i32
      %shift_right_arithmetic3A_1059 = arith.shrsi %squeeze3A_1057, %shift_right_arithmetic3A_1058 : i32
      %mul3A_1060 = arith.constant 128 : i32
      %mul3A_1061 = arith.muli %shift_right_arithmetic3A_1059, %mul3A_1060 : i32
      %jit3A_1062 = arith.constant 0 : i32
      %jit3A_1063 = arith.constant 999936 : i32
      %max3A_1064 = arith.maxsi %jit3A_1062, %mul3A_1061 : i32
      %min3A_1065 = arith.minsi %jit3A_1063, %max3A_1064 : i32
      %multiple_of3A_1066 = tpu.assume_multiple %min3A_1065, 128 : i32
      %dma_start3A_1067 = arith.constant 0 : i32
      %dma_start3A_1068 = arith.constant 0 : i32
      %dma_start3A_1069 = arith.constant 0 : i32
      %dma_start3A_1070 = tpu.memref_slice %arg6[%dma_start3A_1067, %dma_start3A_1068, %dma_start3A_1069] : memref<8x64x128xf32, #tpu.memory_space<vmem>> -> memref<1x64x128xf32, #tpu.memory_space<vmem>>
      %dma_start3A_1071 = tpu.memref_squeeze %dma_start3A_1070 : memref<1x64x128xf32, #tpu.memory_space<vmem>> -> memref<64x128xf32, #tpu.memory_space<vmem>>
      %dma_start3A_1072 = arith.constant 0 : i32
      %dma_start3A_1073 = tpu.memref_slice %arg2[%dma_start3A_1072, %multiple_of3A_1066] : memref<64x1000000xf32, #tpu.memory_space<hbm>> -> memref<64x128xf32, #tpu.memory_space<hbm>>
      %dma_start3A_1074 = arith.constant 0 : i32
      %dma_start3A_1075 = arith.constant 0 : i32
      %dma_start3A_1076 = tpu.memref_slice %arg6[%dma_start3A_1067, %dma_start3A_1074, %dma_start3A_1075] : memref<8x64x128xf32, #tpu.memory_space<vmem>> -> memref<1x64x128xf32, #tpu.memory_space<vmem>>
      %dma_start3A_1077 = tpu.memref_squeeze %dma_start3A_1076 : memref<1x64x128xf32, #tpu.memory_space<vmem>> -> memref<64x128xf32, #tpu.memory_space<vmem>>
      %dma_start3A_1078 = arith.constant 0 : i32
      %dma_start3A_1079 = tpu.memref_slice %arg2[%dma_start3A_1078, %multiple_of3A_1066] : memref<64x1000000xf32, #tpu.memory_space<hbm>> -> memref<64x128xf32, #tpu.memory_space<hbm>>
      tpu.enqueue_dma source(%dma_start3A_1079 : memref<64x128xf32, #tpu.memory_space<hbm>>) target(%dma_start3A_1077 : memref<64x128xf32, #tpu.memory_space<vmem>>) target_semaphore(%arg8 : memref<!tpu.dma_semaphore, #tpu.memory_space<semaphore_mem>>)
      %dma_wait3A_1080 = arith.constant 1 : i32
      %dma_wait3A_1081 = arith.constant 0 : i32
      %dma_wait3A_1082 = arith.constant 0 : i32
      %dma_wait3A_1083 = tpu.memref_slice %arg6[%dma_wait3A_1080, %dma_wait3A_1081, %dma_wait3A_1082] : memref<8x64x128xf32, #tpu.memory_space<vmem>> -> memref<1x64x128xf32, #tpu.memory_space<vmem>>
      %dma_wait3A_1084 = tpu.memref_squeeze %dma_wait3A_1083 : memref<1x64x128xf32, #tpu.memory_space<vmem>> -> memref<64x128xf32, #tpu.memory_space<vmem>>
      %dma_wait3A_1085 = arith.constant 0 : i32
      %dma_wait3A_1086 = arith.constant 0 : i32
      %dma_wait3A_1087 = tpu.memref_slice %arg2[%dma_wait3A_1085, %dma_wait3A_1086] : memref<64x1000000xf32, #tpu.memory_space<hbm>> -> memref<64x128xf32, #tpu.memory_space<hbm>>
      %dma_wait3A_1088 = arith.constant 0 : i32
      %dma_wait3A_1089 = arith.constant 0 : i32
      %dma_wait3A_1090 = tpu.memref_slice %arg6[%dma_wait3A_1080, %dma_wait3A_1088, %dma_wait3A_1089] : memref<8x64x128xf32, #tpu.memory_space<vmem>> -> memref<1x64x128xf32, #tpu.memory_space<vmem>>
      %dma_wait3A_1091 = tpu.memref_squeeze %dma_wait3A_1090 : memref<1x64x128xf32, #tpu.memory_space<vmem>> -> memref<64x128xf32, #tpu.memory_space<vmem>>
      %dma_wait3A_1092 = arith.constant 0 : i32
      %dma_wait3A_1093 = arith.constant 0 : i32
      %dma_wait3A_1094 = tpu.memref_slice %arg2[%dma_wait3A_1092, %dma_wait3A_1093] : memref<64x1000000xf32, #tpu.memory_space<hbm>> -> memref<64x128xf32, #tpu.memory_space<hbm>>
      tpu.wait_dma2 semaphore(%arg9 : memref<!tpu.dma_semaphore, #tpu.memory_space<semaphore_mem>>) src(%dma_wait3A_1094 : memref<64x128xf32, #tpu.memory_space<hbm>>) dst(%dma_wait3A_1091 : memref<64x128xf32, #tpu.memory_space<vmem>>)
      %slice3A_1095 = vector.extract_strided_slice %get3A_318 {offsets = [9], sizes = [1], strides = [1]} : vector<16xi32> to vector<1xi32>
      %squeeze3A_1096 = vector.extract %slice3A_1095[0] : i32 from vector<1xi32>
      %add3A_1097 = arith.constant 9 : i32
      %add3A_1098 = arith.addi %mul3A_334, %add3A_1097 : i32
      %and3A_1099 = arith.constant 127 : i32
      %and3A_1100 = arith.andi %squeeze3A_1096, %and3A_1099 : i32
      %broadcast_in_dim3A_1101 = vector.broadcast %and3A_1100 : i32 to vector<16xi32>
      %broadcast_in_dim3A_1102 = vector.broadcast %add3A_1098 : i32 to vector<16xi32>
      %add3A_1103 = arith.constant 0 : i32
      %add3A_1104 = vector.broadcast %add3A_1103 : i32 to vector<16xi32>
      %add3A_1105 = arith.addi %iota3A, %add3A_1104 : vector<16xi32>
      %gather3A_1106 = arith.constant 1 : i32
      %gather3A_1107 = arith.constant 0 : i32
      %gather3A_1108 = arith.constant 0 : i32
      %gather3A_1109 = tpu.memref_slice %arg6[%gather3A_1106, %gather3A_1107, %gather3A_1108] : memref<8x64x128xf32, #tpu.memory_space<vmem>> -> memref<1x64x128xf32, #tpu.memory_space<vmem>>
      %gather3A_1110 = tpu.memref_squeeze %gather3A_1109 : memref<1x64x128xf32, #tpu.memory_space<vmem>> -> memref<64x128xf32, #tpu.memory_space<vmem>>
      %gather3A_1111 = tpu.vector_load_idx %gather3A_1110[%add3A_1105, %broadcast_in_dim3A_1101] : memref<64x128xf32, #tpu.memory_space<vmem>>[vector<16xi32>, vector<16xi32>], vector<16xf32>,
      tpu.vector_store_idx %arg7[%add3A_1105, %broadcast_in_dim3A_1102], %gather3A_1111 : memref<64x128xf32, #tpu.memory_space<vmem>>[vector<16xi32>, vector<16xi32>], vector<16xf32>,
      %add3A_1112 = arith.constant 16 : i32
      %add3A_1113 = vector.broadcast %add3A_1112 : i32 to vector<16xi32>
      %add3A_1114 = arith.addi %iota3A, %add3A_1113 : vector<16xi32>
      %gather3A_1115 = arith.constant 1 : i32
      %gather3A_1116 = arith.constant 0 : i32
      %gather3A_1117 = arith.constant 0 : i32
      %gather3A_1118 = tpu.memref_slice %arg6[%gather3A_1115, %gather3A_1116, %gather3A_1117] : memref<8x64x128xf32, #tpu.memory_space<vmem>> -> memref<1x64x128xf32, #tpu.memory_space<vmem>>
      %gather3A_1119 = tpu.memref_squeeze %gather3A_1118 : memref<1x64x128xf32, #tpu.memory_space<vmem>> -> memref<64x128xf32, #tpu.memory_space<vmem>>
      %gather3A_1120 = tpu.vector_load_idx %gather3A_1119[%add3A_1114, %broadcast_in_dim3A_1101] : memref<64x128xf32, #tpu.memory_space<vmem>>[vector<16xi32>, vector<16xi32>], vector<16xf32>,
      tpu.vector_store_idx %arg7[%add3A_1114, %broadcast_in_dim3A_1102], %gather3A_1120 : memref<64x128xf32, #tpu.memory_space<vmem>>[vector<16xi32>, vector<16xi32>], vector<16xf32>,
      %add3A_1121 = arith.constant 32 : i32
      %add3A_1122 = vector.broadcast %add3A_1121 : i32 to vector<16xi32>
      %add3A_1123 = arith.addi %iota3A, %add3A_1122 : vector<16xi32>
      %gather3A_1124 = arith.constant 1 : i32
      %gather3A_1125 = arith.constant 0 : i32
      %gather3A_1126 = arith.constant 0 : i32
      %gather3A_1127 = tpu.memref_slice %arg6[%gather3A_1124, %gather3A_1125, %gather3A_1126] : memref<8x64x128xf32, #tpu.memory_space<vmem>> -> memref<1x64x128xf32, #tpu.memory_space<vmem>>
      %gather3A_1128 = tpu.memref_squeeze %gather3A_1127 : memref<1x64x128xf32, #tpu.memory_space<vmem>> -> memref<64x128xf32, #tpu.memory_space<vmem>>
      %gather3A_1129 = tpu.vector_load_idx %gather3A_1128[%add3A_1123, %broadcast_in_dim3A_1101] : memref<64x128xf32, #tpu.memory_space<vmem>>[vector<16xi32>, vector<16xi32>], vector<16xf32>,
      tpu.vector_store_idx %arg7[%add3A_1123, %broadcast_in_dim3A_1102], %gather3A_1129 : memref<64x128xf32, #tpu.memory_space<vmem>>[vector<16xi32>, vector<16xi32>], vector<16xf32>,
      %add3A_1130 = arith.constant 48 : i32
      %add3A_1131 = vector.broadcast %add3A_1130 : i32 to vector<16xi32>
      %add3A_1132 = arith.addi %iota3A, %add3A_1131 : vector<16xi32>
      %gather3A_1133 = arith.constant 1 : i32
      %gather3A_1134 = arith.constant 0 : i32
      %gather3A_1135 = arith.constant 0 : i32
      %gather3A_1136 = tpu.memref_slice %arg6[%gather3A_1133, %gather3A_1134, %gather3A_1135] : memref<8x64x128xf32, #tpu.memory_space<vmem>> -> memref<1x64x128xf32, #tpu.memory_space<vmem>>
      %gather3A_1137 = tpu.memref_squeeze %gather3A_1136 : memref<1x64x128xf32, #tpu.memory_space<vmem>> -> memref<64x128xf32, #tpu.memory_space<vmem>>
      %gather3A_1138 = tpu.vector_load_idx %gather3A_1137[%add3A_1132, %broadcast_in_dim3A_1101] : memref<64x128xf32, #tpu.memory_space<vmem>>[vector<16xi32>, vector<16xi32>], vector<16xf32>,
      tpu.vector_store_idx %arg7[%add3A_1132, %broadcast_in_dim3A_1102], %gather3A_1138 : memref<64x128xf32, #tpu.memory_space<vmem>>[vector<16xi32>, vector<16xi32>], vector<16xf32>,
      %slice3A_1139 = vector.extract_strided_slice %get3A_322 {offsets = [1], sizes = [1], strides = [1]} : vector<16xi32> to vector<1xi32>
      %squeeze3A_1140 = vector.extract %slice3A_1139[0] : i32 from vector<1xi32>
      %shift_right_arithmetic3A_1141 = arith.constant 7 : i32
      %shift_right_arithmetic3A_1142 = arith.shrsi %squeeze3A_1140, %shift_right_arithmetic3A_1141 : i32
      %mul3A_1143 = arith.constant 128 : i32
      %mul3A_1144 = arith.muli %shift_right_arithmetic3A_1142, %mul3A_1143 : i32
      %jit3A_1145 = arith.constant 0 : i32
      %jit3A_1146 = arith.constant 999936 : i32
      %max3A_1147 = arith.maxsi %jit3A_1145, %mul3A_1144 : i32
      %min3A_1148 = arith.minsi %jit3A_1146, %max3A_1147 : i32
      %multiple_of3A_1149 = tpu.assume_multiple %min3A_1148, 128 : i32
      %dma_start3A_1150 = arith.constant 1 : i32
      %dma_start3A_1151 = arith.constant 0 : i32
      %dma_start3A_1152 = arith.constant 0 : i32
      %dma_start3A_1153 = tpu.memref_slice %arg6[%dma_start3A_1150, %dma_start3A_1151, %dma_start3A_1152] : memref<8x64x128xf32, #tpu.memory_space<vmem>> -> memref<1x64x128xf32, #tpu.memory_space<vmem>>
      %dma_start3A_1154 = tpu.memref_squeeze %dma_start3A_1153 : memref<1x64x128xf32, #tpu.memory_space<vmem>> -> memref<64x128xf32, #tpu.memory_space<vmem>>
      %dma_start3A_1155 = arith.constant 0 : i32
      %dma_start3A_1156 = tpu.memref_slice %arg2[%dma_start3A_1155, %multiple_of3A_1149] : memref<64x1000000xf32, #tpu.memory_space<hbm>> -> memref<64x128xf32, #tpu.memory_space<hbm>>
      %dma_start3A_1157 = arith.constant 0 : i32
      %dma_start3A_1158 = arith.constant 0 : i32
      %dma_start3A_1159 = tpu.memref_slice %arg6[%dma_start3A_1150, %dma_start3A_1157, %dma_start3A_1158] : memref<8x64x128xf32, #tpu.memory_space<vmem>> -> memref<1x64x128xf32, #tpu.memory_space<vmem>>
      %dma_start3A_1160 = tpu.memref_squeeze %dma_start3A_1159 : memref<1x64x128xf32, #tpu.memory_space<vmem>> -> memref<64x128xf32, #tpu.memory_space<vmem>>
      %dma_start3A_1161 = arith.constant 0 : i32
      %dma_start3A_1162 = tpu.memref_slice %arg2[%dma_start3A_1161, %multiple_of3A_1149] : memref<64x1000000xf32, #tpu.memory_space<hbm>> -> memref<64x128xf32, #tpu.memory_space<hbm>>
      tpu.enqueue_dma source(%dma_start3A_1162 : memref<64x128xf32, #tpu.memory_space<hbm>>) target(%dma_start3A_1160 : memref<64x128xf32, #tpu.memory_space<vmem>>) target_semaphore(%arg9 : memref<!tpu.dma_semaphore, #tpu.memory_space<semaphore_mem>>)
      %dma_wait3A_1163 = arith.constant 2 : i32
      %dma_wait3A_1164 = arith.constant 0 : i32
      %dma_wait3A_1165 = arith.constant 0 : i32
      %dma_wait3A_1166 = tpu.memref_slice %arg6[%dma_wait3A_1163, %dma_wait3A_1164, %dma_wait3A_1165] : memref<8x64x128xf32, #tpu.memory_space<vmem>> -> memref<1x64x128xf32, #tpu.memory_space<vmem>>
      %dma_wait3A_1167 = tpu.memref_squeeze %dma_wait3A_1166 : memref<1x64x128xf32, #tpu.memory_space<vmem>> -> memref<64x128xf32, #tpu.memory_space<vmem>>
      %dma_wait3A_1168 = arith.constant 0 : i32
      %dma_wait3A_1169 = arith.constant 0 : i32
      %dma_wait3A_1170 = tpu.memref_slice %arg2[%dma_wait3A_1168, %dma_wait3A_1169] : memref<64x1000000xf32, #tpu.memory_space<hbm>> -> memref<64x128xf32, #tpu.memory_space<hbm>>
      %dma_wait3A_1171 = arith.constant 0 : i32
      %dma_wait3A_1172 = arith.constant 0 : i32
      %dma_wait3A_1173 = tpu.memref_slice %arg6[%dma_wait3A_1163, %dma_wait3A_1171, %dma_wait3A_1172] : memref<8x64x128xf32, #tpu.memory_space<vmem>> -> memref<1x64x128xf32, #tpu.memory_space<vmem>>
      %dma_wait3A_1174 = tpu.memref_squeeze %dma_wait3A_1173 : memref<1x64x128xf32, #tpu.memory_space<vmem>> -> memref<64x128xf32, #tpu.memory_space<vmem>>
      %dma_wait3A_1175 = arith.constant 0 : i32
      %dma_wait3A_1176 = arith.constant 0 : i32
      %dma_wait3A_1177 = tpu.memref_slice %arg2[%dma_wait3A_1175, %dma_wait3A_1176] : memref<64x1000000xf32, #tpu.memory_space<hbm>> -> memref<64x128xf32, #tpu.memory_space<hbm>>
      tpu.wait_dma2 semaphore(%arg10 : memref<!tpu.dma_semaphore, #tpu.memory_space<semaphore_mem>>) src(%dma_wait3A_1177 : memref<64x128xf32, #tpu.memory_space<hbm>>) dst(%dma_wait3A_1174 : memref<64x128xf32, #tpu.memory_space<vmem>>)
      %slice3A_1178 = vector.extract_strided_slice %get3A_318 {offsets = [10], sizes = [1], strides = [1]} : vector<16xi32> to vector<1xi32>
      %squeeze3A_1179 = vector.extract %slice3A_1178[0] : i32 from vector<1xi32>
      %add3A_1180 = arith.constant 10 : i32
      %add3A_1181 = arith.addi %mul3A_334, %add3A_1180 : i32
      %and3A_1182 = arith.constant 127 : i32
      %and3A_1183 = arith.andi %squeeze3A_1179, %and3A_1182 : i32
      %broadcast_in_dim3A_1184 = vector.broadcast %and3A_1183 : i32 to vector<16xi32>
      %broadcast_in_dim3A_1185 = vector.broadcast %add3A_1181 : i32 to vector<16xi32>
      %add3A_1186 = arith.constant 0 : i32
      %add3A_1187 = vector.broadcast %add3A_1186 : i32 to vector<16xi32>
      %add3A_1188 = arith.addi %iota3A, %add3A_1187 : vector<16xi32>
      %gather3A_1189 = arith.constant 2 : i32
      %gather3A_1190 = arith.constant 0 : i32
      %gather3A_1191 = arith.constant 0 : i32
      %gather3A_1192 = tpu.memref_slice %arg6[%gather3A_1189, %gather3A_1190, %gather3A_1191] : memref<8x64x128xf32, #tpu.memory_space<vmem>> -> memref<1x64x128xf32, #tpu.memory_space<vmem>>
      %gather3A_1193 = tpu.memref_squeeze %gather3A_1192 : memref<1x64x128xf32, #tpu.memory_space<vmem>> -> memref<64x128xf32, #tpu.memory_space<vmem>>
      %gather3A_1194 = tpu.vector_load_idx %gather3A_1193[%add3A_1188, %broadcast_in_dim3A_1184] : memref<64x128xf32, #tpu.memory_space<vmem>>[vector<16xi32>, vector<16xi32>], vector<16xf32>,
      tpu.vector_store_idx %arg7[%add3A_1188, %broadcast_in_dim3A_1185], %gather3A_1194 : memref<64x128xf32, #tpu.memory_space<vmem>>[vector<16xi32>, vector<16xi32>], vector<16xf32>,
      %add3A_1195 = arith.constant 16 : i32
      %add3A_1196 = vector.broadcast %add3A_1195 : i32 to vector<16xi32>
      %add3A_1197 = arith.addi %iota3A, %add3A_1196 : vector<16xi32>
      %gather3A_1198 = arith.constant 2 : i32
      %gather3A_1199 = arith.constant 0 : i32
      %gather3A_1200 = arith.constant 0 : i32
      %gather3A_1201 = tpu.memref_slice %arg6[%gather3A_1198, %gather3A_1199, %gather3A_1200] : memref<8x64x128xf32, #tpu.memory_space<vmem>> -> memref<1x64x128xf32, #tpu.memory_space<vmem>>
      %gather3A_1202 = tpu.memref_squeeze %gather3A_1201 : memref<1x64x128xf32, #tpu.memory_space<vmem>> -> memref<64x128xf32, #tpu.memory_space<vmem>>
      %gather3A_1203 = tpu.vector_load_idx %gather3A_1202[%add3A_1197, %broadcast_in_dim3A_1184] : memref<64x128xf32, #tpu.memory_space<vmem>>[vector<16xi32>, vector<16xi32>], vector<16xf32>,
      tpu.vector_store_idx %arg7[%add3A_1197, %broadcast_in_dim3A_1185], %gather3A_1203 : memref<64x128xf32, #tpu.memory_space<vmem>>[vector<16xi32>, vector<16xi32>], vector<16xf32>,
      %add3A_1204 = arith.constant 32 : i32
      %add3A_1205 = vector.broadcast %add3A_1204 : i32 to vector<16xi32>
      %add3A_1206 = arith.addi %iota3A, %add3A_1205 : vector<16xi32>
      %gather3A_1207 = arith.constant 2 : i32
      %gather3A_1208 = arith.constant 0 : i32
      %gather3A_1209 = arith.constant 0 : i32
      %gather3A_1210 = tpu.memref_slice %arg6[%gather3A_1207, %gather3A_1208, %gather3A_1209] : memref<8x64x128xf32, #tpu.memory_space<vmem>> -> memref<1x64x128xf32, #tpu.memory_space<vmem>>
      %gather3A_1211 = tpu.memref_squeeze %gather3A_1210 : memref<1x64x128xf32, #tpu.memory_space<vmem>> -> memref<64x128xf32, #tpu.memory_space<vmem>>
      %gather3A_1212 = tpu.vector_load_idx %gather3A_1211[%add3A_1206, %broadcast_in_dim3A_1184] : memref<64x128xf32, #tpu.memory_space<vmem>>[vector<16xi32>, vector<16xi32>], vector<16xf32>,
      tpu.vector_store_idx %arg7[%add3A_1206, %broadcast_in_dim3A_1185], %gather3A_1212 : memref<64x128xf32, #tpu.memory_space<vmem>>[vector<16xi32>, vector<16xi32>], vector<16xf32>,
      %add3A_1213 = arith.constant 48 : i32
      %add3A_1214 = vector.broadcast %add3A_1213 : i32 to vector<16xi32>
      %add3A_1215 = arith.addi %iota3A, %add3A_1214 : vector<16xi32>
      %gather3A_1216 = arith.constant 2 : i32
      %gather3A_1217 = arith.constant 0 : i32
      %gather3A_1218 = arith.constant 0 : i32
      %gather3A_1219 = tpu.memref_slice %arg6[%gather3A_1216, %gather3A_1217, %gather3A_1218] : memref<8x64x128xf32, #tpu.memory_space<vmem>> -> memref<1x64x128xf32, #tpu.memory_space<vmem>>
      %gather3A_1220 = tpu.memref_squeeze %gather3A_1219 : memref<1x64x128xf32, #tpu.memory_space<vmem>> -> memref<64x128xf32, #tpu.memory_space<vmem>>
      %gather3A_1221 = tpu.vector_load_idx %gather3A_1220[%add3A_1215, %broadcast_in_dim3A_1184] : memref<64x128xf32, #tpu.memory_space<vmem>>[vector<16xi32>, vector<16xi32>], vector<16xf32>,
      tpu.vector_store_idx %arg7[%add3A_1215, %broadcast_in_dim3A_1185], %gather3A_1221 : memref<64x128xf32, #tpu.memory_space<vmem>>[vector<16xi32>, vector<16xi32>], vector<16xf32>,
      %slice3A_1222 = vector.extract_strided_slice %get3A_322 {offsets = [2], sizes = [1], strides = [1]} : vector<16xi32> to vector<1xi32>
      %squeeze3A_1223 = vector.extract %slice3A_1222[0] : i32 from vector<1xi32>
      %shift_right_arithmetic3A_1224 = arith.constant 7 : i32
      %shift_right_arithmetic3A_1225 = arith.shrsi %squeeze3A_1223, %shift_right_arithmetic3A_1224 : i32
      %mul3A_1226 = arith.constant 128 : i32
      %mul3A_1227 = arith.muli %shift_right_arithmetic3A_1225, %mul3A_1226 : i32
      %jit3A_1228 = arith.constant 0 : i32
      %jit3A_1229 = arith.constant 999936 : i32
      %max3A_1230 = arith.maxsi %jit3A_1228, %mul3A_1227 : i32
      %min3A_1231 = arith.minsi %jit3A_1229, %max3A_1230 : i32
      %multiple_of3A_1232 = tpu.assume_multiple %min3A_1231, 128 : i32
      %dma_start3A_1233 = arith.constant 2 : i32
      %dma_start3A_1234 = arith.constant 0 : i32
      %dma_start3A_1235 = arith.constant 0 : i32
      %dma_start3A_1236 = tpu.memref_slice %arg6[%dma_start3A_1233, %dma_start3A_1234, %dma_start3A_1235] : memref<8x64x128xf32, #tpu.memory_space<vmem>> -> memref<1x64x128xf32, #tpu.memory_space<vmem>>
      %dma_start3A_1237 = tpu.memref_squeeze %dma_start3A_1236 : memref<1x64x128xf32, #tpu.memory_space<vmem>> -> memref<64x128xf32, #tpu.memory_space<vmem>>
      %dma_start3A_1238 = arith.constant 0 : i32
      %dma_start3A_1239 = tpu.memref_slice %arg2[%dma_start3A_1238, %multiple_of3A_1232] : memref<64x1000000xf32, #tpu.memory_space<hbm>> -> memref<64x128xf32, #tpu.memory_space<hbm>>
      %dma_start3A_1240 = arith.constant 0 : i32
      %dma_start3A_1241 = arith.constant 0 : i32
      %dma_start3A_1242 = tpu.memref_slice %arg6[%dma_start3A_1233, %dma_start3A_1240, %dma_start3A_1241] : memref<8x64x128xf32, #tpu.memory_space<vmem>> -> memref<1x64x128xf32, #tpu.memory_space<vmem>>
      %dma_start3A_1243 = tpu.memref_squeeze %dma_start3A_1242 : memref<1x64x128xf32, #tpu.memory_space<vmem>> -> memref<64x128xf32, #tpu.memory_space<vmem>>
      %dma_start3A_1244 = arith.constant 0 : i32
      %dma_start3A_1245 = tpu.memref_slice %arg2[%dma_start3A_1244, %multiple_of3A_1232] : memref<64x1000000xf32, #tpu.memory_space<hbm>> -> memref<64x128xf32, #tpu.memory_space<hbm>>
      tpu.enqueue_dma source(%dma_start3A_1245 : memref<64x128xf32, #tpu.memory_space<hbm>>) target(%dma_start3A_1243 : memref<64x128xf32, #tpu.memory_space<vmem>>) target_semaphore(%arg10 : memref<!tpu.dma_semaphore, #tpu.memory_space<semaphore_mem>>)
      %dma_wait3A_1246 = arith.constant 3 : i32
      %dma_wait3A_1247 = arith.constant 0 : i32
      %dma_wait3A_1248 = arith.constant 0 : i32
      %dma_wait3A_1249 = tpu.memref_slice %arg6[%dma_wait3A_1246, %dma_wait3A_1247, %dma_wait3A_1248] : memref<8x64x128xf32, #tpu.memory_space<vmem>> -> memref<1x64x128xf32, #tpu.memory_space<vmem>>
      %dma_wait3A_1250 = tpu.memref_squeeze %dma_wait3A_1249 : memref<1x64x128xf32, #tpu.memory_space<vmem>> -> memref<64x128xf32, #tpu.memory_space<vmem>>
      %dma_wait3A_1251 = arith.constant 0 : i32
      %dma_wait3A_1252 = arith.constant 0 : i32
      %dma_wait3A_1253 = tpu.memref_slice %arg2[%dma_wait3A_1251, %dma_wait3A_1252] : memref<64x1000000xf32, #tpu.memory_space<hbm>> -> memref<64x128xf32, #tpu.memory_space<hbm>>
      %dma_wait3A_1254 = arith.constant 0 : i32
      %dma_wait3A_1255 = arith.constant 0 : i32
      %dma_wait3A_1256 = tpu.memref_slice %arg6[%dma_wait3A_1246, %dma_wait3A_1254, %dma_wait3A_1255] : memref<8x64x128xf32, #tpu.memory_space<vmem>> -> memref<1x64x128xf32, #tpu.memory_space<vmem>>
      %dma_wait3A_1257 = tpu.memref_squeeze %dma_wait3A_1256 : memref<1x64x128xf32, #tpu.memory_space<vmem>> -> memref<64x128xf32, #tpu.memory_space<vmem>>
      %dma_wait3A_1258 = arith.constant 0 : i32
      %dma_wait3A_1259 = arith.constant 0 : i32
      %dma_wait3A_1260 = tpu.memref_slice %arg2[%dma_wait3A_1258, %dma_wait3A_1259] : memref<64x1000000xf32, #tpu.memory_space<hbm>> -> memref<64x128xf32, #tpu.memory_space<hbm>>
      tpu.wait_dma2 semaphore(%arg11 : memref<!tpu.dma_semaphore, #tpu.memory_space<semaphore_mem>>) src(%dma_wait3A_1260 : memref<64x128xf32, #tpu.memory_space<hbm>>) dst(%dma_wait3A_1257 : memref<64x128xf32, #tpu.memory_space<vmem>>)
      %slice3A_1261 = vector.extract_strided_slice %get3A_318 {offsets = [11], sizes = [1], strides = [1]} : vector<16xi32> to vector<1xi32>
      %squeeze3A_1262 = vector.extract %slice3A_1261[0] : i32 from vector<1xi32>
      %add3A_1263 = arith.constant 11 : i32
      %add3A_1264 = arith.addi %mul3A_334, %add3A_1263 : i32
      %and3A_1265 = arith.constant 127 : i32
      %and3A_1266 = arith.andi %squeeze3A_1262, %and3A_1265 : i32
      %broadcast_in_dim3A_1267 = vector.broadcast %and3A_1266 : i32 to vector<16xi32>
      %broadcast_in_dim3A_1268 = vector.broadcast %add3A_1264 : i32 to vector<16xi32>
      %add3A_1269 = arith.constant 0 : i32
      %add3A_1270 = vector.broadcast %add3A_1269 : i32 to vector<16xi32>
      %add3A_1271 = arith.addi %iota3A, %add3A_1270 : vector<16xi32>
      %gather3A_1272 = arith.constant 3 : i32
      %gather3A_1273 = arith.constant 0 : i32
      %gather3A_1274 = arith.constant 0 : i32
      %gather3A_1275 = tpu.memref_slice %arg6[%gather3A_1272, %gather3A_1273, %gather3A_1274] : memref<8x64x128xf32, #tpu.memory_space<vmem>> -> memref<1x64x128xf32, #tpu.memory_space<vmem>>
      %gather3A_1276 = tpu.memref_squeeze %gather3A_1275 : memref<1x64x128xf32, #tpu.memory_space<vmem>> -> memref<64x128xf32, #tpu.memory_space<vmem>>
      %gather3A_1277 = tpu.vector_load_idx %gather3A_1276[%add3A_1271, %broadcast_in_dim3A_1267] : memref<64x128xf32, #tpu.memory_space<vmem>>[vector<16xi32>, vector<16xi32>], vector<16xf32>,
      tpu.vector_store_idx %arg7[%add3A_1271, %broadcast_in_dim3A_1268], %gather3A_1277 : memref<64x128xf32, #tpu.memory_space<vmem>>[vector<16xi32>, vector<16xi32>], vector<16xf32>,
      %add3A_1278 = arith.constant 16 : i32
      %add3A_1279 = vector.broadcast %add3A_1278 : i32 to vector<16xi32>
      %add3A_1280 = arith.addi %iota3A, %add3A_1279 : vector<16xi32>
      %gather3A_1281 = arith.constant 3 : i32
      %gather3A_1282 = arith.constant 0 : i32
      %gather3A_1283 = arith.constant 0 : i32
      %gather3A_1284 = tpu.memref_slice %arg6[%gather3A_1281, %gather3A_1282, %gather3A_1283] : memref<8x64x128xf32, #tpu.memory_space<vmem>> -> memref<1x64x128xf32, #tpu.memory_space<vmem>>
      %gather3A_1285 = tpu.memref_squeeze %gather3A_1284 : memref<1x64x128xf32, #tpu.memory_space<vmem>> -> memref<64x128xf32, #tpu.memory_space<vmem>>
      %gather3A_1286 = tpu.vector_load_idx %gather3A_1285[%add3A_1280, %broadcast_in_dim3A_1267] : memref<64x128xf32, #tpu.memory_space<vmem>>[vector<16xi32>, vector<16xi32>], vector<16xf32>,
      tpu.vector_store_idx %arg7[%add3A_1280, %broadcast_in_dim3A_1268], %gather3A_1286 : memref<64x128xf32, #tpu.memory_space<vmem>>[vector<16xi32>, vector<16xi32>], vector<16xf32>,
      %add3A_1287 = arith.constant 32 : i32
      %add3A_1288 = vector.broadcast %add3A_1287 : i32 to vector<16xi32>
      %add3A_1289 = arith.addi %iota3A, %add3A_1288 : vector<16xi32>
      %gather3A_1290 = arith.constant 3 : i32
      %gather3A_1291 = arith.constant 0 : i32
      %gather3A_1292 = arith.constant 0 : i32
      %gather3A_1293 = tpu.memref_slice %arg6[%gather3A_1290, %gather3A_1291, %gather3A_1292] : memref<8x64x128xf32, #tpu.memory_space<vmem>> -> memref<1x64x128xf32, #tpu.memory_space<vmem>>
      %gather3A_1294 = tpu.memref_squeeze %gather3A_1293 : memref<1x64x128xf32, #tpu.memory_space<vmem>> -> memref<64x128xf32, #tpu.memory_space<vmem>>
      %gather3A_1295 = tpu.vector_load_idx %gather3A_1294[%add3A_1289, %broadcast_in_dim3A_1267] : memref<64x128xf32, #tpu.memory_space<vmem>>[vector<16xi32>, vector<16xi32>], vector<16xf32>,
      tpu.vector_store_idx %arg7[%add3A_1289, %broadcast_in_dim3A_1268], %gather3A_1295 : memref<64x128xf32, #tpu.memory_space<vmem>>[vector<16xi32>, vector<16xi32>], vector<16xf32>,
      %add3A_1296 = arith.constant 48 : i32
      %add3A_1297 = vector.broadcast %add3A_1296 : i32 to vector<16xi32>
      %add3A_1298 = arith.addi %iota3A, %add3A_1297 : vector<16xi32>
      %gather3A_1299 = arith.constant 3 : i32
      %gather3A_1300 = arith.constant 0 : i32
      %gather3A_1301 = arith.constant 0 : i32
      %gather3A_1302 = tpu.memref_slice %arg6[%gather3A_1299, %gather3A_1300, %gather3A_1301] : memref<8x64x128xf32, #tpu.memory_space<vmem>> -> memref<1x64x128xf32, #tpu.memory_space<vmem>>
      %gather3A_1303 = tpu.memref_squeeze %gather3A_1302 : memref<1x64x128xf32, #tpu.memory_space<vmem>> -> memref<64x128xf32, #tpu.memory_space<vmem>>
      %gather3A_1304 = tpu.vector_load_idx %gather3A_1303[%add3A_1298, %broadcast_in_dim3A_1267] : memref<64x128xf32, #tpu.memory_space<vmem>>[vector<16xi32>, vector<16xi32>], vector<16xf32>,
      tpu.vector_store_idx %arg7[%add3A_1298, %broadcast_in_dim3A_1268], %gather3A_1304 : memref<64x128xf32, #tpu.memory_space<vmem>>[vector<16xi32>, vector<16xi32>], vector<16xf32>,
      %slice3A_1305 = vector.extract_strided_slice %get3A_322 {offsets = [3], sizes = [1], strides = [1]} : vector<16xi32> to vector<1xi32>
      %squeeze3A_1306 = vector.extract %slice3A_1305[0] : i32 from vector<1xi32>
      %shift_right_arithmetic3A_1307 = arith.constant 7 : i32
      %shift_right_arithmetic3A_1308 = arith.shrsi %squeeze3A_1306, %shift_right_arithmetic3A_1307 : i32
      %mul3A_1309 = arith.constant 128 : i32
      %mul3A_1310 = arith.muli %shift_right_arithmetic3A_1308, %mul3A_1309 : i32
      %jit3A_1311 = arith.constant 0 : i32
      %jit3A_1312 = arith.constant 999936 : i32
      %max3A_1313 = arith.maxsi %jit3A_1311, %mul3A_1310 : i32
      %min3A_1314 = arith.minsi %jit3A_1312, %max3A_1313 : i32
      %multiple_of3A_1315 = tpu.assume_multiple %min3A_1314, 128 : i32
      %dma_start3A_1316 = arith.constant 3 : i32
      %dma_start3A_1317 = arith.constant 0 : i32
      %dma_start3A_1318 = arith.constant 0 : i32
      %dma_start3A_1319 = tpu.memref_slice %arg6[%dma_start3A_1316, %dma_start3A_1317, %dma_start3A_1318] : memref<8x64x128xf32, #tpu.memory_space<vmem>> -> memref<1x64x128xf32, #tpu.memory_space<vmem>>
      %dma_start3A_1320 = tpu.memref_squeeze %dma_start3A_1319 : memref<1x64x128xf32, #tpu.memory_space<vmem>> -> memref<64x128xf32, #tpu.memory_space<vmem>>
      %dma_start3A_1321 = arith.constant 0 : i32
      %dma_start3A_1322 = tpu.memref_slice %arg2[%dma_start3A_1321, %multiple_of3A_1315] : memref<64x1000000xf32, #tpu.memory_space<hbm>> -> memref<64x128xf32, #tpu.memory_space<hbm>>
      %dma_start3A_1323 = arith.constant 0 : i32
      %dma_start3A_1324 = arith.constant 0 : i32
      %dma_start3A_1325 = tpu.memref_slice %arg6[%dma_start3A_1316, %dma_start3A_1323, %dma_start3A_1324] : memref<8x64x128xf32, #tpu.memory_space<vmem>> -> memref<1x64x128xf32, #tpu.memory_space<vmem>>
      %dma_start3A_1326 = tpu.memref_squeeze %dma_start3A_1325 : memref<1x64x128xf32, #tpu.memory_space<vmem>> -> memref<64x128xf32, #tpu.memory_space<vmem>>
      %dma_start3A_1327 = arith.constant 0 : i32
      %dma_start3A_1328 = tpu.memref_slice %arg2[%dma_start3A_1327, %multiple_of3A_1315] : memref<64x1000000xf32, #tpu.memory_space<hbm>> -> memref<64x128xf32, #tpu.memory_space<hbm>>
      tpu.enqueue_dma source(%dma_start3A_1328 : memref<64x128xf32, #tpu.memory_space<hbm>>) target(%dma_start3A_1326 : memref<64x128xf32, #tpu.memory_space<vmem>>) target_semaphore(%arg11 : memref<!tpu.dma_semaphore, #tpu.memory_space<semaphore_mem>>)
      %dma_wait3A_1329 = arith.constant 4 : i32
      %dma_wait3A_1330 = arith.constant 0 : i32
      %dma_wait3A_1331 = arith.constant 0 : i32
      %dma_wait3A_1332 = tpu.memref_slice %arg6[%dma_wait3A_1329, %dma_wait3A_1330, %dma_wait3A_1331] : memref<8x64x128xf32, #tpu.memory_space<vmem>> -> memref<1x64x128xf32, #tpu.memory_space<vmem>>
      %dma_wait3A_1333 = tpu.memref_squeeze %dma_wait3A_1332 : memref<1x64x128xf32, #tpu.memory_space<vmem>> -> memref<64x128xf32, #tpu.memory_space<vmem>>
      %dma_wait3A_1334 = arith.constant 0 : i32
      %dma_wait3A_1335 = arith.constant 0 : i32
      %dma_wait3A_1336 = tpu.memref_slice %arg2[%dma_wait3A_1334, %dma_wait3A_1335] : memref<64x1000000xf32, #tpu.memory_space<hbm>> -> memref<64x128xf32, #tpu.memory_space<hbm>>
      %dma_wait3A_1337 = arith.constant 0 : i32
      %dma_wait3A_1338 = arith.constant 0 : i32
      %dma_wait3A_1339 = tpu.memref_slice %arg6[%dma_wait3A_1329, %dma_wait3A_1337, %dma_wait3A_1338] : memref<8x64x128xf32, #tpu.memory_space<vmem>> -> memref<1x64x128xf32, #tpu.memory_space<vmem>>
      %dma_wait3A_1340 = tpu.memref_squeeze %dma_wait3A_1339 : memref<1x64x128xf32, #tpu.memory_space<vmem>> -> memref<64x128xf32, #tpu.memory_space<vmem>>
      %dma_wait3A_1341 = arith.constant 0 : i32
      %dma_wait3A_1342 = arith.constant 0 : i32
      %dma_wait3A_1343 = tpu.memref_slice %arg2[%dma_wait3A_1341, %dma_wait3A_1342] : memref<64x1000000xf32, #tpu.memory_space<hbm>> -> memref<64x128xf32, #tpu.memory_space<hbm>>
      tpu.wait_dma2 semaphore(%arg12 : memref<!tpu.dma_semaphore, #tpu.memory_space<semaphore_mem>>) src(%dma_wait3A_1343 : memref<64x128xf32, #tpu.memory_space<hbm>>) dst(%dma_wait3A_1340 : memref<64x128xf32, #tpu.memory_space<vmem>>)
      %slice3A_1344 = vector.extract_strided_slice %get3A_318 {offsets = [12], sizes = [1], strides = [1]} : vector<16xi32> to vector<1xi32>
      %squeeze3A_1345 = vector.extract %slice3A_1344[0] : i32 from vector<1xi32>
      %add3A_1346 = arith.constant 12 : i32
      %add3A_1347 = arith.addi %mul3A_334, %add3A_1346 : i32
      %and3A_1348 = arith.constant 127 : i32
      %and3A_1349 = arith.andi %squeeze3A_1345, %and3A_1348 : i32
      %broadcast_in_dim3A_1350 = vector.broadcast %and3A_1349 : i32 to vector<16xi32>
      %broadcast_in_dim3A_1351 = vector.broadcast %add3A_1347 : i32 to vector<16xi32>
      %add3A_1352 = arith.constant 0 : i32
      %add3A_1353 = vector.broadcast %add3A_1352 : i32 to vector<16xi32>
      %add3A_1354 = arith.addi %iota3A, %add3A_1353 : vector<16xi32>
      %gather3A_1355 = arith.constant 4 : i32
      %gather3A_1356 = arith.constant 0 : i32
      %gather3A_1357 = arith.constant 0 : i32
      %gather3A_1358 = tpu.memref_slice %arg6[%gather3A_1355, %gather3A_1356, %gather3A_1357] : memref<8x64x128xf32, #tpu.memory_space<vmem>> -> memref<1x64x128xf32, #tpu.memory_space<vmem>>
      %gather3A_1359 = tpu.memref_squeeze %gather3A_1358 : memref<1x64x128xf32, #tpu.memory_space<vmem>> -> memref<64x128xf32, #tpu.memory_space<vmem>>
      %gather3A_1360 = tpu.vector_load_idx %gather3A_1359[%add3A_1354, %broadcast_in_dim3A_1350] : memref<64x128xf32, #tpu.memory_space<vmem>>[vector<16xi32>, vector<16xi32>], vector<16xf32>,
      tpu.vector_store_idx %arg7[%add3A_1354, %broadcast_in_dim3A_1351], %gather3A_1360 : memref<64x128xf32, #tpu.memory_space<vmem>>[vector<16xi32>, vector<16xi32>], vector<16xf32>,
      %add3A_1361 = arith.constant 16 : i32
      %add3A_1362 = vector.broadcast %add3A_1361 : i32 to vector<16xi32>
      %add3A_1363 = arith.addi %iota3A, %add3A_1362 : vector<16xi32>
      %gather3A_1364 = arith.constant 4 : i32
      %gather3A_1365 = arith.constant 0 : i32
      %gather3A_1366 = arith.constant 0 : i32
      %gather3A_1367 = tpu.memref_slice %arg6[%gather3A_1364, %gather3A_1365, %gather3A_1366] : memref<8x64x128xf32, #tpu.memory_space<vmem>> -> memref<1x64x128xf32, #tpu.memory_space<vmem>>
      %gather3A_1368 = tpu.memref_squeeze %gather3A_1367 : memref<1x64x128xf32, #tpu.memory_space<vmem>> -> memref<64x128xf32, #tpu.memory_space<vmem>>
      %gather3A_1369 = tpu.vector_load_idx %gather3A_1368[%add3A_1363, %broadcast_in_dim3A_1350] : memref<64x128xf32, #tpu.memory_space<vmem>>[vector<16xi32>, vector<16xi32>], vector<16xf32>,
      tpu.vector_store_idx %arg7[%add3A_1363, %broadcast_in_dim3A_1351], %gather3A_1369 : memref<64x128xf32, #tpu.memory_space<vmem>>[vector<16xi32>, vector<16xi32>], vector<16xf32>,
      %add3A_1370 = arith.constant 32 : i32
      %add3A_1371 = vector.broadcast %add3A_1370 : i32 to vector<16xi32>
      %add3A_1372 = arith.addi %iota3A, %add3A_1371 : vector<16xi32>
      %gather3A_1373 = arith.constant 4 : i32
      %gather3A_1374 = arith.constant 0 : i32
      %gather3A_1375 = arith.constant 0 : i32
      %gather3A_1376 = tpu.memref_slice %arg6[%gather3A_1373, %gather3A_1374, %gather3A_1375] : memref<8x64x128xf32, #tpu.memory_space<vmem>> -> memref<1x64x128xf32, #tpu.memory_space<vmem>>
      %gather3A_1377 = tpu.memref_squeeze %gather3A_1376 : memref<1x64x128xf32, #tpu.memory_space<vmem>> -> memref<64x128xf32, #tpu.memory_space<vmem>>
      %gather3A_1378 = tpu.vector_load_idx %gather3A_1377[%add3A_1372, %broadcast_in_dim3A_1350] : memref<64x128xf32, #tpu.memory_space<vmem>>[vector<16xi32>, vector<16xi32>], vector<16xf32>,
      tpu.vector_store_idx %arg7[%add3A_1372, %broadcast_in_dim3A_1351], %gather3A_1378 : memref<64x128xf32, #tpu.memory_space<vmem>>[vector<16xi32>, vector<16xi32>], vector<16xf32>,
      %add3A_1379 = arith.constant 48 : i32
      %add3A_1380 = vector.broadcast %add3A_1379 : i32 to vector<16xi32>
      %add3A_1381 = arith.addi %iota3A, %add3A_1380 : vector<16xi32>
      %gather3A_1382 = arith.constant 4 : i32
      %gather3A_1383 = arith.constant 0 : i32
      %gather3A_1384 = arith.constant 0 : i32
      %gather3A_1385 = tpu.memref_slice %arg6[%gather3A_1382, %gather3A_1383, %gather3A_1384] : memref<8x64x128xf32, #tpu.memory_space<vmem>> -> memref<1x64x128xf32, #tpu.memory_space<vmem>>
      %gather3A_1386 = tpu.memref_squeeze %gather3A_1385 : memref<1x64x128xf32, #tpu.memory_space<vmem>> -> memref<64x128xf32, #tpu.memory_space<vmem>>
      %gather3A_1387 = tpu.vector_load_idx %gather3A_1386[%add3A_1381, %broadcast_in_dim3A_1350] : memref<64x128xf32, #tpu.memory_space<vmem>>[vector<16xi32>, vector<16xi32>], vector<16xf32>,
      tpu.vector_store_idx %arg7[%add3A_1381, %broadcast_in_dim3A_1351], %gather3A_1387 : memref<64x128xf32, #tpu.memory_space<vmem>>[vector<16xi32>, vector<16xi32>], vector<16xf32>,
      %slice3A_1388 = vector.extract_strided_slice %get3A_322 {offsets = [4], sizes = [1], strides = [1]} : vector<16xi32> to vector<1xi32>
      %squeeze3A_1389 = vector.extract %slice3A_1388[0] : i32 from vector<1xi32>
      %shift_right_arithmetic3A_1390 = arith.constant 7 : i32
      %shift_right_arithmetic3A_1391 = arith.shrsi %squeeze3A_1389, %shift_right_arithmetic3A_1390 : i32
      %mul3A_1392 = arith.constant 128 : i32
      %mul3A_1393 = arith.muli %shift_right_arithmetic3A_1391, %mul3A_1392 : i32
      %jit3A_1394 = arith.constant 0 : i32
      %jit3A_1395 = arith.constant 999936 : i32
      %max3A_1396 = arith.maxsi %jit3A_1394, %mul3A_1393 : i32
      %min3A_1397 = arith.minsi %jit3A_1395, %max3A_1396 : i32
      %multiple_of3A_1398 = tpu.assume_multiple %min3A_1397, 128 : i32
      %dma_start3A_1399 = arith.constant 4 : i32
      %dma_start3A_1400 = arith.constant 0 : i32
      %dma_start3A_1401 = arith.constant 0 : i32
      %dma_start3A_1402 = tpu.memref_slice %arg6[%dma_start3A_1399, %dma_start3A_1400, %dma_start3A_1401] : memref<8x64x128xf32, #tpu.memory_space<vmem>> -> memref<1x64x128xf32, #tpu.memory_space<vmem>>
      %dma_start3A_1403 = tpu.memref_squeeze %dma_start3A_1402 : memref<1x64x128xf32, #tpu.memory_space<vmem>> -> memref<64x128xf32, #tpu.memory_space<vmem>>
      %dma_start3A_1404 = arith.constant 0 : i32
      %dma_start3A_1405 = tpu.memref_slice %arg2[%dma_start3A_1404, %multiple_of3A_1398] : memref<64x1000000xf32, #tpu.memory_space<hbm>> -> memref<64x128xf32, #tpu.memory_space<hbm>>
      %dma_start3A_1406 = arith.constant 0 : i32
      %dma_start3A_1407 = arith.constant 0 : i32
      %dma_start3A_1408 = tpu.memref_slice %arg6[%dma_start3A_1399, %dma_start3A_1406, %dma_start3A_1407] : memref<8x64x128xf32, #tpu.memory_space<vmem>> -> memref<1x64x128xf32, #tpu.memory_space<vmem>>
      %dma_start3A_1409 = tpu.memref_squeeze %dma_start3A_1408 : memref<1x64x128xf32, #tpu.memory_space<vmem>> -> memref<64x128xf32, #tpu.memory_space<vmem>>
      %dma_start3A_1410 = arith.constant 0 : i32
      %dma_start3A_1411 = tpu.memref_slice %arg2[%dma_start3A_1410, %multiple_of3A_1398] : memref<64x1000000xf32, #tpu.memory_space<hbm>> -> memref<64x128xf32, #tpu.memory_space<hbm>>
      tpu.enqueue_dma source(%dma_start3A_1411 : memref<64x128xf32, #tpu.memory_space<hbm>>) target(%dma_start3A_1409 : memref<64x128xf32, #tpu.memory_space<vmem>>) target_semaphore(%arg12 : memref<!tpu.dma_semaphore, #tpu.memory_space<semaphore_mem>>)
      %dma_wait3A_1412 = arith.constant 5 : i32
      %dma_wait3A_1413 = arith.constant 0 : i32
      %dma_wait3A_1414 = arith.constant 0 : i32
      %dma_wait3A_1415 = tpu.memref_slice %arg6[%dma_wait3A_1412, %dma_wait3A_1413, %dma_wait3A_1414] : memref<8x64x128xf32, #tpu.memory_space<vmem>> -> memref<1x64x128xf32, #tpu.memory_space<vmem>>
      %dma_wait3A_1416 = tpu.memref_squeeze %dma_wait3A_1415 : memref<1x64x128xf32, #tpu.memory_space<vmem>> -> memref<64x128xf32, #tpu.memory_space<vmem>>
      %dma_wait3A_1417 = arith.constant 0 : i32
      %dma_wait3A_1418 = arith.constant 0 : i32
      %dma_wait3A_1419 = tpu.memref_slice %arg2[%dma_wait3A_1417, %dma_wait3A_1418] : memref<64x1000000xf32, #tpu.memory_space<hbm>> -> memref<64x128xf32, #tpu.memory_space<hbm>>
      %dma_wait3A_1420 = arith.constant 0 : i32
      %dma_wait3A_1421 = arith.constant 0 : i32
      %dma_wait3A_1422 = tpu.memref_slice %arg6[%dma_wait3A_1412, %dma_wait3A_1420, %dma_wait3A_1421] : memref<8x64x128xf32, #tpu.memory_space<vmem>> -> memref<1x64x128xf32, #tpu.memory_space<vmem>>
      %dma_wait3A_1423 = tpu.memref_squeeze %dma_wait3A_1422 : memref<1x64x128xf32, #tpu.memory_space<vmem>> -> memref<64x128xf32, #tpu.memory_space<vmem>>
      %dma_wait3A_1424 = arith.constant 0 : i32
      %dma_wait3A_1425 = arith.constant 0 : i32
      %dma_wait3A_1426 = tpu.memref_slice %arg2[%dma_wait3A_1424, %dma_wait3A_1425] : memref<64x1000000xf32, #tpu.memory_space<hbm>> -> memref<64x128xf32, #tpu.memory_space<hbm>>
      tpu.wait_dma2 semaphore(%arg13 : memref<!tpu.dma_semaphore, #tpu.memory_space<semaphore_mem>>) src(%dma_wait3A_1426 : memref<64x128xf32, #tpu.memory_space<hbm>>) dst(%dma_wait3A_1423 : memref<64x128xf32, #tpu.memory_space<vmem>>)
      %slice3A_1427 = vector.extract_strided_slice %get3A_318 {offsets = [13], sizes = [1], strides = [1]} : vector<16xi32> to vector<1xi32>
      %squeeze3A_1428 = vector.extract %slice3A_1427[0] : i32 from vector<1xi32>
      %add3A_1429 = arith.constant 13 : i32
      %add3A_1430 = arith.addi %mul3A_334, %add3A_1429 : i32
      %and3A_1431 = arith.constant 127 : i32
      %and3A_1432 = arith.andi %squeeze3A_1428, %and3A_1431 : i32
      %broadcast_in_dim3A_1433 = vector.broadcast %and3A_1432 : i32 to vector<16xi32>
      %broadcast_in_dim3A_1434 = vector.broadcast %add3A_1430 : i32 to vector<16xi32>
      %add3A_1435 = arith.constant 0 : i32
      %add3A_1436 = vector.broadcast %add3A_1435 : i32 to vector<16xi32>
      %add3A_1437 = arith.addi %iota3A, %add3A_1436 : vector<16xi32>
      %gather3A_1438 = arith.constant 5 : i32
      %gather3A_1439 = arith.constant 0 : i32
      %gather3A_1440 = arith.constant 0 : i32
      %gather3A_1441 = tpu.memref_slice %arg6[%gather3A_1438, %gather3A_1439, %gather3A_1440] : memref<8x64x128xf32, #tpu.memory_space<vmem>> -> memref<1x64x128xf32, #tpu.memory_space<vmem>>
      %gather3A_1442 = tpu.memref_squeeze %gather3A_1441 : memref<1x64x128xf32, #tpu.memory_space<vmem>> -> memref<64x128xf32, #tpu.memory_space<vmem>>
      %gather3A_1443 = tpu.vector_load_idx %gather3A_1442[%add3A_1437, %broadcast_in_dim3A_1433] : memref<64x128xf32, #tpu.memory_space<vmem>>[vector<16xi32>, vector<16xi32>], vector<16xf32>,
      tpu.vector_store_idx %arg7[%add3A_1437, %broadcast_in_dim3A_1434], %gather3A_1443 : memref<64x128xf32, #tpu.memory_space<vmem>>[vector<16xi32>, vector<16xi32>], vector<16xf32>,
      %add3A_1444 = arith.constant 16 : i32
      %add3A_1445 = vector.broadcast %add3A_1444 : i32 to vector<16xi32>
      %add3A_1446 = arith.addi %iota3A, %add3A_1445 : vector<16xi32>
      %gather3A_1447 = arith.constant 5 : i32
      %gather3A_1448 = arith.constant 0 : i32
      %gather3A_1449 = arith.constant 0 : i32
      %gather3A_1450 = tpu.memref_slice %arg6[%gather3A_1447, %gather3A_1448, %gather3A_1449] : memref<8x64x128xf32, #tpu.memory_space<vmem>> -> memref<1x64x128xf32, #tpu.memory_space<vmem>>
      %gather3A_1451 = tpu.memref_squeeze %gather3A_1450 : memref<1x64x128xf32, #tpu.memory_space<vmem>> -> memref<64x128xf32, #tpu.memory_space<vmem>>
      %gather3A_1452 = tpu.vector_load_idx %gather3A_1451[%add3A_1446, %broadcast_in_dim3A_1433] : memref<64x128xf32, #tpu.memory_space<vmem>>[vector<16xi32>, vector<16xi32>], vector<16xf32>,
      tpu.vector_store_idx %arg7[%add3A_1446, %broadcast_in_dim3A_1434], %gather3A_1452 : memref<64x128xf32, #tpu.memory_space<vmem>>[vector<16xi32>, vector<16xi32>], vector<16xf32>,
      %add3A_1453 = arith.constant 32 : i32
      %add3A_1454 = vector.broadcast %add3A_1453 : i32 to vector<16xi32>
      %add3A_1455 = arith.addi %iota3A, %add3A_1454 : vector<16xi32>
      %gather3A_1456 = arith.constant 5 : i32
      %gather3A_1457 = arith.constant 0 : i32
      %gather3A_1458 = arith.constant 0 : i32
      %gather3A_1459 = tpu.memref_slice %arg6[%gather3A_1456, %gather3A_1457, %gather3A_1458] : memref<8x64x128xf32, #tpu.memory_space<vmem>> -> memref<1x64x128xf32, #tpu.memory_space<vmem>>
      %gather3A_1460 = tpu.memref_squeeze %gather3A_1459 : memref<1x64x128xf32, #tpu.memory_space<vmem>> -> memref<64x128xf32, #tpu.memory_space<vmem>>
      %gather3A_1461 = tpu.vector_load_idx %gather3A_1460[%add3A_1455, %broadcast_in_dim3A_1433] : memref<64x128xf32, #tpu.memory_space<vmem>>[vector<16xi32>, vector<16xi32>], vector<16xf32>,
      tpu.vector_store_idx %arg7[%add3A_1455, %broadcast_in_dim3A_1434], %gather3A_1461 : memref<64x128xf32, #tpu.memory_space<vmem>>[vector<16xi32>, vector<16xi32>], vector<16xf32>,
      %add3A_1462 = arith.constant 48 : i32
      %add3A_1463 = vector.broadcast %add3A_1462 : i32 to vector<16xi32>
      %add3A_1464 = arith.addi %iota3A, %add3A_1463 : vector<16xi32>
      %gather3A_1465 = arith.constant 5 : i32
      %gather3A_1466 = arith.constant 0 : i32
      %gather3A_1467 = arith.constant 0 : i32
      %gather3A_1468 = tpu.memref_slice %arg6[%gather3A_1465, %gather3A_1466, %gather3A_1467] : memref<8x64x128xf32, #tpu.memory_space<vmem>> -> memref<1x64x128xf32, #tpu.memory_space<vmem>>
      %gather3A_1469 = tpu.memref_squeeze %gather3A_1468 : memref<1x64x128xf32, #tpu.memory_space<vmem>> -> memref<64x128xf32, #tpu.memory_space<vmem>>
      %gather3A_1470 = tpu.vector_load_idx %gather3A_1469[%add3A_1464, %broadcast_in_dim3A_1433] : memref<64x128xf32, #tpu.memory_space<vmem>>[vector<16xi32>, vector<16xi32>], vector<16xf32>,
      tpu.vector_store_idx %arg7[%add3A_1464, %broadcast_in_dim3A_1434], %gather3A_1470 : memref<64x128xf32, #tpu.memory_space<vmem>>[vector<16xi32>, vector<16xi32>], vector<16xf32>,
      %slice3A_1471 = vector.extract_strided_slice %get3A_322 {offsets = [5], sizes = [1], strides = [1]} : vector<16xi32> to vector<1xi32>
      %squeeze3A_1472 = vector.extract %slice3A_1471[0] : i32 from vector<1xi32>
      %shift_right_arithmetic3A_1473 = arith.constant 7 : i32
      %shift_right_arithmetic3A_1474 = arith.shrsi %squeeze3A_1472, %shift_right_arithmetic3A_1473 : i32
      %mul3A_1475 = arith.constant 128 : i32
      %mul3A_1476 = arith.muli %shift_right_arithmetic3A_1474, %mul3A_1475 : i32
      %jit3A_1477 = arith.constant 0 : i32
      %jit3A_1478 = arith.constant 999936 : i32
      %max3A_1479 = arith.maxsi %jit3A_1477, %mul3A_1476 : i32
      %min3A_1480 = arith.minsi %jit3A_1478, %max3A_1479 : i32
      %multiple_of3A_1481 = tpu.assume_multiple %min3A_1480, 128 : i32
      %dma_start3A_1482 = arith.constant 5 : i32
      %dma_start3A_1483 = arith.constant 0 : i32
      %dma_start3A_1484 = arith.constant 0 : i32
      %dma_start3A_1485 = tpu.memref_slice %arg6[%dma_start3A_1482, %dma_start3A_1483, %dma_start3A_1484] : memref<8x64x128xf32, #tpu.memory_space<vmem>> -> memref<1x64x128xf32, #tpu.memory_space<vmem>>
      %dma_start3A_1486 = tpu.memref_squeeze %dma_start3A_1485 : memref<1x64x128xf32, #tpu.memory_space<vmem>> -> memref<64x128xf32, #tpu.memory_space<vmem>>
      %dma_start3A_1487 = arith.constant 0 : i32
      %dma_start3A_1488 = tpu.memref_slice %arg2[%dma_start3A_1487, %multiple_of3A_1481] : memref<64x1000000xf32, #tpu.memory_space<hbm>> -> memref<64x128xf32, #tpu.memory_space<hbm>>
      %dma_start3A_1489 = arith.constant 0 : i32
      %dma_start3A_1490 = arith.constant 0 : i32
      %dma_start3A_1491 = tpu.memref_slice %arg6[%dma_start3A_1482, %dma_start3A_1489, %dma_start3A_1490] : memref<8x64x128xf32, #tpu.memory_space<vmem>> -> memref<1x64x128xf32, #tpu.memory_space<vmem>>
      %dma_start3A_1492 = tpu.memref_squeeze %dma_start3A_1491 : memref<1x64x128xf32, #tpu.memory_space<vmem>> -> memref<64x128xf32, #tpu.memory_space<vmem>>
      %dma_start3A_1493 = arith.constant 0 : i32
      %dma_start3A_1494 = tpu.memref_slice %arg2[%dma_start3A_1493, %multiple_of3A_1481] : memref<64x1000000xf32, #tpu.memory_space<hbm>> -> memref<64x128xf32, #tpu.memory_space<hbm>>
      tpu.enqueue_dma source(%dma_start3A_1494 : memref<64x128xf32, #tpu.memory_space<hbm>>) target(%dma_start3A_1492 : memref<64x128xf32, #tpu.memory_space<vmem>>) target_semaphore(%arg13 : memref<!tpu.dma_semaphore, #tpu.memory_space<semaphore_mem>>)
      %dma_wait3A_1495 = arith.constant 6 : i32
      %dma_wait3A_1496 = arith.constant 0 : i32
      %dma_wait3A_1497 = arith.constant 0 : i32
      %dma_wait3A_1498 = tpu.memref_slice %arg6[%dma_wait3A_1495, %dma_wait3A_1496, %dma_wait3A_1497] : memref<8x64x128xf32, #tpu.memory_space<vmem>> -> memref<1x64x128xf32, #tpu.memory_space<vmem>>
      %dma_wait3A_1499 = tpu.memref_squeeze %dma_wait3A_1498 : memref<1x64x128xf32, #tpu.memory_space<vmem>> -> memref<64x128xf32, #tpu.memory_space<vmem>>
      %dma_wait3A_1500 = arith.constant 0 : i32
      %dma_wait3A_1501 = arith.constant 0 : i32
      %dma_wait3A_1502 = tpu.memref_slice %arg2[%dma_wait3A_1500, %dma_wait3A_1501] : memref<64x1000000xf32, #tpu.memory_space<hbm>> -> memref<64x128xf32, #tpu.memory_space<hbm>>
      %dma_wait3A_1503 = arith.constant 0 : i32
      %dma_wait3A_1504 = arith.constant 0 : i32
      %dma_wait3A_1505 = tpu.memref_slice %arg6[%dma_wait3A_1495, %dma_wait3A_1503, %dma_wait3A_1504] : memref<8x64x128xf32, #tpu.memory_space<vmem>> -> memref<1x64x128xf32, #tpu.memory_space<vmem>>
      %dma_wait3A_1506 = tpu.memref_squeeze %dma_wait3A_1505 : memref<1x64x128xf32, #tpu.memory_space<vmem>> -> memref<64x128xf32, #tpu.memory_space<vmem>>
      %dma_wait3A_1507 = arith.constant 0 : i32
      %dma_wait3A_1508 = arith.constant 0 : i32
      %dma_wait3A_1509 = tpu.memref_slice %arg2[%dma_wait3A_1507, %dma_wait3A_1508] : memref<64x1000000xf32, #tpu.memory_space<hbm>> -> memref<64x128xf32, #tpu.memory_space<hbm>>
      tpu.wait_dma2 semaphore(%arg14 : memref<!tpu.dma_semaphore, #tpu.memory_space<semaphore_mem>>) src(%dma_wait3A_1509 : memref<64x128xf32, #tpu.memory_space<hbm>>) dst(%dma_wait3A_1506 : memref<64x128xf32, #tpu.memory_space<vmem>>)
      %slice3A_1510 = vector.extract_strided_slice %get3A_318 {offsets = [14], sizes = [1], strides = [1]} : vector<16xi32> to vector<1xi32>
      %squeeze3A_1511 = vector.extract %slice3A_1510[0] : i32 from vector<1xi32>
      %add3A_1512 = arith.constant 14 : i32
      %add3A_1513 = arith.addi %mul3A_334, %add3A_1512 : i32
      %and3A_1514 = arith.constant 127 : i32
      %and3A_1515 = arith.andi %squeeze3A_1511, %and3A_1514 : i32
      %broadcast_in_dim3A_1516 = vector.broadcast %and3A_1515 : i32 to vector<16xi32>
      %broadcast_in_dim3A_1517 = vector.broadcast %add3A_1513 : i32 to vector<16xi32>
      %add3A_1518 = arith.constant 0 : i32
      %add3A_1519 = vector.broadcast %add3A_1518 : i32 to vector<16xi32>
      %add3A_1520 = arith.addi %iota3A, %add3A_1519 : vector<16xi32>
      %gather3A_1521 = arith.constant 6 : i32
      %gather3A_1522 = arith.constant 0 : i32
      %gather3A_1523 = arith.constant 0 : i32
      %gather3A_1524 = tpu.memref_slice %arg6[%gather3A_1521, %gather3A_1522, %gather3A_1523] : memref<8x64x128xf32, #tpu.memory_space<vmem>> -> memref<1x64x128xf32, #tpu.memory_space<vmem>>
      %gather3A_1525 = tpu.memref_squeeze %gather3A_1524 : memref<1x64x128xf32, #tpu.memory_space<vmem>> -> memref<64x128xf32, #tpu.memory_space<vmem>>
      %gather3A_1526 = tpu.vector_load_idx %gather3A_1525[%add3A_1520, %broadcast_in_dim3A_1516] : memref<64x128xf32, #tpu.memory_space<vmem>>[vector<16xi32>, vector<16xi32>], vector<16xf32>,
      tpu.vector_store_idx %arg7[%add3A_1520, %broadcast_in_dim3A_1517], %gather3A_1526 : memref<64x128xf32, #tpu.memory_space<vmem>>[vector<16xi32>, vector<16xi32>], vector<16xf32>,
      %add3A_1527 = arith.constant 16 : i32
      %add3A_1528 = vector.broadcast %add3A_1527 : i32 to vector<16xi32>
      %add3A_1529 = arith.addi %iota3A, %add3A_1528 : vector<16xi32>
      %gather3A_1530 = arith.constant 6 : i32
      %gather3A_1531 = arith.constant 0 : i32
      %gather3A_1532 = arith.constant 0 : i32
      %gather3A_1533 = tpu.memref_slice %arg6[%gather3A_1530, %gather3A_1531, %gather3A_1532] : memref<8x64x128xf32, #tpu.memory_space<vmem>> -> memref<1x64x128xf32, #tpu.memory_space<vmem>>
      %gather3A_1534 = tpu.memref_squeeze %gather3A_1533 : memref<1x64x128xf32, #tpu.memory_space<vmem>> -> memref<64x128xf32, #tpu.memory_space<vmem>>
      %gather3A_1535 = tpu.vector_load_idx %gather3A_1534[%add3A_1529, %broadcast_in_dim3A_1516] : memref<64x128xf32, #tpu.memory_space<vmem>>[vector<16xi32>, vector<16xi32>], vector<16xf32>,
      tpu.vector_store_idx %arg7[%add3A_1529, %broadcast_in_dim3A_1517], %gather3A_1535 : memref<64x128xf32, #tpu.memory_space<vmem>>[vector<16xi32>, vector<16xi32>], vector<16xf32>,
      %add3A_1536 = arith.constant 32 : i32
      %add3A_1537 = vector.broadcast %add3A_1536 : i32 to vector<16xi32>
      %add3A_1538 = arith.addi %iota3A, %add3A_1537 : vector<16xi32>
      %gather3A_1539 = arith.constant 6 : i32
      %gather3A_1540 = arith.constant 0 : i32
      %gather3A_1541 = arith.constant 0 : i32
      %gather3A_1542 = tpu.memref_slice %arg6[%gather3A_1539, %gather3A_1540, %gather3A_1541] : memref<8x64x128xf32, #tpu.memory_space<vmem>> -> memref<1x64x128xf32, #tpu.memory_space<vmem>>
      %gather3A_1543 = tpu.memref_squeeze %gather3A_1542 : memref<1x64x128xf32, #tpu.memory_space<vmem>> -> memref<64x128xf32, #tpu.memory_space<vmem>>
      %gather3A_1544 = tpu.vector_load_idx %gather3A_1543[%add3A_1538, %broadcast_in_dim3A_1516] : memref<64x128xf32, #tpu.memory_space<vmem>>[vector<16xi32>, vector<16xi32>], vector<16xf32>,
      tpu.vector_store_idx %arg7[%add3A_1538, %broadcast_in_dim3A_1517], %gather3A_1544 : memref<64x128xf32, #tpu.memory_space<vmem>>[vector<16xi32>, vector<16xi32>], vector<16xf32>,
      %add3A_1545 = arith.constant 48 : i32
      %add3A_1546 = vector.broadcast %add3A_1545 : i32 to vector<16xi32>
      %add3A_1547 = arith.addi %iota3A, %add3A_1546 : vector<16xi32>
      %gather3A_1548 = arith.constant 6 : i32
      %gather3A_1549 = arith.constant 0 : i32
      %gather3A_1550 = arith.constant 0 : i32
      %gather3A_1551 = tpu.memref_slice %arg6[%gather3A_1548, %gather3A_1549, %gather3A_1550] : memref<8x64x128xf32, #tpu.memory_space<vmem>> -> memref<1x64x128xf32, #tpu.memory_space<vmem>>
      %gather3A_1552 = tpu.memref_squeeze %gather3A_1551 : memref<1x64x128xf32, #tpu.memory_space<vmem>> -> memref<64x128xf32, #tpu.memory_space<vmem>>
      %gather3A_1553 = tpu.vector_load_idx %gather3A_1552[%add3A_1547, %broadcast_in_dim3A_1516] : memref<64x128xf32, #tpu.memory_space<vmem>>[vector<16xi32>, vector<16xi32>], vector<16xf32>,
      tpu.vector_store_idx %arg7[%add3A_1547, %broadcast_in_dim3A_1517], %gather3A_1553 : memref<64x128xf32, #tpu.memory_space<vmem>>[vector<16xi32>, vector<16xi32>], vector<16xf32>,
      %slice3A_1554 = vector.extract_strided_slice %get3A_322 {offsets = [6], sizes = [1], strides = [1]} : vector<16xi32> to vector<1xi32>
      %squeeze3A_1555 = vector.extract %slice3A_1554[0] : i32 from vector<1xi32>
      %shift_right_arithmetic3A_1556 = arith.constant 7 : i32
      %shift_right_arithmetic3A_1557 = arith.shrsi %squeeze3A_1555, %shift_right_arithmetic3A_1556 : i32
      %mul3A_1558 = arith.constant 128 : i32
      %mul3A_1559 = arith.muli %shift_right_arithmetic3A_1557, %mul3A_1558 : i32
      %jit3A_1560 = arith.constant 0 : i32
      %jit3A_1561 = arith.constant 999936 : i32
      %max3A_1562 = arith.maxsi %jit3A_1560, %mul3A_1559 : i32
      %min3A_1563 = arith.minsi %jit3A_1561, %max3A_1562 : i32
      %multiple_of3A_1564 = tpu.assume_multiple %min3A_1563, 128 : i32
      %dma_start3A_1565 = arith.constant 6 : i32
      %dma_start3A_1566 = arith.constant 0 : i32
      %dma_start3A_1567 = arith.constant 0 : i32
      %dma_start3A_1568 = tpu.memref_slice %arg6[%dma_start3A_1565, %dma_start3A_1566, %dma_start3A_1567] : memref<8x64x128xf32, #tpu.memory_space<vmem>> -> memref<1x64x128xf32, #tpu.memory_space<vmem>>
      %dma_start3A_1569 = tpu.memref_squeeze %dma_start3A_1568 : memref<1x64x128xf32, #tpu.memory_space<vmem>> -> memref<64x128xf32, #tpu.memory_space<vmem>>
      %dma_start3A_1570 = arith.constant 0 : i32
      %dma_start3A_1571 = tpu.memref_slice %arg2[%dma_start3A_1570, %multiple_of3A_1564] : memref<64x1000000xf32, #tpu.memory_space<hbm>> -> memref<64x128xf32, #tpu.memory_space<hbm>>
      %dma_start3A_1572 = arith.constant 0 : i32
      %dma_start3A_1573 = arith.constant 0 : i32
      %dma_start3A_1574 = tpu.memref_slice %arg6[%dma_start3A_1565, %dma_start3A_1572, %dma_start3A_1573] : memref<8x64x128xf32, #tpu.memory_space<vmem>> -> memref<1x64x128xf32, #tpu.memory_space<vmem>>
      %dma_start3A_1575 = tpu.memref_squeeze %dma_start3A_1574 : memref<1x64x128xf32, #tpu.memory_space<vmem>> -> memref<64x128xf32, #tpu.memory_space<vmem>>
      %dma_start3A_1576 = arith.constant 0 : i32
      %dma_start3A_1577 = tpu.memref_slice %arg2[%dma_start3A_1576, %multiple_of3A_1564] : memref<64x1000000xf32, #tpu.memory_space<hbm>> -> memref<64x128xf32, #tpu.memory_space<hbm>>
      tpu.enqueue_dma source(%dma_start3A_1577 : memref<64x128xf32, #tpu.memory_space<hbm>>) target(%dma_start3A_1575 : memref<64x128xf32, #tpu.memory_space<vmem>>) target_semaphore(%arg14 : memref<!tpu.dma_semaphore, #tpu.memory_space<semaphore_mem>>)
      %dma_wait3A_1578 = arith.constant 7 : i32
      %dma_wait3A_1579 = arith.constant 0 : i32
      %dma_wait3A_1580 = arith.constant 0 : i32
      %dma_wait3A_1581 = tpu.memref_slice %arg6[%dma_wait3A_1578, %dma_wait3A_1579, %dma_wait3A_1580] : memref<8x64x128xf32, #tpu.memory_space<vmem>> -> memref<1x64x128xf32, #tpu.memory_space<vmem>>
      %dma_wait3A_1582 = tpu.memref_squeeze %dma_wait3A_1581 : memref<1x64x128xf32, #tpu.memory_space<vmem>> -> memref<64x128xf32, #tpu.memory_space<vmem>>
      %dma_wait3A_1583 = arith.constant 0 : i32
      %dma_wait3A_1584 = arith.constant 0 : i32
      %dma_wait3A_1585 = tpu.memref_slice %arg2[%dma_wait3A_1583, %dma_wait3A_1584] : memref<64x1000000xf32, #tpu.memory_space<hbm>> -> memref<64x128xf32, #tpu.memory_space<hbm>>
      %dma_wait3A_1586 = arith.constant 0 : i32
      %dma_wait3A_1587 = arith.constant 0 : i32
      %dma_wait3A_1588 = tpu.memref_slice %arg6[%dma_wait3A_1578, %dma_wait3A_1586, %dma_wait3A_1587] : memref<8x64x128xf32, #tpu.memory_space<vmem>> -> memref<1x64x128xf32, #tpu.memory_space<vmem>>
      %dma_wait3A_1589 = tpu.memref_squeeze %dma_wait3A_1588 : memref<1x64x128xf32, #tpu.memory_space<vmem>> -> memref<64x128xf32, #tpu.memory_space<vmem>>
      %dma_wait3A_1590 = arith.constant 0 : i32
      %dma_wait3A_1591 = arith.constant 0 : i32
      %dma_wait3A_1592 = tpu.memref_slice %arg2[%dma_wait3A_1590, %dma_wait3A_1591] : memref<64x1000000xf32, #tpu.memory_space<hbm>> -> memref<64x128xf32, #tpu.memory_space<hbm>>
      tpu.wait_dma2 semaphore(%arg15 : memref<!tpu.dma_semaphore, #tpu.memory_space<semaphore_mem>>) src(%dma_wait3A_1592 : memref<64x128xf32, #tpu.memory_space<hbm>>) dst(%dma_wait3A_1589 : memref<64x128xf32, #tpu.memory_space<vmem>>)
      %slice3A_1593 = vector.extract_strided_slice %get3A_318 {offsets = [15], sizes = [1], strides = [1]} : vector<16xi32> to vector<1xi32>
      %squeeze3A_1594 = vector.extract %slice3A_1593[0] : i32 from vector<1xi32>
      %add3A_1595 = arith.constant 15 : i32
      %add3A_1596 = arith.addi %mul3A_334, %add3A_1595 : i32
      %and3A_1597 = arith.constant 127 : i32
      %and3A_1598 = arith.andi %squeeze3A_1594, %and3A_1597 : i32
      %broadcast_in_dim3A_1599 = vector.broadcast %and3A_1598 : i32 to vector<16xi32>
      %broadcast_in_dim3A_1600 = vector.broadcast %add3A_1596 : i32 to vector<16xi32>
      %add3A_1601 = arith.constant 0 : i32
      %add3A_1602 = vector.broadcast %add3A_1601 : i32 to vector<16xi32>
      %add3A_1603 = arith.addi %iota3A, %add3A_1602 : vector<16xi32>
      %gather3A_1604 = arith.constant 7 : i32
      %gather3A_1605 = arith.constant 0 : i32
      %gather3A_1606 = arith.constant 0 : i32
      %gather3A_1607 = tpu.memref_slice %arg6[%gather3A_1604, %gather3A_1605, %gather3A_1606] : memref<8x64x128xf32, #tpu.memory_space<vmem>> -> memref<1x64x128xf32, #tpu.memory_space<vmem>>
      %gather3A_1608 = tpu.memref_squeeze %gather3A_1607 : memref<1x64x128xf32, #tpu.memory_space<vmem>> -> memref<64x128xf32, #tpu.memory_space<vmem>>
      %gather3A_1609 = tpu.vector_load_idx %gather3A_1608[%add3A_1603, %broadcast_in_dim3A_1599] : memref<64x128xf32, #tpu.memory_space<vmem>>[vector<16xi32>, vector<16xi32>], vector<16xf32>,
      tpu.vector_store_idx %arg7[%add3A_1603, %broadcast_in_dim3A_1600], %gather3A_1609 : memref<64x128xf32, #tpu.memory_space<vmem>>[vector<16xi32>, vector<16xi32>], vector<16xf32>,
      %add3A_1610 = arith.constant 16 : i32
      %add3A_1611 = vector.broadcast %add3A_1610 : i32 to vector<16xi32>
      %add3A_1612 = arith.addi %iota3A, %add3A_1611 : vector<16xi32>
      %gather3A_1613 = arith.constant 7 : i32
      %gather3A_1614 = arith.constant 0 : i32
      %gather3A_1615 = arith.constant 0 : i32
      %gather3A_1616 = tpu.memref_slice %arg6[%gather3A_1613, %gather3A_1614, %gather3A_1615] : memref<8x64x128xf32, #tpu.memory_space<vmem>> -> memref<1x64x128xf32, #tpu.memory_space<vmem>>
      %gather3A_1617 = tpu.memref_squeeze %gather3A_1616 : memref<1x64x128xf32, #tpu.memory_space<vmem>> -> memref<64x128xf32, #tpu.memory_space<vmem>>
      %gather3A_1618 = tpu.vector_load_idx %gather3A_1617[%add3A_1612, %broadcast_in_dim3A_1599] : memref<64x128xf32, #tpu.memory_space<vmem>>[vector<16xi32>, vector<16xi32>], vector<16xf32>,
      tpu.vector_store_idx %arg7[%add3A_1612, %broadcast_in_dim3A_1600], %gather3A_1618 : memref<64x128xf32, #tpu.memory_space<vmem>>[vector<16xi32>, vector<16xi32>], vector<16xf32>,
      %add3A_1619 = arith.constant 32 : i32
      %add3A_1620 = vector.broadcast %add3A_1619 : i32 to vector<16xi32>
      %add3A_1621 = arith.addi %iota3A, %add3A_1620 : vector<16xi32>
      %gather3A_1622 = arith.constant 7 : i32
      %gather3A_1623 = arith.constant 0 : i32
      %gather3A_1624 = arith.constant 0 : i32
      %gather3A_1625 = tpu.memref_slice %arg6[%gather3A_1622, %gather3A_1623, %gather3A_1624] : memref<8x64x128xf32, #tpu.memory_space<vmem>> -> memref<1x64x128xf32, #tpu.memory_space<vmem>>
      %gather3A_1626 = tpu.memref_squeeze %gather3A_1625 : memref<1x64x128xf32, #tpu.memory_space<vmem>> -> memref<64x128xf32, #tpu.memory_space<vmem>>
      %gather3A_1627 = tpu.vector_load_idx %gather3A_1626[%add3A_1621, %broadcast_in_dim3A_1599] : memref<64x128xf32, #tpu.memory_space<vmem>>[vector<16xi32>, vector<16xi32>], vector<16xf32>,
      tpu.vector_store_idx %arg7[%add3A_1621, %broadcast_in_dim3A_1600], %gather3A_1627 : memref<64x128xf32, #tpu.memory_space<vmem>>[vector<16xi32>, vector<16xi32>], vector<16xf32>,
      %add3A_1628 = arith.constant 48 : i32
      %add3A_1629 = vector.broadcast %add3A_1628 : i32 to vector<16xi32>
      %add3A_1630 = arith.addi %iota3A, %add3A_1629 : vector<16xi32>
      %gather3A_1631 = arith.constant 7 : i32
      %gather3A_1632 = arith.constant 0 : i32
      %gather3A_1633 = arith.constant 0 : i32
      %gather3A_1634 = tpu.memref_slice %arg6[%gather3A_1631, %gather3A_1632, %gather3A_1633] : memref<8x64x128xf32, #tpu.memory_space<vmem>> -> memref<1x64x128xf32, #tpu.memory_space<vmem>>
      %gather3A_1635 = tpu.memref_squeeze %gather3A_1634 : memref<1x64x128xf32, #tpu.memory_space<vmem>> -> memref<64x128xf32, #tpu.memory_space<vmem>>
      %gather3A_1636 = tpu.vector_load_idx %gather3A_1635[%add3A_1630, %broadcast_in_dim3A_1599] : memref<64x128xf32, #tpu.memory_space<vmem>>[vector<16xi32>, vector<16xi32>], vector<16xf32>,
      tpu.vector_store_idx %arg7[%add3A_1630, %broadcast_in_dim3A_1600], %gather3A_1636 : memref<64x128xf32, #tpu.memory_space<vmem>>[vector<16xi32>, vector<16xi32>], vector<16xf32>,
      %slice3A_1637 = vector.extract_strided_slice %get3A_322 {offsets = [7], sizes = [1], strides = [1]} : vector<16xi32> to vector<1xi32>
      %squeeze3A_1638 = vector.extract %slice3A_1637[0] : i32 from vector<1xi32>
      %shift_right_arithmetic3A_1639 = arith.constant 7 : i32
      %shift_right_arithmetic3A_1640 = arith.shrsi %squeeze3A_1638, %shift_right_arithmetic3A_1639 : i32
      %mul3A_1641 = arith.constant 128 : i32
      %mul3A_1642 = arith.muli %shift_right_arithmetic3A_1640, %mul3A_1641 : i32
      %jit3A_1643 = arith.constant 0 : i32
      %jit3A_1644 = arith.constant 999936 : i32
      %max3A_1645 = arith.maxsi %jit3A_1643, %mul3A_1642 : i32
      %min3A_1646 = arith.minsi %jit3A_1644, %max3A_1645 : i32
      %multiple_of3A_1647 = tpu.assume_multiple %min3A_1646, 128 : i32
      %dma_start3A_1648 = arith.constant 7 : i32
      %dma_start3A_1649 = arith.constant 0 : i32
      %dma_start3A_1650 = arith.constant 0 : i32
      %dma_start3A_1651 = tpu.memref_slice %arg6[%dma_start3A_1648, %dma_start3A_1649, %dma_start3A_1650] : memref<8x64x128xf32, #tpu.memory_space<vmem>> -> memref<1x64x128xf32, #tpu.memory_space<vmem>>
      %dma_start3A_1652 = tpu.memref_squeeze %dma_start3A_1651 : memref<1x64x128xf32, #tpu.memory_space<vmem>> -> memref<64x128xf32, #tpu.memory_space<vmem>>
      %dma_start3A_1653 = arith.constant 0 : i32
      %dma_start3A_1654 = tpu.memref_slice %arg2[%dma_start3A_1653, %multiple_of3A_1647] : memref<64x1000000xf32, #tpu.memory_space<hbm>> -> memref<64x128xf32, #tpu.memory_space<hbm>>
      %dma_start3A_1655 = arith.constant 0 : i32
      %dma_start3A_1656 = arith.constant 0 : i32
      %dma_start3A_1657 = tpu.memref_slice %arg6[%dma_start3A_1648, %dma_start3A_1655, %dma_start3A_1656] : memref<8x64x128xf32, #tpu.memory_space<vmem>> -> memref<1x64x128xf32, #tpu.memory_space<vmem>>
      %dma_start3A_1658 = tpu.memref_squeeze %dma_start3A_1657 : memref<1x64x128xf32, #tpu.memory_space<vmem>> -> memref<64x128xf32, #tpu.memory_space<vmem>>
      %dma_start3A_1659 = arith.constant 0 : i32
      %dma_start3A_1660 = tpu.memref_slice %arg2[%dma_start3A_1659, %multiple_of3A_1647] : memref<64x1000000xf32, #tpu.memory_space<hbm>> -> memref<64x128xf32, #tpu.memory_space<hbm>>
      tpu.enqueue_dma source(%dma_start3A_1660 : memref<64x128xf32, #tpu.memory_space<hbm>>) target(%dma_start3A_1658 : memref<64x128xf32, #tpu.memory_space<vmem>>) target_semaphore(%arg15 : memref<!tpu.dma_semaphore, #tpu.memory_space<semaphore_mem>>)
      %jit3A_1661 = arith.constant 8 : i32
      %eq3A_1662 = arith.constant 0 : i32
      %eq3A_1663 = arith.cmpi eq, %jit3A_1661, %eq3A_1662 : i32
      %jit3A_1664 = arith.constant 1 : i32
      %select_n3A_1665 = arith.select %eq3A_1663, %jit3A_1664, %jit3A_1661 : i32
      %rem3A_1666 = arith.remsi %scan3A_313, %select_n3A_1665 : i32
      %ne3A_1667 = arith.constant 0 : i32
      %ne3A_1668 = arith.cmpi ne, %rem3A_1666, %ne3A_1667 : i32
      %lt3A_1669 = arith.constant 0 : i32
      %lt3A_1670 = arith.cmpi slt, %rem3A_1666, %lt3A_1669 : i32
      %lt3A_1671 = arith.constant 0 : i32
      %lt3A_1672 = arith.cmpi slt, %select_n3A_1665, %lt3A_1671 : i32
      %ne3A_1673 = arith.xori %lt3A_1670, %lt3A_1672 : i1
      %and3A_1674 = arith.andi %ne3A_1673, %ne3A_1668 : i1
      %add3A_1675 = arith.addi %rem3A_1666, %select_n3A_1665 : i32
      %select_n3A_1676 = arith.select %and3A_1674, %add3A_1675, %rem3A_1666 : i32
      %eq3A_1677 = arith.constant 7 : i32
      %eq3A_1678 = arith.cmpi eq, %select_n3A_1676, %eq3A_1677 : i32
      %convert_element_type3A = arith.extui %eq3A_1678 : i1 to i32
      %cond3A = arith.constant 0 : i32
      %cond3A_1679 = arith.cmpi ne, %convert_element_type3A, %cond3A : i32
      scf.if %cond3A_1679 {
        %add3A_1681 = arith.constant 1 : i32
        %add3A_1682 = arith.addi %scan3A_313, %add3A_1681 : i32
        %mul3A_1683 = arith.constant 16 : i32
        %mul3A_1684 = arith.muli %add3A_1682, %mul3A_1683 : i32
        %add3A_1685 = arith.addi %mul3A_2, %mul3A_1684 : i32
        %sub3A = arith.constant 128 : i32
        %sub3A_1686 = arith.subi %add3A_1685, %sub3A : i32
        %multiple_of3A_1687 = tpu.assume_multiple %sub3A_1686, 128 : i32
        "tpu.region"() ({
          %run_scoped3A = tpu.sem_alloc : memref<!tpu.dma_semaphore, #tpu.memory_space<semaphore_mem>>
          %dma_start3A_1688 = arith.constant 0 : i32
          %dma_start3A_1689 = tpu.memref_slice %arg4[%dma_start3A_1688, %multiple_of3A_1687] : memref<64x16384xf32, #tpu.memory_space<hbm>> -> memref<64x128xf32, #tpu.memory_space<hbm>>
          %dma_start3A_1690 = arith.constant 0 : i32
          %dma_start3A_1691 = tpu.memref_slice %arg4[%dma_start3A_1690, %multiple_of3A_1687] : memref<64x16384xf32, #tpu.memory_space<hbm>> -> memref<64x128xf32, #tpu.memory_space<hbm>>
          tpu.enqueue_dma source(%arg7 : memref<64x128xf32, #tpu.memory_space<vmem>>) target(%dma_start3A_1691 : memref<64x128xf32, #tpu.memory_space<hbm>>) target_semaphore(%run_scoped3A : memref<!tpu.dma_semaphore, #tpu.memory_space<semaphore_mem>>)
          %dma_wait3A_1692 = arith.constant 0 : i32
          %dma_wait3A_1693 = tpu.memref_slice %arg4[%dma_wait3A_1692, %multiple_of3A_1687] : memref<64x16384xf32, #tpu.memory_space<hbm>> -> memref<64x128xf32, #tpu.memory_space<hbm>>
          %dma_wait3A_1694 = arith.constant 0 : i32
          %dma_wait3A_1695 = tpu.memref_slice %arg4[%dma_wait3A_1694, %multiple_of3A_1687] : memref<64x16384xf32, #tpu.memory_space<hbm>> -> memref<64x128xf32, #tpu.memory_space<hbm>>
          tpu.wait_dma2 semaphore(%run_scoped3A : memref<!tpu.dma_semaphore, #tpu.memory_space<semaphore_mem>>) src(%arg7 : memref<64x128xf32, #tpu.memory_space<vmem>>) dst(%dma_wait3A_1695 : memref<64x128xf32, #tpu.memory_space<hbm>>)
          tpu.yield
        }) : () -> ()
      } else {
      }
      %scan3A_1680 = arith.constant 0 : i32
      scf.yield %scan3A_1680 : i32
    }
    %scan3A_193 = arith.constant 32 : i32
    %dma_wait3A = arith.constant 0 : i32
    %dma_wait3A_194 = arith.constant 0 : i32
    %dma_wait3A_195 = arith.constant 0 : i32
    %dma_wait3A_196 = tpu.memref_slice %arg6[%dma_wait3A, %dma_wait3A_194, %dma_wait3A_195] : memref<8x64x128xf32, #tpu.memory_space<vmem>> -> memref<1x64x128xf32, #tpu.memory_space<vmem>>
    %dma_wait3A_197 = tpu.memref_squeeze %dma_wait3A_196 : memref<1x64x128xf32, #tpu.memory_space<vmem>> -> memref<64x128xf32, #tpu.memory_space<vmem>>
    %dma_wait3A_198 = arith.constant 0 : i32
    %dma_wait3A_199 = arith.constant 0 : i32
    %dma_wait3A_200 = tpu.memref_slice %arg2[%dma_wait3A_198, %dma_wait3A_199] : memref<64x1000000xf32, #tpu.memory_space<hbm>> -> memref<64x128xf32, #tpu.memory_space<hbm>>
    %dma_wait3A_201 = arith.constant 0 : i32
    %dma_wait3A_202 = arith.constant 0 : i32
    %dma_wait3A_203 = tpu.memref_slice %arg6[%dma_wait3A, %dma_wait3A_201, %dma_wait3A_202] : memref<8x64x128xf32, #tpu.memory_space<vmem>> -> memref<1x64x128xf32, #tpu.memory_space<vmem>>
    %dma_wait3A_204 = tpu.memref_squeeze %dma_wait3A_203 : memref<1x64x128xf32, #tpu.memory_space<vmem>> -> memref<64x128xf32, #tpu.memory_space<vmem>>
    %dma_wait3A_205 = arith.constant 0 : i32
    %dma_wait3A_206 = arith.constant 0 : i32
    %dma_wait3A_207 = tpu.memref_slice %arg2[%dma_wait3A_205, %dma_wait3A_206] : memref<64x1000000xf32, #tpu.memory_space<hbm>> -> memref<64x128xf32, #tpu.memory_space<hbm>>
    tpu.wait_dma2 semaphore(%arg8 : memref<!tpu.dma_semaphore, #tpu.memory_space<semaphore_mem>>) src(%dma_wait3A_207 : memref<64x128xf32, #tpu.memory_space<hbm>>) dst(%dma_wait3A_204 : memref<64x128xf32, #tpu.memory_space<vmem>>)
    %dma_wait3A_208 = arith.constant 1 : i32
    %dma_wait3A_209 = arith.constant 0 : i32
    %dma_wait3A_210 = arith.constant 0 : i32
    %dma_wait3A_211 = tpu.memref_slice %arg6[%dma_wait3A_208, %dma_wait3A_209, %dma_wait3A_210] : memref<8x64x128xf32, #tpu.memory_space<vmem>> -> memref<1x64x128xf32, #tpu.memory_space<vmem>>
    %dma_wait3A_212 = tpu.memref_squeeze %dma_wait3A_211 : memref<1x64x128xf32, #tpu.memory_space<vmem>> -> memref<64x128xf32, #tpu.memory_space<vmem>>
    %dma_wait3A_213 = arith.constant 0 : i32
    %dma_wait3A_214 = arith.constant 0 : i32
    %dma_wait3A_215 = tpu.memref_slice %arg2[%dma_wait3A_213, %dma_wait3A_214] : memref<64x1000000xf32, #tpu.memory_space<hbm>> -> memref<64x128xf32, #tpu.memory_space<hbm>>
    %dma_wait3A_216 = arith.constant 0 : i32
    %dma_wait3A_217 = arith.constant 0 : i32
    %dma_wait3A_218 = tpu.memref_slice %arg6[%dma_wait3A_208, %dma_wait3A_216, %dma_wait3A_217] : memref<8x64x128xf32, #tpu.memory_space<vmem>> -> memref<1x64x128xf32, #tpu.memory_space<vmem>>
    %dma_wait3A_219 = tpu.memref_squeeze %dma_wait3A_218 : memref<1x64x128xf32, #tpu.memory_space<vmem>> -> memref<64x128xf32, #tpu.memory_space<vmem>>
    %dma_wait3A_220 = arith.constant 0 : i32
    %dma_wait3A_221 = arith.constant 0 : i32
    %dma_wait3A_222 = tpu.memref_slice %arg2[%dma_wait3A_220, %dma_wait3A_221] : memref<64x1000000xf32, #tpu.memory_space<hbm>> -> memref<64x128xf32, #tpu.memory_space<hbm>>
    tpu.wait_dma2 semaphore(%arg9 : memref<!tpu.dma_semaphore, #tpu.memory_space<semaphore_mem>>) src(%dma_wait3A_222 : memref<64x128xf32, #tpu.memory_space<hbm>>) dst(%dma_wait3A_219 : memref<64x128xf32, #tpu.memory_space<vmem>>)
    %dma_wait3A_223 = arith.constant 2 : i32
    %dma_wait3A_224 = arith.constant 0 : i32
    %dma_wait3A_225 = arith.constant 0 : i32
    %dma_wait3A_226 = tpu.memref_slice %arg6[%dma_wait3A_223, %dma_wait3A_224, %dma_wait3A_225] : memref<8x64x128xf32, #tpu.memory_space<vmem>> -> memref<1x64x128xf32, #tpu.memory_space<vmem>>
    %dma_wait3A_227 = tpu.memref_squeeze %dma_wait3A_226 : memref<1x64x128xf32, #tpu.memory_space<vmem>> -> memref<64x128xf32, #tpu.memory_space<vmem>>
    %dma_wait3A_228 = arith.constant 0 : i32
    %dma_wait3A_229 = arith.constant 0 : i32
    %dma_wait3A_230 = tpu.memref_slice %arg2[%dma_wait3A_228, %dma_wait3A_229] : memref<64x1000000xf32, #tpu.memory_space<hbm>> -> memref<64x128xf32, #tpu.memory_space<hbm>>
    %dma_wait3A_231 = arith.constant 0 : i32
    %dma_wait3A_232 = arith.constant 0 : i32
    %dma_wait3A_233 = tpu.memref_slice %arg6[%dma_wait3A_223, %dma_wait3A_231, %dma_wait3A_232] : memref<8x64x128xf32, #tpu.memory_space<vmem>> -> memref<1x64x128xf32, #tpu.memory_space<vmem>>
    %dma_wait3A_234 = tpu.memref_squeeze %dma_wait3A_233 : memref<1x64x128xf32, #tpu.memory_space<vmem>> -> memref<64x128xf32, #tpu.memory_space<vmem>>
    %dma_wait3A_235 = arith.constant 0 : i32
    %dma_wait3A_236 = arith.constant 0 : i32
    %dma_wait3A_237 = tpu.memref_slice %arg2[%dma_wait3A_235, %dma_wait3A_236] : memref<64x1000000xf32, #tpu.memory_space<hbm>> -> memref<64x128xf32, #tpu.memory_space<hbm>>
    tpu.wait_dma2 semaphore(%arg10 : memref<!tpu.dma_semaphore, #tpu.memory_space<semaphore_mem>>) src(%dma_wait3A_237 : memref<64x128xf32, #tpu.memory_space<hbm>>) dst(%dma_wait3A_234 : memref<64x128xf32, #tpu.memory_space<vmem>>)
    %dma_wait3A_238 = arith.constant 3 : i32
    %dma_wait3A_239 = arith.constant 0 : i32
    %dma_wait3A_240 = arith.constant 0 : i32
    %dma_wait3A_241 = tpu.memref_slice %arg6[%dma_wait3A_238, %dma_wait3A_239, %dma_wait3A_240] : memref<8x64x128xf32, #tpu.memory_space<vmem>> -> memref<1x64x128xf32, #tpu.memory_space<vmem>>
    %dma_wait3A_242 = tpu.memref_squeeze %dma_wait3A_241 : memref<1x64x128xf32, #tpu.memory_space<vmem>> -> memref<64x128xf32, #tpu.memory_space<vmem>>
    %dma_wait3A_243 = arith.constant 0 : i32
    %dma_wait3A_244 = arith.constant 0 : i32
    %dma_wait3A_245 = tpu.memref_slice %arg2[%dma_wait3A_243, %dma_wait3A_244] : memref<64x1000000xf32, #tpu.memory_space<hbm>> -> memref<64x128xf32, #tpu.memory_space<hbm>>
    %dma_wait3A_246 = arith.constant 0 : i32
    %dma_wait3A_247 = arith.constant 0 : i32
    %dma_wait3A_248 = tpu.memref_slice %arg6[%dma_wait3A_238, %dma_wait3A_246, %dma_wait3A_247] : memref<8x64x128xf32, #tpu.memory_space<vmem>> -> memref<1x64x128xf32, #tpu.memory_space<vmem>>
    %dma_wait3A_249 = tpu.memref_squeeze %dma_wait3A_248 : memref<1x64x128xf32, #tpu.memory_space<vmem>> -> memref<64x128xf32, #tpu.memory_space<vmem>>
    %dma_wait3A_250 = arith.constant 0 : i32
    %dma_wait3A_251 = arith.constant 0 : i32
    %dma_wait3A_252 = tpu.memref_slice %arg2[%dma_wait3A_250, %dma_wait3A_251] : memref<64x1000000xf32, #tpu.memory_space<hbm>> -> memref<64x128xf32, #tpu.memory_space<hbm>>
    tpu.wait_dma2 semaphore(%arg11 : memref<!tpu.dma_semaphore, #tpu.memory_space<semaphore_mem>>) src(%dma_wait3A_252 : memref<64x128xf32, #tpu.memory_space<hbm>>) dst(%dma_wait3A_249 : memref<64x128xf32, #tpu.memory_space<vmem>>)
    %dma_wait3A_253 = arith.constant 4 : i32
    %dma_wait3A_254 = arith.constant 0 : i32
    %dma_wait3A_255 = arith.constant 0 : i32
    %dma_wait3A_256 = tpu.memref_slice %arg6[%dma_wait3A_253, %dma_wait3A_254, %dma_wait3A_255] : memref<8x64x128xf32, #tpu.memory_space<vmem>> -> memref<1x64x128xf32, #tpu.memory_space<vmem>>
    %dma_wait3A_257 = tpu.memref_squeeze %dma_wait3A_256 : memref<1x64x128xf32, #tpu.memory_space<vmem>> -> memref<64x128xf32, #tpu.memory_space<vmem>>
    %dma_wait3A_258 = arith.constant 0 : i32
    %dma_wait3A_259 = arith.constant 0 : i32
    %dma_wait3A_260 = tpu.memref_slice %arg2[%dma_wait3A_258, %dma_wait3A_259] : memref<64x1000000xf32, #tpu.memory_space<hbm>> -> memref<64x128xf32, #tpu.memory_space<hbm>>
    %dma_wait3A_261 = arith.constant 0 : i32
    %dma_wait3A_262 = arith.constant 0 : i32
    %dma_wait3A_263 = tpu.memref_slice %arg6[%dma_wait3A_253, %dma_wait3A_261, %dma_wait3A_262] : memref<8x64x128xf32, #tpu.memory_space<vmem>> -> memref<1x64x128xf32, #tpu.memory_space<vmem>>
    %dma_wait3A_264 = tpu.memref_squeeze %dma_wait3A_263 : memref<1x64x128xf32, #tpu.memory_space<vmem>> -> memref<64x128xf32, #tpu.memory_space<vmem>>
    %dma_wait3A_265 = arith.constant 0 : i32
    %dma_wait3A_266 = arith.constant 0 : i32
    %dma_wait3A_267 = tpu.memref_slice %arg2[%dma_wait3A_265, %dma_wait3A_266] : memref<64x1000000xf32, #tpu.memory_space<hbm>> -> memref<64x128xf32, #tpu.memory_space<hbm>>
    tpu.wait_dma2 semaphore(%arg12 : memref<!tpu.dma_semaphore, #tpu.memory_space<semaphore_mem>>) src(%dma_wait3A_267 : memref<64x128xf32, #tpu.memory_space<hbm>>) dst(%dma_wait3A_264 : memref<64x128xf32, #tpu.memory_space<vmem>>)
    %dma_wait3A_268 = arith.constant 5 : i32
    %dma_wait3A_269 = arith.constant 0 : i32
    %dma_wait3A_270 = arith.constant 0 : i32
    %dma_wait3A_271 = tpu.memref_slice %arg6[%dma_wait3A_268, %dma_wait3A_269, %dma_wait3A_270] : memref<8x64x128xf32, #tpu.memory_space<vmem>> -> memref<1x64x128xf32, #tpu.memory_space<vmem>>
    %dma_wait3A_272 = tpu.memref_squeeze %dma_wait3A_271 : memref<1x64x128xf32, #tpu.memory_space<vmem>> -> memref<64x128xf32, #tpu.memory_space<vmem>>
    %dma_wait3A_273 = arith.constant 0 : i32
    %dma_wait3A_274 = arith.constant 0 : i32
    %dma_wait3A_275 = tpu.memref_slice %arg2[%dma_wait3A_273, %dma_wait3A_274] : memref<64x1000000xf32, #tpu.memory_space<hbm>> -> memref<64x128xf32, #tpu.memory_space<hbm>>
    %dma_wait3A_276 = arith.constant 0 : i32
    %dma_wait3A_277 = arith.constant 0 : i32
    %dma_wait3A_278 = tpu.memref_slice %arg6[%dma_wait3A_268, %dma_wait3A_276, %dma_wait3A_277] : memref<8x64x128xf32, #tpu.memory_space<vmem>> -> memref<1x64x128xf32, #tpu.memory_space<vmem>>
    %dma_wait3A_279 = tpu.memref_squeeze %dma_wait3A_278 : memref<1x64x128xf32, #tpu.memory_space<vmem>> -> memref<64x128xf32, #tpu.memory_space<vmem>>
    %dma_wait3A_280 = arith.constant 0 : i32
    %dma_wait3A_281 = arith.constant 0 : i32
    %dma_wait3A_282 = tpu.memref_slice %arg2[%dma_wait3A_280, %dma_wait3A_281] : memref<64x1000000xf32, #tpu.memory_space<hbm>> -> memref<64x128xf32, #tpu.memory_space<hbm>>
    tpu.wait_dma2 semaphore(%arg13 : memref<!tpu.dma_semaphore, #tpu.memory_space<semaphore_mem>>) src(%dma_wait3A_282 : memref<64x128xf32, #tpu.memory_space<hbm>>) dst(%dma_wait3A_279 : memref<64x128xf32, #tpu.memory_space<vmem>>)
    %dma_wait3A_283 = arith.constant 6 : i32
    %dma_wait3A_284 = arith.constant 0 : i32
    %dma_wait3A_285 = arith.constant 0 : i32
    %dma_wait3A_286 = tpu.memref_slice %arg6[%dma_wait3A_283, %dma_wait3A_284, %dma_wait3A_285] : memref<8x64x128xf32, #tpu.memory_space<vmem>> -> memref<1x64x128xf32, #tpu.memory_space<vmem>>
    %dma_wait3A_287 = tpu.memref_squeeze %dma_wait3A_286 : memref<1x64x128xf32, #tpu.memory_space<vmem>> -> memref<64x128xf32, #tpu.memory_space<vmem>>
    %dma_wait3A_288 = arith.constant 0 : i32
    %dma_wait3A_289 = arith.constant 0 : i32
    %dma_wait3A_290 = tpu.memref_slice %arg2[%dma_wait3A_288, %dma_wait3A_289] : memref<64x1000000xf32, #tpu.memory_space<hbm>> -> memref<64x128xf32, #tpu.memory_space<hbm>>
    %dma_wait3A_291 = arith.constant 0 : i32
    %dma_wait3A_292 = arith.constant 0 : i32
    %dma_wait3A_293 = tpu.memref_slice %arg6[%dma_wait3A_283, %dma_wait3A_291, %dma_wait3A_292] : memref<8x64x128xf32, #tpu.memory_space<vmem>> -> memref<1x64x128xf32, #tpu.memory_space<vmem>>
    %dma_wait3A_294 = tpu.memref_squeeze %dma_wait3A_293 : memref<1x64x128xf32, #tpu.memory_space<vmem>> -> memref<64x128xf32, #tpu.memory_space<vmem>>
    %dma_wait3A_295 = arith.constant 0 : i32
    %dma_wait3A_296 = arith.constant 0 : i32
    %dma_wait3A_297 = tpu.memref_slice %arg2[%dma_wait3A_295, %dma_wait3A_296] : memref<64x1000000xf32, #tpu.memory_space<hbm>> -> memref<64x128xf32, #tpu.memory_space<hbm>>
    tpu.wait_dma2 semaphore(%arg14 : memref<!tpu.dma_semaphore, #tpu.memory_space<semaphore_mem>>) src(%dma_wait3A_297 : memref<64x128xf32, #tpu.memory_space<hbm>>) dst(%dma_wait3A_294 : memref<64x128xf32, #tpu.memory_space<vmem>>)
    %dma_wait3A_298 = arith.constant 7 : i32
    %dma_wait3A_299 = arith.constant 0 : i32
    %dma_wait3A_300 = arith.constant 0 : i32
    %dma_wait3A_301 = tpu.memref_slice %arg6[%dma_wait3A_298, %dma_wait3A_299, %dma_wait3A_300] : memref<8x64x128xf32, #tpu.memory_space<vmem>> -> memref<1x64x128xf32, #tpu.memory_space<vmem>>
    %dma_wait3A_302 = tpu.memref_squeeze %dma_wait3A_301 : memref<1x64x128xf32, #tpu.memory_space<vmem>> -> memref<64x128xf32, #tpu.memory_space<vmem>>
    %dma_wait3A_303 = arith.constant 0 : i32
    %dma_wait3A_304 = arith.constant 0 : i32
    %dma_wait3A_305 = tpu.memref_slice %arg2[%dma_wait3A_303, %dma_wait3A_304] : memref<64x1000000xf32, #tpu.memory_space<hbm>> -> memref<64x128xf32, #tpu.memory_space<hbm>>
    %dma_wait3A_306 = arith.constant 0 : i32
    %dma_wait3A_307 = arith.constant 0 : i32
    %dma_wait3A_308 = tpu.memref_slice %arg6[%dma_wait3A_298, %dma_wait3A_306, %dma_wait3A_307] : memref<8x64x128xf32, #tpu.memory_space<vmem>> -> memref<1x64x128xf32, #tpu.memory_space<vmem>>
    %dma_wait3A_309 = tpu.memref_squeeze %dma_wait3A_308 : memref<1x64x128xf32, #tpu.memory_space<vmem>> -> memref<64x128xf32, #tpu.memory_space<vmem>>
    %dma_wait3A_310 = arith.constant 0 : i32
    %dma_wait3A_311 = arith.constant 0 : i32
    %dma_wait3A_312 = tpu.memref_slice %arg2[%dma_wait3A_310, %dma_wait3A_311] : memref<64x1000000xf32, #tpu.memory_space<hbm>> -> memref<64x128xf32, #tpu.memory_space<hbm>>
    tpu.wait_dma2 semaphore(%arg15 : memref<!tpu.dma_semaphore, #tpu.memory_space<semaphore_mem>>) src(%dma_wait3A_312 : memref<64x128xf32, #tpu.memory_space<hbm>>) dst(%dma_wait3A_309 : memref<64x128xf32, #tpu.memory_space<vmem>>)
    return
  }
}

</mosaic_0001>

<sc_bundles>
// kernel: kernel.3.cloned.1.call-start
scs
__scs_entry_jumppad:
0x0: {  	(pc) =	sbr.rel $0x88, $3  }
0x1: {  	(tag) =	ssettag $0x0;
	lr =	simm.s32 $0x1  }
0x2: {  	[smem:$0x3F9F] =	sst lr;
	_ =	strace $0xD0000000  }
0x3: {  	_ = 	snop  }
0x4: {  	_ = 	snop  }
0x5: {  	_ = 	snop  }
0x6: {  	_ = 	snop  }
0x7: {  	_ = 	snop  }
__scs_overlays_trampoline_lowered:
0x8: {  	[smem:$0x3FAE] =	sst s0  }
0x9: {  	[smem:$0x3FAF] =	sst s1  }
0xa: {  	[smem:$0x3FB0] =	sst s2  }
0xb: {  	[smem:$0x3FB1] =	sst s3  }
0xc: {  	[smem:$0x3FB2] =	sst s4  }
0xd: {  	[smem:$0x3FB3] =	sst s5  }
0xe: {  	[smem:$0x3FB4] =	sst s6  }
0xf: {  	[smem:$0x3FB5] =	sst s7  }
0x10: {  	[smem:$0x3FB6] =	sst s8  }
0x11: {  	[smem:$0x3FB7] =	sst s9;
	s0 =	simm.s32 @!p0 $0x0  }
0x12: {  	s1 =	sld [smem:$0x3F9D];
	s0 =	simm.s32 @p0 $0x1  }
0x13: {  	[smem:$0x3FB8] =	sst s0;
	s0 =	simm.s32 @!p1 $0x0  }
0x14: {  	s2 =	sld [smem:$0x3F9C];
	s0 =	simm.s32 @p1 $0x1  }
0x15: {  	[smem:$0x3FB9] =	sst s0;
	s0 =	simm.s32 @!p2 $0x0  }
0x16: {  	s3 =	sld [smem:$0x3FDB];
	s0 =	simm.s32 @p2 $0x1  }
0x17: {  	s4 =	simm.s32 $0x1BF5;
	[smem:$0x3FBB] =	sst s0  }
0x18: {  	s0 =	sld [smem:$0x3F9E];
	_ =	swait.ge [sflag:s4], $0x0  }
0x19: {  	s7 =	sld [smem:$0x3F9F]  }
0x1a: {  	s8 =	sadd.s32 $0xFFFFE003, lr  }
0x1b: {  	s9 =	sadd.s32 $0xFFFFFEF7, lr;
	s5 =	simm.s32 $0xFFFFFFFF;
	p2 =	slt.u32 s8, $0xFFFFF086  }
0x1c: {  	p1 =	slt.u32 s9, $0xF7A;
	s5 =	simm.s32 @!p2 $0x0  }
0x1d: {  	s5 =	simm.s32 @p1 $0x1;
	p0 =	seq.s32 s7, s2  }
0x1e: {  	s7 =	smul.u32 @!p0 $0xF7A, s2;
	p2 =	seq.s32 @!p0 s5, $0x0  }
0x1f: {  	s9 =	smul.u32 $0xF7A, s1;
	s8 =	simm.s32 @!p0 $0x1BF5;
	p2 =	por !p2, p0  }
0x20: {  	[sflag:s8] =	ssyncset.s32 @!p0 $0xFFFFF086;
	s6 =	sadd.s32 @!p0 s3, s7;
	s7 =	simm.s32 @!p0 $0x108  }
0x21: {  	s3 =	sadd.s32 s3, s9;
	s6 =	sadd.s32 @!p0 $0x88, s6;
	s7 =	simm.s32 @p2 $0x1082  }
0x22: {  	[simem:s7], [sflag:s8] =	dma.local @!p0 [hbm:s6], $0xF7A  }
0x23: {  	s9 =	sor.u32 $0xD0000000, s2;
	s6 =	simm.s32 $0x108;
	_ =	swait.ge @!p0 [sflag:s8], $0x0  }
0x24: {  	s3 =	sadd.s32 $0x88, s3;
	s6 =	simm.s32 @!p1 $0x1082;
	[sflag:s4] =	ssyncset.s32 $0xFFFFF086  }
0x25: {  	[simem:s6], [sflag:s4] =	dma.local [hbm:s3], $0xF7A  }
0x26: {  	[smem:$0x3F9F] =	sst s1;
	(tag) =	ssettag s2;
	_ =	strace s9  }
0x27: {  	s1 =	sld [smem:$0x3FAF]  }
0x28: {  	s2 =	sld [smem:$0x3FB0]  }
0x29: {  	s4 =	sld [smem:$0x3FB2]  }
0x2a: {  	p0 =	seq.s32 s5, $0x0;
	s5 =	sld [smem:$0x3FB3]  }
0x2b: {  	s6 =	sld [smem:$0x3FB4]  }
0x2c: {  	s7 =	sld [smem:$0x3FB5]  }
0x2d: {  	s3 =	simm.s32 $0x108;
	s8 =	sld [smem:$0x3FB6]  }
0x2e: {  	s3 =	simm.s32 @!p0 $0x1082;
	s9 =	sld [smem:$0x3FB7]  }
0x2f: {  	lr =	sadd.s32 s0, s3;
	s0 =	sld [smem:$0x3FAE]  }
0x30: {  	s3 =	sld [smem:$0x3FB1]  }
0x31: {  	[smem:$0x3FBA] =	sst s10  }
0x32: {  	s10 =	sld [smem:$0x3FB8];
	_ =	sdelay $0x3  }
0x33: {  	p0 =	seq.s32 s10, $0x1;
	s10 =	sld [smem:$0x3FBA];
	_ =	sdelay $0x3  }
0x34: {  	[smem:$0x3FBA] =	sst s10  }
0x35: {  	s10 =	sld [smem:$0x3FB9];
	_ =	sdelay $0x3  }
0x36: {  	p1 =	seq.s32 s10, $0x1;
	s10 =	sld [smem:$0x3FBA];
	_ =	sdelay $0x3  }
0x37: {  	[smem:$0x3FBA] =	sst s10  }
0x38: {  	s10 =	sld [smem:$0x3FBB]  }
0x39: {  	_ = 	snop;
	(pc) =	sbr.ind lr, $3  }
0x3a: {  	_ = 	snop  }
0x3b: {  	_ = 	snop  }
0x3c: {  	p2 =	seq.s32 s10, $0x1;
	s10 =	sld [smem:$0x3FBA]  }
0x3d: {  	_ =	shalt  }
0x3e: {  	_ =	shalt  }
0x3f: {  	_ =	shalt  }
0x40: {  	_ =	shalt  }
0x41: {  	_ =	shalt  }
0x42: {  	_ =	shalt  }
0x43: {  	_ =	shalt  }
0x44: {  	_ =	shalt  }
0x45: {  	_ =	shalt  }
0x46: {  	_ =	shalt  }
0x47: {  	_ =	shalt  }
0x48: {  	_ =	shalt  }
0x49: {  	_ =	shalt  }
0x4a: {  	_ =	shalt  }
0x4b: {  	_ =	shalt  }
0x4c: {  	_ =	shalt  }
0x4d: {  	_ =	shalt  }
0x4e: {  	_ =	shalt  }
0x4f: {  	_ =	shalt  }
0x50: {  	_ =	shalt  }
0x51: {  	_ =	shalt  }
0x52: {  	_ =	shalt  }
0x53: {  	_ =	shalt  }
0x54: {  	_ =	shalt  }
0x55: {  	_ =	shalt  }
0x56: {  	_ =	shalt  }
0x57: {  	_ =	shalt  }
0x58: {  	_ =	shalt  }
0x59: {  	_ =	shalt  }
0x5a: {  	_ =	shalt  }
0x5b: {  	_ =	shalt  }
0x5c: {  	_ =	shalt  }
0x5d: {  	_ =	shalt  }
0x5e: {  	_ =	shalt  }
0x5f: {  	_ =	shalt  }
0x60: {  	_ =	shalt  }
0x61: {  	_ =	shalt  }
0x62: {  	_ =	shalt  }
0x63: {  	_ =	shalt  }
0x64: {  	_ =	shalt  }
0x65: {  	_ =	shalt  }
0x66: {  	_ =	shalt  }
0x67: {  	_ =	shalt  }
0x68: {  	_ =	shalt  }
0x69: {  	_ =	shalt  }
0x6a: {  	_ =	shalt  }
0x6b: {  	_ =	shalt  }
0x6c: {  	_ =	shalt  }
0x6d: {  	_ =	shalt  }
0x6e: {  	_ =	shalt  }
0x6f: {  	_ =	shalt  }
0x70: {  	_ =	shalt  }
0x71: {  	_ =	shalt  }
0x72: {  	_ =	shalt  }
0x73: {  	_ =	shalt  }
0x74: {  	_ =	shalt  }
0x75: {  	_ =	shalt  }
0x76: {  	_ =	shalt  }
0x77: {  	_ =	shalt  }
0x78: {  	_ =	shalt  }
0x79: {  	_ =	shalt  }
0x7a: {  	_ =	shalt  }
0x7b: {  	_ =	shalt  }
0x7c: {  	_ =	shalt  }
0x7d: {  	_ =	shalt  }
0x7e: {  	_ =	shalt  }
0x7f: {  	_ =	shalt  }
0x80: {  	_ =	shalt  }
0x81: {  	_ =	shalt  }
0x82: {  	_ =	shalt  }
0x83: {  	_ =	shalt  }
0x84: {  	_ =	shalt  }
0x85: {  	_ =	shalt  }
0x86: {  	_ =	shalt  }
0x87: {  	_ =	shalt  }
.Lfunc_end0:
.L_simem_size_0:
called_computation_lowered:
.L_overlay_start_0:
0x88: {  	s2 =	sld [smem:$0x3FD9]  }
0x89: {  	s3 =	sld [smem:$0x3FFE];
	_ =	sdelay $0x1  }
0x8a: {  	s1 =	srdreg.scid  }
0x8b: {  	s0 =	sand.u32 $0x1, s1  }
0x8c: {  	s18 =	sshll.u32 s0, $0xA;
	s2 =	sadd.s32 s3, s2  }
0x8d: {  	s2 =	sadd.s32 s2, s18  }
0x8e: {  	[smem:$0x3FC6] =	sst s2  }
0x8f: {  	_ = 	snop  }
0x90: {  	s2 =	sld [smem:$0x3FC9]  }
0x91: {  	s19 =	sld [smem:$0x3FC8]  }
0x92: {  	s4 =	sld [smem:$0x3FD0];
	(tm) =	ssettm $0x1  }
0x93: {  	s5 =	sld [smem:$0x3FFB];
	_ =	sdelay $0x3  }
0x94: {  	_ =	strace s5  }
0x95: {  	s5 =	sld [smem:$0x3FFC];
	_ =	sdelay $0x3  }
0x96: {  	_ =	strace s5  }
0x97: {  	s5 =	sld [smem:$0x3FFD];
	_ =	sdelay $0x3  }
0x98: {  	_ =	strace s5  }
0x99: {  	_ =	strace $0x8FFFFFFF  }
0x9a: {  	s20 =	sld [smem:$0x3FDB];
	_ =	sdelay $0x1  }
0x9b: {  	s6 =	simm.s32 $_scs_section_size  }
0x9c: {  	s7 =	simm.s32 $_size__tile_overlayer_lowered;
	s8 =	simm.s32 $_tile_overlayer_lowered  }
0x9d: {  	s23 =	simm.s32 $0x1BFF;
	s22 =	sshll.u32 s8, $0x1;
	s5 =	sadd.s32 s6, s20  }
0x9e: {  	s9 =	simm.s32 $0x0;
	s21 =	sshll.u32 s7, $0x1;
	s7 =	sadd.s32 s22, s5  }
0x9f: {  	[timem:s9], [sflag:s23] =	dma.local [hbm:s7], s21  }
0xa0: {  	_ =	swait.ge [sflag:s23], s21  }
0xa1: {  	s6 =	ssub.s32 $0x0, s21;
	[sflag:s23] =	ssyncset.done $0x0  }
0xa2: {  	[sflag:s23] =	ssyncadd.s32 s6;
	_ =	sdelay $0x1  }
0xa3: {  	s24 =	simm.s32 $0x1B8B  }
0xa4: {  	_ =	swait.ge [sflag:s24], $0x1  }
0xa5: {  	[sflag:s24] =	ssyncset.done $0x0  }
0xa6: {  	s25 =	simm.s32 $0x1B8E;
	[sflag:s24] =	ssyncadd.s32 $0xFFFFFFFF  }
0xa7: {  	s26 =	simm.s32 $execute0_lowered;
	[smem:$0x3FD2] =	sst s25  }
0xa8: {  	s6 =	sshll.u32 s26, $0x1;
	_ =	strace $0x80000046;
	[dreg:$0x1] =	wrdreg $0xFFFFFFFF  }
0xa9: {  	s28 =	simm.s32 $_size_execute0_lowered;
	s5 =	sadd.s32 s5, s6;
	[dreg:$0x0] =	wrdreg $0x0  }
0xaa: {  	s6 =	sshll.u32 s28, $0x1;
	[dreg:$0x2] =	wrdreg s5  }
0xab: {  	[dreg:$0x3] =	wrdreg s6  }
0xac: {  	[dreg:$0x4] =	wrdreg $0xC0  }
0xad: {  	_ =	task [dreg:s9], $0x5FFFF  }
0xae: {  	[dreg:$0x1] =	wrdreg $0xFFFFFFFF  }
0xaf: {  	[dreg:$0x0] =	wrdreg $0x60  }
0xb0: {  	[dreg:$0x2] =	wrdreg s19  }
0xb1: {  	[dreg:$0x3] =	wrdreg s2  }
0xb2: {  	[dreg:$0x4] =	wrdreg s4  }
0xb3: {  	[dreg:$0x5] =	wrdreg $0x9  }
0xb4: {  	_ =	task.clear_ibuf [dreg:s9], $0x6FFFF;
	_ =	strace $0x90000046  }
0xb5: {  	s29 =	simm.s32 $0x9;
	_ =	strace $0x80000048  }
0xb6: {  	_ =	swait.ge [sflag:s29], $0x1  }
0xb7: {  	[sflag:s29] =	ssyncadd.s32 $0xFFFFFFFF  }
0xb8: {  	_ =	strace $0x90000048  }
0xb9: {  	_ =	sfence  }
0xba: {  	s30 =	sld [smem:$0x0];
	_ =	sdelay $0x2  }
0xbb: {  	s31 =	sshll.u32 s1, $0xD;
	s1 =	sshrl.u32 s1, $0x2  }
0xbc: {  	s3 =	sand.u32 $0x4000, s31;
	s1 =	sadd.s32 s1, s30  }
0xbd: {  	s0 =	sor.u32 s3, s0;
	s1 =	sshll.u32 s1, $0x11  }
0xbe: {  	s0 =	sor.u32 s1, s0  }
0xbf: {  	s0 =	sadd.s32 $0x8F2B, s0  }
0xc0: {  	[sflag:s0] =	ssyncadd.remote.s32 $0x1  }
0xc1: {  	_ =	sfence.sel $0xFFFF  }
0xc2: {  	[dreg:$0x0] =	wrdreg $0xFFFFFFFF;
	(pc) =	sbr.abs _section_cstart, $3  }
0xc3: {  	[dreg:$0x1] =	wrdreg $0xFFFFFFFF  }
0xc4: {  	_ =	task.clear_ibuf [dreg:s9], $0x2FFFF;
	_ =	strace $0x9FFFFFFF  }
0xc5: {  	(tm) =	ssettm $0x7FFFFFFF  }
tec
execute0_lowered:
.L_overlay_start_1:
0x0: {  	(tag) =	ssettag $0x1  }
0x1: {  	s1 =	rddreg [dreg:$0x0]  }
0x2: {  	s0 =	rddreg [dreg:$0x1]  }
0x3: {  	s2 =	rddreg [dreg:$0x2];
	s26 =	srdreg.scid;
	s5 =	simm.s32 $0x0  }
0x4: {  	s4 =	stileid.u32;
	s8 =	simm.s32 $0x400;
	s9 =	simm.s32 $0x7A1400  }
0x5: {  	s6 =	simm.s32 $0x6280;
	s7 =	simm.s32 $0x8280;
	s10 =	simm.s32 $0xA280  }
0x6: {  	s11 =	simm.s32 $0xC280;
	s12 =	simm.s32 $0xE280;
	s19 =	simm.s32 $0x10280  }
0x7: {  	s21 =	simm.s32 $0x2;
	s28 =	simm.s32 $0x6;
	s14 =	simm.s32 $0x6280  }
0x8: {  	s15 =	simm.s32 $0x8280;
	s16 =	simm.s32 $0xA280;
	s17 =	simm.s32 $0xC280  }
0x9: {  	s13 =	simm.s32 $0xE280;
	s22 =	simm.s32 $0x3;
	s23 =	simm.s32 $0x4  }
0xa: {  	s24 =	simm.s32 $0x5;
	s25 =	simm.s32 $0x7;
	[dreg:$0x4] =	wrdreg s2  }
0xb: {  	s2 =	sand.u32 $0x1, s26;
	s4 =	sshll.u32 s4, $0xA;
	[smem:$0x7FF] =	sst s5  }
0xc: {  	s5 =	simm.s32 $0x4280;
	s3 =	ssub.s32 $0x2, s2;
	s2 =	sshll.u32 s2, $0x9  }
0xd: {  	s26 =	simm.s32 $0x8;
	_ =	strace $0x80000047;
	s2 =	sor.u32 s2, s4  }
0xe: {  	v0 =	vlaneseq.u32;
	s29 =	sshrl.u32 s3, $0x1;
	s4 =	sshrl.u32 s2, $0x3;
	s31 =	sadd.s32 $0x1FFFFF90, s2  }
0xf: {  	v0 =	vmul.u32 $0x80, v0;
	s3 =	ssub.s32 s3, s29;
	s0 =	sadd.s32 s0, s4;
	[dreg:$0x7] =	wrdreg s31  }
0x10: {  	s2 =	simm.s32 $0x0;
	s30 =	smax.u32 s3, $0x1;
	[dreg:$0x5] =	wrdreg s0  }
0x11: {  	v1 =	vor.u32 $0x800, v0;
	v2 =	vor.u32 $0x1000, v0;
	v3 =	vor.u32 $0x1800, v0;
	s3 =	simm.s32 $0x280;
	s4 =	simm.s32 $0x2280;
	[dreg:$0x6] =	wrdreg s30  }
.LBB2_1:
0x12: {  	[dreg:$0x8] =	wrdreg s2  }
0x13: {  	s0 =	simm.s32 $0x0;
	s20 =	rddreg [dreg:$0x5];
	s18 =	simm.s32 $0x9  }
0x14: {  	[tilespmem:s0], [sflag:$0x9] =	stream.linear.gather [hbm4b:s20+s0], $0x200, $0x38;
	[tilespmem:$0x12280] =	vst v63  }
0x15: {  	_ =	swait.ge [sflag:s18], $0x200  }
0x16: {  	[sflag:s18] =	ssyncset.done $0x0  }
0x17: {  	[sflag:s18] =	ssyncadd.s32 $0xFFFFFE00  }
0x18: {  	v4 =	vld [tilespmem:$0x0];
	_ =	sdelay $0x4  }
0x19: {  	(v2sf) =	vpush v4, $0x0;
	_ =	sdelay $0x4  }
0x1a: {  	(v2sf) =	vpush v4, $0x1;
	_ =	sdelay $0x5  }
0x1b: {  	(v2sf) =	vpush v4, $0x2;
	_ =	sdelay $0x3  }
0x1c: {  	s20 =	spop (v2sf)  }
0x1d: {  	s0 =	sand.u32 $0xFFFFFF80, s20  }
0x1e: {  	(v2sf) =	vpush v4, $0x3;
	p0 =	sgt.s32 s0, $0x0  }
0x1f: {  	s0 =	simm.s32 @!p0 $0x0  }
0x20: {  	s0 =	smin.u32 s0, $0xF4200  }
0x21: {  	s2 =	spop (v2sf);
	s0 =	sadd.s32 s1, s0  }
0x22: {  	[tilespmem:s3], [sflag:$0x1] =	stream.strided.gather [hbm4b:s0+s8], $0x2000, s9, s8, $0x38;
	[tilespmem:$0x12280] =	vst v63  }
0x23: {  	s0 =	sand.u32 $0xFFFFFF80, s2  }
0x24: {  	(v2sf) =	vpush v4, $0x4;
	p0 =	sgt.s32 s0, $0x0  }
0x25: {  	s0 =	simm.s32 @!p0 $0x0  }
0x26: {  	s0 =	smin.u32 s0, $0xF4200  }
0x27: {  	s3 =	spop (v2sf);
	s0 =	sadd.s32 s1, s0  }
0x28: {  	[tilespmem:s4], [sflag:$0x2] =	stream.strided.gather [hbm4b:s0+s8], $0x2000, s9, s8, $0x38;
	[tilespmem:$0x12280] =	vst v63  }
0x29: {  	s0 =	sand.u32 $0xFFFFFF80, s3  }
0x2a: {  	(v2sf) =	vpush v4, $0x5;
	p0 =	sgt.s32 s0, $0x0  }
0x2b: {  	s0 =	simm.s32 @!p0 $0x0  }
0x2c: {  	s0 =	smin.u32 s0, $0xF4200  }
0x2d: {  	s0 =	sadd.s32 s1, s0;
	s4 =	spop (v2sf)  }
0x2e: {  	[tilespmem:s5], [sflag:$0x3] =	stream.strided.gather [hbm4b:s0+s8], $0x2000, s9, s8, $0x38;
	[tilespmem:$0x12280] =	vst v63  }
0x2f: {  	s0 =	sand.u32 $0xFFFFFF80, s4  }
0x30: {  	(v2sf) =	vpush v4, $0x6;
	p0 =	sgt.s32 s0, $0x0  }
0x31: {  	s0 =	simm.s32 @!p0 $0x0  }
0x32: {  	s0 =	smin.u32 s0, $0xF4200  }
0x33: {  	s5 =	spop (v2sf);
	s0 =	sadd.s32 s1, s0  }
0x34: {  	[tilespmem:s6], [sflag:$0x4] =	stream.strided.gather [hbm4b:s0+s8], $0x2000, s9, s8, $0x38;
	[tilespmem:$0x12280] =	vst v63  }
0x35: {  	s0 =	sand.u32 $0xFFFFFF80, s5  }
0x36: {  	(v2sf) =	vpush v4, $0x7;
	p0 =	sgt.s32 s0, $0x0  }
0x37: {  	s0 =	simm.s32 @!p0 $0x0  }
0x38: {  	s0 =	smin.u32 s0, $0xF4200  }
0x39: {  	s6 =	spop (v2sf);
	s0 =	sadd.s32 s1, s0  }
0x3a: {  	[tilespmem:s7], [sflag:$0x5] =	stream.strided.gather [hbm4b:s0+s8], $0x2000, s9, s8, $0x38;
	[tilespmem:$0x12280] =	vst v63  }
0x3b: {  	s0 =	sand.u32 $0xFFFFFF80, s6  }
0x3c: {  	p0 =	sgt.s32 s0, $0x0  }
0x3d: {  	s0 =	simm.s32 @!p0 $0x0  }
0x3e: {  	s0 =	smin.u32 s0, $0xF4200  }
0x3f: {  	s18 =	spop (v2sf);
	s0 =	sadd.s32 s1, s0  }
0x40: {  	[tilespmem:s10], [sflag:$0x6] =	stream.strided.gather [hbm4b:s0+s8], $0x2000, s9, s8, $0x38;
	[tilespmem:$0x12280] =	vst v63  }
0x41: {  	s0 =	sand.u32 $0xFFFFFF80, s18  }
0x42: {  	p0 =	sgt.s32 s0, $0x0  }
0x43: {  	s0 =	simm.s32 @!p0 $0x0  }
0x44: {  	s0 =	smin.u32 s0, $0xF4200  }
0x45: {  	s20 =	spop (v2sf);
	s0 =	sadd.s32 s1, s0  }
0x46: {  	[tilespmem:s11], [sflag:$0x7] =	stream.strided.gather [hbm4b:s0+s8], $0x2000, s9, s8, $0x38;
	[tilespmem:$0x12280] =	vst v63  }
0x47: {  	s0 =	sand.u32 $0xFFFFFF80, s20  }
0x48: {  	p0 =	sgt.s32 s0, $0x0  }
0x49: {  	s0 =	simm.s32 @!p0 $0x0  }
0x4a: {  	s0 =	smin.u32 s0, $0xF4200  }
0x4b: {  	s29 =	simm.s32 $0x10;
	s31 =	simm.s32 $0x0;
	s0 =	sadd.s32 s1, s0  }
0x4c: {  	[tilespmem:s12], [sflag:$0x8] =	stream.strided.gather [hbm4b:s0+s8], $0x2000, s9, s8, $0x38;
	[tilespmem:$0x12280] =	vst v63  }
0x4d: {  	s30 =	rddreg [dreg:$0x7];
	s11 =	simm.s32 $0x280;
	s12 =	simm.s32 $0x2280  }
.LBB2_2:
0x4e: {  	v5 =	vld [tilespmem:s29+$0xFFFFFFF0];
	_ =	sdelay $0x2  }
0x4f: {  	s10 =	simm.s32 $0x1  }
0x50: {  	v4 =	vld [tilespmem:s29+$0x0];
	_ =	swait.ge [sflag:s10], $0x2000  }
0x51: {  	(v2sf) =	vpush v5, $0x0;
	_ =	sdelay $0xe  }
0x52: {  	s0 =	spop (v2sf)  }
0x53: {  	s3 =	sand.u32 $0x7F, s0  }
0x54: {  	v6 =	vor.u32 s3, v0;
	_ =	sdelay $0x2  }
0x55: {  	s5 =	sand.u32 $0x7, s31;
	[sflag:s10] =	ssyncset.done $0x0  }
0x56: {  	s2 =	sshll.u32 s5, $0x4;
	[sflag:s10] =	ssyncadd.s32 $0xFFFFE000  }
0x57: {  	v7 =	vor.u32 s2, v0;
	v6 =	vld.idx.msk [tilespmem:v6+s11+$0x0], $0xffff  }
0x58: {  	v8 =	vor.u32 s3, v1;
	_ =	sdelay $0x1  }
0x59: {  	(v2sf) =	vpush v5, $0x8;
	_ =	sdelay $0x1  }
0x5a: {  	[tilespmem:v7+s19+$0x0] =	vst.idx.msk $0xffff, v6  }
0x5b: {  	v57 =	vor.u32 s2, v1;
	v6 =	vld.idx.msk [tilespmem:v8+s11+$0x0], $0xffff  }
0x5c: {  	v58 =	vor.u32 s3, v2;
	_ =	sdelay $0x3  }
0x5d: {  	[tilespmem:v57+s19+$0x0] =	vst.idx.msk $0xffff, v6  }
0x5e: {  	v59 =	vor.u32 s2, v2;
	v6 =	vld.idx.msk [tilespmem:v58+s11+$0x0], $0xffff  }
0x5f: {  	v60 =	vor.u32 s3, v3;
	_ =	sdelay $0x3  }
0x60: {  	[tilespmem:v59+s19+$0x0] =	vst.idx.msk $0xffff, v6  }
0x61: {  	v61 =	vor.u32 s2, v3;
	s3 =	spop (v2sf);
	v6 =	vld.idx.msk [tilespmem:v60+s11+$0x0], $0xffff  }
0x62: {  	s4 =	sand.u32 $0xFFFFFF80, s3  }
0x63: {  	p0 =	sgt.s32 s4, $0x0  }
0x64: {  	s4 =	simm.s32 @!p0 $0x0  }
0x65: {  	s4 =	smin.u32 s4, $0xF4200  }
0x66: {  	[dreg:$0x9] =	wrdreg s5;
	s4 =	sadd.s32 s1, s4;
	[tilespmem:v61+s19+$0x0] =	vst.idx.msk $0xffff, v6  }
0x67: {  	[tilespmem:s11], [sflag:$0x1] =	stream.strided.gather [hbm4b:s4+s8], $0x2000, s9, s8, $0x38;
	[tilespmem:$0x12280] =	vst v63  }
0x68: {  	_ =	swait.ge [sflag:s21], $0x2000  }
0x69: {  	(v2sf) =	vpush v5, $0x1;
	_ =	sdelay $0xe  }
0x6a: {  	s6 =	spop (v2sf)  }
0x6b: {  	s4 =	sand.u32 $0x7F, s6  }
0x6c: {  	v62 =	vor.u32 s4, v0;
	_ =	sdelay $0x2  }
0x6d: {  	[sflag:s21] =	ssyncset.done $0x0  }
0x6e: {  	s5 =	sor.u32 $0x1, s2;
	[sflag:s21] =	ssyncadd.s32 $0xFFFFE000  }
0x6f: {  	v63 =	vor.u32 s5, v0;
	v6 =	vld.idx.msk [tilespmem:v62+s12+$0x0], $0xffff  }
0x70: {  	v12 =	vor.u32 s4, v1;
	_ =	sdelay $0x1  }
0x71: {  	(v2sf) =	vpush v5, $0x9;
	_ =	sdelay $0x1  }
0x72: {  	[tilespmem:v63+s19+$0x0] =	vst.idx.msk $0xffff, v6  }
0x73: {  	v13 =	vor.u32 s5, v1;
	v6 =	vld.idx.msk [tilespmem:v12+s12+$0x0], $0xffff  }
0x74: {  	v14 =	vor.u32 s4, v2;
	_ =	sdelay $0x3  }
0x75: {  	[tilespmem:v13+s19+$0x0] =	vst.idx.msk $0xffff, v6  }
0x76: {  	v15 =	vor.u32 s5, v2;
	v6 =	vld.idx.msk [tilespmem:v14+s12+$0x0], $0xffff  }
0x77: {  	v16 =	vor.u32 s4, v3;
	_ =	sdelay $0x3  }
0x78: {  	[tilespmem:v15+s19+$0x0] =	vst.idx.msk $0xffff, v6  }
0x79: {  	v17 =	vor.u32 s5, v3;
	s4 =	spop (v2sf);
	v6 =	vld.idx.msk [tilespmem:v16+s12+$0x0], $0xffff  }
0x7a: {  	s5 =	sand.u32 $0xFFFFFF80, s4  }
0x7b: {  	p0 =	sgt.s32 s5, $0x0  }
0x7c: {  	s5 =	simm.s32 @!p0 $0x0  }
0x7d: {  	s5 =	smin.u32 s5, $0xF4200  }
0x7e: {  	s5 =	sadd.s32 s1, s5;
	[tilespmem:v17+s19+$0x0] =	vst.idx.msk $0xffff, v6  }
0x7f: {  	[tilespmem:s12], [sflag:$0x2] =	stream.strided.gather [hbm4b:s5+s8], $0x2000, s9, s8, $0x38;
	[tilespmem:$0x12280] =	vst v63  }
0x80: {  	_ =	swait.ge [sflag:s22], $0x2000  }
0x81: {  	(v2sf) =	vpush v5, $0x2;
	_ =	sdelay $0xe  }
0x82: {  	s7 =	spop (v2sf)  }
0x83: {  	s5 =	sand.u32 $0x7F, s7  }
0x84: {  	v18 =	vor.u32 s5, v0;
	_ =	sdelay $0x2  }
0x85: {  	[sflag:s22] =	ssyncset.done $0x0  }
0x86: {  	s0 =	simm.s32 $0x4280;
	s6 =	sor.u32 $0x2, s2;
	[sflag:s22] =	ssyncadd.s32 $0xFFFFE000  }
0x87: {  	v19 =	vor.u32 s6, v0;
	v6 =	vld.idx.msk [tilespmem:v18+s0+$0x0], $0xffff  }
0x88: {  	v20 =	vor.u32 s5, v1;
	_ =	sdelay $0x1  }
0x89: {  	(v2sf) =	vpush v5, $0xA;
	_ =	sdelay $0x1  }
0x8a: {  	[tilespmem:v19+s19+$0x0] =	vst.idx.msk $0xffff, v6  }
0x8b: {  	v21 =	vor.u32 s6, v1;
	v6 =	vld.idx.msk [tilespmem:v20+s0+$0x0], $0xffff  }
0x8c: {  	v22 =	vor.u32 s5, v2;
	_ =	sdelay $0x3  }
0x8d: {  	[tilespmem:v21+s19+$0x0] =	vst.idx.msk $0xffff, v6  }
0x8e: {  	v23 =	vor.u32 s6, v2;
	v6 =	vld.idx.msk [tilespmem:v22+s0+$0x0], $0xffff  }
0x8f: {  	v24 =	vor.u32 s5, v3;
	_ =	sdelay $0x3  }
0x90: {  	[tilespmem:v23+s19+$0x0] =	vst.idx.msk $0xffff, v6  }
0x91: {  	v25 =	vor.u32 s6, v3;
	s5 =	spop (v2sf);
	v6 =	vld.idx.msk [tilespmem:v24+s0+$0x0], $0xffff  }
0x92: {  	s6 =	sand.u32 $0xFFFFFF80, s5  }
0x93: {  	p0 =	sgt.s32 s6, $0x0  }
0x94: {  	s6 =	simm.s32 @!p0 $0x0  }
0x95: {  	s6 =	smin.u32 s6, $0xF4200  }
0x96: {  	s6 =	sadd.s32 s1, s6;
	[tilespmem:v25+s19+$0x0] =	vst.idx.msk $0xffff, v6  }
0x97: {  	[tilespmem:s0], [sflag:$0x3] =	stream.strided.gather [hbm4b:s6+s8], $0x2000, s9, s8, $0x38;
	[tilespmem:$0x12280] =	vst v63  }
0x98: {  	_ =	swait.ge [sflag:s23], $0x2000  }
0x99: {  	(v2sf) =	vpush v5, $0x3;
	_ =	sdelay $0xe  }
0x9a: {  	s18 =	spop (v2sf)  }
0x9b: {  	s6 =	sand.u32 $0x7F, s18  }
0x9c: {  	v26 =	vor.u32 s6, v0;
	_ =	sdelay $0x2  }
0x9d: {  	[sflag:s23] =	ssyncset.done $0x0  }
0x9e: {  	s7 =	sor.u32 $0x3, s2;
	[sflag:s23] =	ssyncadd.s32 $0xFFFFE000  }
0x9f: {  	v27 =	vor.u32 s7, v0;
	v6 =	vld.idx.msk [tilespmem:v26+s14+$0x0], $0xffff  }
0xa0: {  	v28 =	vor.u32 s6, v1;
	_ =	sdelay $0x1  }
0xa1: {  	(v2sf) =	vpush v5, $0xB;
	_ =	sdelay $0x1  }
0xa2: {  	[tilespmem:v27+s19+$0x0] =	vst.idx.msk $0xffff, v6  }
0xa3: {  	v29 =	vor.u32 s7, v1;
	v6 =	vld.idx.msk [tilespmem:v28+s14+$0x0], $0xffff  }
0xa4: {  	v30 =	vor.u32 s6, v2;
	_ =	sdelay $0x3  }
0xa5: {  	[tilespmem:v29+s19+$0x0] =	vst.idx.msk $0xffff, v6  }
0xa6: {  	v31 =	vor.u32 s7, v2;
	v6 =	vld.idx.msk [tilespmem:v30+s14+$0x0], $0xffff  }
0xa7: {  	v32 =	vor.u32 s6, v3;
	_ =	sdelay $0x3  }
0xa8: {  	[tilespmem:v31+s19+$0x0] =	vst.idx.msk $0xffff, v6  }
0xa9: {  	v33 =	vor.u32 s7, v3;
	s6 =	spop (v2sf);
	v6 =	vld.idx.msk [tilespmem:v32+s14+$0x0], $0xffff  }
0xaa: {  	s7 =	sand.u32 $0xFFFFFF80, s6  }
0xab: {  	p0 =	sgt.s32 s7, $0x0  }
0xac: {  	s7 =	simm.s32 @!p0 $0x0  }
0xad: {  	s7 =	smin.u32 s7, $0xF4200  }
0xae: {  	s7 =	sadd.s32 s1, s7;
	[tilespmem:v33+s19+$0x0] =	vst.idx.msk $0xffff, v6  }
0xaf: {  	[tilespmem:s14], [sflag:$0x4] =	stream.strided.gather [hbm4b:s7+s8], $0x2000, s9, s8, $0x38;
	[tilespmem:$0x12280] =	vst v63  }
0xb0: {  	_ =	swait.ge [sflag:s24], $0x2000  }
0xb1: {  	(v2sf) =	vpush v5, $0x4;
	_ =	sdelay $0xe  }
0xb2: {  	s20 =	spop (v2sf)  }
0xb3: {  	s7 =	sand.u32 $0x7F, s20  }
0xb4: {  	v34 =	vor.u32 s7, v0;
	_ =	sdelay $0x2  }
0xb5: {  	[sflag:s24] =	ssyncset.done $0x0  }
0xb6: {  	s18 =	sor.u32 $0x4, s2;
	[sflag:s24] =	ssyncadd.s32 $0xFFFFE000  }
0xb7: {  	v35 =	vor.u32 s18, v0;
	v6 =	vld.idx.msk [tilespmem:v34+s15+$0x0], $0xffff  }
0xb8: {  	v36 =	vor.u32 s7, v1;
	_ =	sdelay $0x1  }
0xb9: {  	(v2sf) =	vpush v5, $0xC;
	_ =	sdelay $0x1  }
0xba: {  	[tilespmem:v35+s19+$0x0] =	vst.idx.msk $0xffff, v6  }
0xbb: {  	v37 =	vor.u32 s18, v1;
	v6 =	vld.idx.msk [tilespmem:v36+s15+$0x0], $0xffff  }
0xbc: {  	v38 =	vor.u32 s7, v2;
	_ =	sdelay $0x3  }
0xbd: {  	[tilespmem:v37+s19+$0x0] =	vst.idx.msk $0xffff, v6  }
0xbe: {  	v39 =	vor.u32 s18, v2;
	v6 =	vld.idx.msk [tilespmem:v38+s15+$0x0], $0xffff  }
0xbf: {  	v40 =	vor.u32 s7, v3;
	_ =	sdelay $0x3  }
0xc0: {  	[tilespmem:v39+s19+$0x0] =	vst.idx.msk $0xffff, v6  }
0xc1: {  	v41 =	vor.u32 s18, v3;
	s7 =	spop (v2sf);
	v6 =	vld.idx.msk [tilespmem:v40+s15+$0x0], $0xffff  }
0xc2: {  	s18 =	sand.u32 $0xFFFFFF80, s7  }
0xc3: {  	p0 =	sgt.s32 s18, $0x0  }
0xc4: {  	s18 =	simm.s32 @!p0 $0x0  }
0xc5: {  	s18 =	smin.u32 s18, $0xF4200  }
0xc6: {  	s18 =	sadd.s32 s1, s18;
	[tilespmem:v41+s19+$0x0] =	vst.idx.msk $0xffff, v6  }
0xc7: {  	[tilespmem:s15], [sflag:$0x5] =	stream.strided.gather [hbm4b:s18+s8], $0x2000, s9, s8, $0x38;
	[tilespmem:$0x12280] =	vst v63  }
0xc8: {  	_ =	swait.ge [sflag:s28], $0x2000  }
0xc9: {  	(v2sf) =	vpush v5, $0x5;
	_ =	sdelay $0xe  }
0xca: {  	s21 =	spop (v2sf)  }
0xcb: {  	s18 =	sand.u32 $0x7F, s21  }
0xcc: {  	v42 =	vor.u32 s18, v0;
	_ =	sdelay $0x2  }
0xcd: {  	[sflag:s28] =	ssyncset.done $0x0  }
0xce: {  	s20 =	sor.u32 $0x5, s2;
	[sflag:s28] =	ssyncadd.s32 $0xFFFFE000  }
0xcf: {  	v43 =	vor.u32 s20, v0;
	v6 =	vld.idx.msk [tilespmem:v42+s16+$0x0], $0xffff  }
0xd0: {  	v44 =	vor.u32 s18, v1;
	_ =	sdelay $0x1  }
0xd1: {  	(v2sf) =	vpush v5, $0xD;
	_ =	sdelay $0x1  }
0xd2: {  	[tilespmem:v43+s19+$0x0] =	vst.idx.msk $0xffff, v6  }
0xd3: {  	v45 =	vor.u32 s20, v1;
	v6 =	vld.idx.msk [tilespmem:v44+s16+$0x0], $0xffff  }
0xd4: {  	v46 =	vor.u32 s18, v2;
	_ =	sdelay $0x3  }
0xd5: {  	[tilespmem:v45+s19+$0x0] =	vst.idx.msk $0xffff, v6  }
0xd6: {  	v47 =	vor.u32 s20, v2;
	v6 =	vld.idx.msk [tilespmem:v46+s16+$0x0], $0xffff  }
0xd7: {  	v48 =	vor.u32 s18, v3;
	_ =	sdelay $0x3  }
0xd8: {  	[tilespmem:v47+s19+$0x0] =	vst.idx.msk $0xffff, v6  }
0xd9: {  	v49 =	vor.u32 s20, v3;
	s28 =	spop (v2sf);
	v6 =	vld.idx.msk [tilespmem:v48+s16+$0x0], $0xffff  }
0xda: {  	s18 =	sand.u32 $0xFFFFFF80, s28  }
0xdb: {  	p0 =	sgt.s32 s18, $0x0  }
0xdc: {  	s18 =	simm.s32 @!p0 $0x0  }
0xdd: {  	s18 =	smin.u32 s18, $0xF4200  }
0xde: {  	s18 =	sadd.s32 s1, s18;
	[tilespmem:v49+s19+$0x0] =	vst.idx.msk $0xffff, v6  }
0xdf: {  	[tilespmem:s16], [sflag:$0x6] =	stream.strided.gather [hbm4b:s18+s8], $0x2000, s9, s8, $0x38;
	[tilespmem:$0x12280] =	vst v63  }
0xe0: {  	_ =	swait.ge [sflag:s25], $0x2000  }
0xe1: {  	(v2sf) =	vpush v5, $0x6;
	_ =	sdelay $0xe  }
0xe2: {  	s20 =	spop (v2sf)  }
0xe3: {  	s18 =	sand.u32 $0x7F, s20  }
0xe4: {  	v50 =	vor.u32 s18, v0;
	_ =	sdelay $0x2  }
0xe5: {  	[sflag:s25] =	ssyncset.done $0x0  }
0xe6: {  	s21 =	sor.u32 $0x6, s2;
	[sflag:s25] =	ssyncadd.s32 $0xFFFFE000  }
0xe7: {  	v51 =	vor.u32 s21, v0;
	v6 =	vld.idx.msk [tilespmem:v50+s17+$0x0], $0xffff  }
0xe8: {  	v52 =	vor.u32 s18, v1;
	_ =	sdelay $0x1  }
0xe9: {  	(v2sf) =	vpush v5, $0xE;
	_ =	sdelay $0x1  }
0xea: {  	[tilespmem:v51+s19+$0x0] =	vst.idx.msk $0xffff, v6  }
0xeb: {  	v53 =	vor.u32 s21, v1;
	v6 =	vld.idx.msk [tilespmem:v52+s17+$0x0], $0xffff  }
0xec: {  	v54 =	vor.u32 s18, v2;
	_ =	sdelay $0x3  }
0xed: {  	[tilespmem:v53+s19+$0x0] =	vst.idx.msk $0xffff, v6  }
0xee: {  	v55 =	vor.u32 s21, v2;
	v6 =	vld.idx.msk [tilespmem:v54+s17+$0x0], $0xffff  }
0xef: {  	v56 =	vor.u32 s18, v3;
	_ =	sdelay $0x3  }
0xf0: {  	[tilespmem:v55+s19+$0x0] =	vst.idx.msk $0xffff, v6  }
0xf1: {  	v57 =	vor.u32 s21, v3;
	s18 =	spop (v2sf);
	v6 =	vld.idx.msk [tilespmem:v56+s17+$0x0], $0xffff  }
0xf2: {  	s20 =	sand.u32 $0xFFFFFF80, s18  }
0xf3: {  	p0 =	sgt.s32 s20, $0x0  }
0xf4: {  	s20 =	simm.s32 @!p0 $0x0  }
0xf5: {  	s20 =	smin.u32 s20, $0xF4200  }
0xf6: {  	s20 =	sadd.s32 s1, s20;
	[tilespmem:v57+s19+$0x0] =	vst.idx.msk $0xffff, v6  }
0xf7: {  	[tilespmem:s17], [sflag:$0x7] =	stream.strided.gather [hbm4b:s20+s8], $0x2000, s9, s8, $0x38;
	[tilespmem:$0x12280] =	vst v63  }
0xf8: {  	_ =	swait.ge [sflag:s26], $0x2000  }
0xf9: {  	(v2sf) =	vpush v5, $0x7;
	_ =	sdelay $0xe  }
0xfa: {  	s21 =	spop (v2sf)  }
0xfb: {  	s20 =	sand.u32 $0x7F, s21  }
0xfc: {  	v58 =	vor.u32 s20, v0;
	_ =	sdelay $0x2  }
0xfd: {  	[sflag:s26] =	ssyncset.done $0x0  }
0xfe: {  	[sflag:s26] =	ssyncadd.s32 $0xFFFFE000;
	s21 =	sor.u32 $0x7, s2  }
0xff: {  	v59 =	vor.u32 s21, v0;
	v6 =	vld.idx.msk [tilespmem:v58+s13+$0x0], $0xffff  }
0x100: {  	v60 =	vor.u32 s20, v1;
	_ =	sdelay $0x1  }
0x101: {  	(v2sf) =	vpush v5, $0xF;
	_ =	sdelay $0x1  }
0x102: {  	[tilespmem:v59+s19+$0x0] =	vst.idx.msk $0xffff, v6  }
0x103: {  	v61 =	vor.u32 s21, v1;
	v5 =	vld.idx.msk [tilespmem:v60+s13+$0x0], $0xffff  }
0x104: {  	v62 =	vor.u32 s20, v2;
	_ =	sdelay $0x3  }
0x105: {  	[tilespmem:v61+s19+$0x0] =	vst.idx.msk $0xffff, v5  }
0x106: {  	v63 =	vor.u32 s21, v2;
	v5 =	vld.idx.msk [tilespmem:v62+s13+$0x0], $0xffff  }
0x107: {  	v9 =	vor.u32 s20, v3;
	_ =	sdelay $0x3  }
0x108: {  	[tilespmem:v63+s19+$0x0] =	vst.idx.msk $0xffff, v5  }
0x109: {  	v10 =	vor.u32 s21, v3;
	s20 =	spop (v2sf);
	v5 =	vld.idx.msk [tilespmem:v9+s13+$0x0], $0xffff  }
0x10a: {  	s21 =	sand.u32 $0xFFFFFF80, s20  }
0x10b: {  	p0 =	sgt.s32 s21, $0x0  }
0x10c: {  	s21 =	simm.s32 @!p0 $0x0  }
0x10d: {  	s3 =	sand.u32 $0x7F, s3;
	s21 =	smin.u32 s21, $0xF4200  }
0x10e: {  	s21 =	sadd.s32 s1, s21;
	[tilespmem:v10+s19+$0x0] =	vst.idx.msk $0xffff, v5;
	v5 =	vor.u32 s3, v0  }
0x10f: {  	[tilespmem:s13], [sflag:$0x8] =	stream.strided.gather [hbm4b:s21+s8], $0x2000, s9, s8, $0x38;
	[tilespmem:$0x12280] =	vst v63  }
0x110: {  	_ =	swait.ge [sflag:s10], $0x2000  }
0x111: {  	[sflag:s10] =	ssyncset.done $0x0  }
0x112: {  	[sflag:s10] =	ssyncadd.s32 $0xFFFFE000;
	s10 =	sor.u32 $0x8, s2  }
0x113: {  	v5 =	vld.idx.msk [tilespmem:v5+s11+$0x0], $0xffff;
	v11 =	vor.u32 s10, v0  }
0x114: {  	v12 =	vor.u32 s3, v1;
	_ =	sdelay $0x1  }
0x115: {  	(v2sf) =	vpush v4, $0x0;
	_ =	sdelay $0x1  }
0x116: {  	[tilespmem:v11+s19+$0x0] =	vst.idx.msk $0xffff, v5  }
0x117: {  	v13 =	vor.u32 s10, v1;
	v5 =	vld.idx.msk [tilespmem:v12+s11+$0x0], $0xffff  }
0x118: {  	v14 =	vor.u32 s3, v2;
	_ =	sdelay $0x3  }
0x119: {  	[tilespmem:v13+s19+$0x0] =	vst.idx.msk $0xffff, v5  }
0x11a: {  	v15 =	vor.u32 s10, v2;
	v5 =	vld.idx.msk [tilespmem:v14+s11+$0x0], $0xffff  }
0x11b: {  	v16 =	vor.u32 s3, v3;
	_ =	sdelay $0x3  }
0x11c: {  	[tilespmem:v15+s19+$0x0] =	vst.idx.msk $0xffff, v5  }
0x11d: {  	v17 =	vor.u32 s10, v3;
	s10 =	spop (v2sf);
	v5 =	vld.idx.msk [tilespmem:v16+s11+$0x0], $0xffff  }
0x11e: {  	s3 =	sand.u32 $0xFFFFFF80, s10  }
0x11f: {  	p0 =	sgt.s32 s3, $0x0  }
0x120: {  	s3 =	simm.s32 @!p0 $0x0  }
0x121: {  	s4 =	sand.u32 $0x7F, s4;
	s3 =	smin.u32 s3, $0xF4200  }
0x122: {  	s21 =	simm.s32 $0x2;
	s3 =	sadd.s32 s1, s3;
	[tilespmem:v17+s19+$0x0] =	vst.idx.msk $0xffff, v5;
	v5 =	vor.u32 s4, v0  }
0x123: {  	[tilespmem:s11], [sflag:$0x1] =	stream.strided.gather [hbm4b:s3+s8], $0x2000, s9, s8, $0x38;
	[tilespmem:$0x12280] =	vst v63  }
0x124: {  	_ =	swait.ge [sflag:s21], $0x2000  }
0x125: {  	[sflag:s21] =	ssyncset.done $0x0  }
0x126: {  	s10 =	sor.u32 $0x9, s2;
	[sflag:s21] =	ssyncadd.s32 $0xFFFFE000  }
0x127: {  	v18 =	vor.u32 s10, v0;
	v5 =	vld.idx.msk [tilespmem:v5+s12+$0x0], $0xffff  }
0x128: {  	v19 =	vor.u32 s4, v1;
	_ =	sdelay $0x1  }
0x129: {  	(v2sf) =	vpush v4, $0x1;
	_ =	sdelay $0x1  }
0x12a: {  	[tilespmem:v18+s19+$0x0] =	vst.idx.msk $0xffff, v5  }
0x12b: {  	v20 =	vor.u32 s10, v1;
	v5 =	vld.idx.msk [tilespmem:v19+s12+$0x0], $0xffff  }
0x12c: {  	v21 =	vor.u32 s4, v2;
	_ =	sdelay $0x3  }
0x12d: {  	[tilespmem:v20+s19+$0x0] =	vst.idx.msk $0xffff, v5  }
0x12e: {  	v22 =	vor.u32 s10, v2;
	v5 =	vld.idx.msk [tilespmem:v21+s12+$0x0], $0xffff  }
0x12f: {  	v23 =	vor.u32 s4, v3;
	_ =	sdelay $0x3  }
0x130: {  	[tilespmem:v22+s19+$0x0] =	vst.idx.msk $0xffff, v5  }
0x131: {  	v24 =	vor.u32 s10, v3;
	s4 =	spop (v2sf);
	v5 =	vld.idx.msk [tilespmem:v23+s12+$0x0], $0xffff  }
0x132: {  	s3 =	sand.u32 $0xFFFFFF80, s4  }
0x133: {  	p0 =	sgt.s32 s3, $0x0  }
0x134: {  	s3 =	simm.s32 @!p0 $0x0  }
0x135: {  	s5 =	sand.u32 $0x7F, s5;
	s3 =	smin.u32 s3, $0xF4200  }
0x136: {  	s3 =	sadd.s32 s1, s3;
	[tilespmem:v24+s19+$0x0] =	vst.idx.msk $0xffff, v5;
	v5 =	vor.u32 s5, v0  }
0x137: {  	[tilespmem:s12], [sflag:$0x2] =	stream.strided.gather [hbm4b:s3+s8], $0x2000, s9, s8, $0x38;
	[tilespmem:$0x12280] =	vst v63  }
0x138: {  	_ =	swait.ge [sflag:s22], $0x2000  }
0x139: {  	[sflag:s22] =	ssyncset.done $0x0  }
0x13a: {  	s10 =	sor.u32 $0xA, s2;
	[sflag:s22] =	ssyncadd.s32 $0xFFFFE000  }
0x13b: {  	v25 =	vor.u32 s10, v0;
	v5 =	vld.idx.msk [tilespmem:v5+s0+$0x0], $0xffff  }
0x13c: {  	v26 =	vor.u32 s5, v1;
	_ =	sdelay $0x1  }
0x13d: {  	(v2sf) =	vpush v4, $0x2;
	_ =	sdelay $0x1  }
0x13e: {  	[tilespmem:v25+s19+$0x0] =	vst.idx.msk $0xffff, v5  }
0x13f: {  	v27 =	vor.u32 s10, v1;
	v5 =	vld.idx.msk [tilespmem:v26+s0+$0x0], $0xffff  }
0x140: {  	v28 =	vor.u32 s5, v2;
	_ =	sdelay $0x3  }
0x141: {  	[tilespmem:v27+s19+$0x0] =	vst.idx.msk $0xffff, v5  }
0x142: {  	v29 =	vor.u32 s10, v2;
	v5 =	vld.idx.msk [tilespmem:v28+s0+$0x0], $0xffff  }
0x143: {  	v30 =	vor.u32 s5, v3;
	_ =	sdelay $0x3  }
0x144: {  	[tilespmem:v29+s19+$0x0] =	vst.idx.msk $0xffff, v5  }
0x145: {  	v31 =	vor.u32 s10, v3;
	s5 =	spop (v2sf);
	v5 =	vld.idx.msk [tilespmem:v30+s0+$0x0], $0xffff  }
0x146: {  	s3 =	sand.u32 $0xFFFFFF80, s5  }
0x147: {  	p0 =	sgt.s32 s3, $0x0  }
0x148: {  	s3 =	simm.s32 @!p0 $0x0  }
0x149: {  	s10 =	sand.u32 $0x7F, s6;
	s3 =	smin.u32 s3, $0xF4200  }
0x14a: {  	s3 =	sadd.s32 s1, s3;
	[tilespmem:v31+s19+$0x0] =	vst.idx.msk $0xffff, v5;
	v5 =	vor.u32 s10, v0  }
0x14b: {  	[tilespmem:s0], [sflag:$0x3] =	stream.strided.gather [hbm4b:s3+s8], $0x2000, s9, s8, $0x38;
	[tilespmem:$0x12280] =	vst v63  }
0x14c: {  	_ =	swait.ge [sflag:s23], $0x2000  }
0x14d: {  	[sflag:s23] =	ssyncset.done $0x0  }
0x14e: {  	s0 =	sor.u32 $0xB, s2;
	[sflag:s23] =	ssyncadd.s32 $0xFFFFE000  }
0x14f: {  	v32 =	vor.u32 s0, v0;
	v5 =	vld.idx.msk [tilespmem:v5+s14+$0x0], $0xffff  }
0x150: {  	v33 =	vor.u32 s10, v1;
	_ =	sdelay $0x1  }
0x151: {  	(v2sf) =	vpush v4, $0x3;
	_ =	sdelay $0x1  }
0x152: {  	[tilespmem:v32+s19+$0x0] =	vst.idx.msk $0xffff, v5  }
0x153: {  	v34 =	vor.u32 s0, v1;
	v5 =	vld.idx.msk [tilespmem:v33+s14+$0x0], $0xffff  }
0x154: {  	v35 =	vor.u32 s10, v2;
	_ =	sdelay $0x3  }
0x155: {  	[tilespmem:v34+s19+$0x0] =	vst.idx.msk $0xffff, v5  }
0x156: {  	v36 =	vor.u32 s0, v2;
	v5 =	vld.idx.msk [tilespmem:v35+s14+$0x0], $0xffff  }
0x157: {  	v37 =	vor.u32 s10, v3;
	_ =	sdelay $0x3  }
0x158: {  	[tilespmem:v36+s19+$0x0] =	vst.idx.msk $0xffff, v5  }
0x159: {  	v38 =	vor.u32 s0, v3;
	s4 =	spop (v2sf);
	v5 =	vld.idx.msk [tilespmem:v37+s14+$0x0], $0xffff  }
0x15a: {  	s3 =	sand.u32 $0xFFFFFF80, s4  }
0x15b: {  	p0 =	sgt.s32 s3, $0x0  }
0x15c: {  	s3 =	simm.s32 @!p0 $0x0  }
0x15d: {  	s5 =	sand.u32 $0x7F, s7;
	s3 =	smin.u32 s3, $0xF4200  }
0x15e: {  	s3 =	sadd.s32 s1, s3;
	[tilespmem:v38+s19+$0x0] =	vst.idx.msk $0xffff, v5;
	v5 =	vor.u32 s5, v0  }
0x15f: {  	[tilespmem:s14], [sflag:$0x4] =	stream.strided.gather [hbm4b:s3+s8], $0x2000, s9, s8, $0x38;
	[tilespmem:$0x12280] =	vst v63  }
0x160: {  	_ =	swait.ge [sflag:s24], $0x2000  }
0x161: {  	[sflag:s24] =	ssyncset.done $0x0  }
0x162: {  	s6 =	sor.u32 $0xC, s2;
	[sflag:s24] =	ssyncadd.s32 $0xFFFFE000  }
0x163: {  	v39 =	vor.u32 s6, v0;
	v5 =	vld.idx.msk [tilespmem:v5+s15+$0x0], $0xffff  }
0x164: {  	v40 =	vor.u32 s5, v1;
	_ =	sdelay $0x1  }
0x165: {  	(v2sf) =	vpush v4, $0x4;
	_ =	sdelay $0x1  }
0x166: {  	[tilespmem:v39+s19+$0x0] =	vst.idx.msk $0xffff, v5  }
0x167: {  	v41 =	vor.u32 s6, v1;
	v5 =	vld.idx.msk [tilespmem:v40+s15+$0x0], $0xffff  }
0x168: {  	v42 =	vor.u32 s5, v2;
	_ =	sdelay $0x3  }
0x169: {  	[tilespmem:v41+s19+$0x0] =	vst.idx.msk $0xffff, v5  }
0x16a: {  	v43 =	vor.u32 s6, v2;
	v5 =	vld.idx.msk [tilespmem:v42+s15+$0x0], $0xffff  }
0x16b: {  	v44 =	vor.u32 s5, v3;
	_ =	sdelay $0x3  }
0x16c: {  	[tilespmem:v43+s19+$0x0] =	vst.idx.msk $0xffff, v5  }
0x16d: {  	v45 =	vor.u32 s6, v3;
	s7 =	spop (v2sf);
	v5 =	vld.idx.msk [tilespmem:v44+s15+$0x0], $0xffff  }
0x16e: {  	s3 =	sand.u32 $0xFFFFFF80, s7  }
0x16f: {  	p0 =	sgt.s32 s3, $0x0  }
0x170: {  	s3 =	simm.s32 @!p0 $0x0  }
0x171: {  	s10 =	sand.u32 $0x7F, s28;
	s3 =	smin.u32 s3, $0xF4200  }
0x172: {  	s28 =	simm.s32 $0x6;
	s3 =	sadd.s32 s1, s3;
	[tilespmem:v45+s19+$0x0] =	vst.idx.msk $0xffff, v5;
	v5 =	vor.u32 s10, v0  }
0x173: {  	[tilespmem:s15], [sflag:$0x5] =	stream.strided.gather [hbm4b:s3+s8], $0x2000, s9, s8, $0x38;
	[tilespmem:$0x12280] =	vst v63  }
0x174: {  	_ =	swait.ge [sflag:s28], $0x2000  }
0x175: {  	[sflag:s28] =	ssyncset.done $0x0  }
0x176: {  	s0 =	sor.u32 $0xD, s2;
	[sflag:s28] =	ssyncadd.s32 $0xFFFFE000  }
0x177: {  	v46 =	vor.u32 s0, v0;
	v5 =	vld.idx.msk [tilespmem:v5+s16+$0x0], $0xffff  }
0x178: {  	v47 =	vor.u32 s10, v1;
	_ =	sdelay $0x1  }
0x179: {  	(v2sf) =	vpush v4, $0x5;
	_ =	sdelay $0x1  }
0x17a: {  	[tilespmem:v46+s19+$0x0] =	vst.idx.msk $0xffff, v5  }
0x17b: {  	v48 =	vor.u32 s0, v1;
	v5 =	vld.idx.msk [tilespmem:v47+s16+$0x0], $0xffff  }
0x17c: {  	v49 =	vor.u32 s10, v2;
	_ =	sdelay $0x3  }
0x17d: {  	[tilespmem:v48+s19+$0x0] =	vst.idx.msk $0xffff, v5  }
0x17e: {  	v50 =	vor.u32 s0, v2;
	v5 =	vld.idx.msk [tilespmem:v49+s16+$0x0], $0xffff  }
0x17f: {  	v51 =	vor.u32 s10, v3;
	_ =	sdelay $0x3  }
0x180: {  	[tilespmem:v50+s19+$0x0] =	vst.idx.msk $0xffff, v5  }
0x181: {  	v52 =	vor.u32 s0, v3;
	s4 =	spop (v2sf);
	v5 =	vld.idx.msk [tilespmem:v51+s16+$0x0], $0xffff  }
0x182: {  	s3 =	sand.u32 $0xFFFFFF80, s4  }
0x183: {  	p0 =	sgt.s32 s3, $0x0  }
0x184: {  	s3 =	simm.s32 @!p0 $0x0  }
0x185: {  	s5 =	sand.u32 $0x7F, s18;
	s3 =	smin.u32 s3, $0xF4200  }
0x186: {  	s3 =	sadd.s32 s1, s3;
	[tilespmem:v52+s19+$0x0] =	vst.idx.msk $0xffff, v5;
	v5 =	vor.u32 s5, v0  }
0x187: {  	[tilespmem:s16], [sflag:$0x6] =	stream.strided.gather [hbm4b:s3+s8], $0x2000, s9, s8, $0x38;
	[tilespmem:$0x12280] =	vst v63  }
0x188: {  	_ =	swait.ge [sflag:s25], $0x2000  }
0x189: {  	[sflag:s25] =	ssyncset.done $0x0  }
0x18a: {  	s2 =	sor.u32 $0xE, s2;
	[sflag:s25] =	ssyncadd.s32 $0xFFFFE000  }
0x18b: {  	v53 =	vor.u32 s2, v0;
	v5 =	vld.idx.msk [tilespmem:v5+s17+$0x0], $0xffff  }
0x18c: {  	v54 =	vor.u32 s5, v1;
	_ =	sdelay $0x1  }
0x18d: {  	(v2sf) =	vpush v4, $0x6;
	_ =	sdelay $0x1  }
0x18e: {  	[tilespmem:v53+s19+$0x0] =	vst.idx.msk $0xffff, v5  }
0x18f: {  	v55 =	vor.u32 s2, v1;
	v5 =	vld.idx.msk [tilespmem:v54+s17+$0x0], $0xffff  }
0x190: {  	v56 =	vor.u32 s5, v2;
	_ =	sdelay $0x3  }
0x191: {  	[tilespmem:v55+s19+$0x0] =	vst.idx.msk $0xffff, v5  }
0x192: {  	v57 =	vor.u32 s2, v2;
	v5 =	vld.idx.msk [tilespmem:v56+s17+$0x0], $0xffff  }
0x193: {  	v58 =	vor.u32 s5, v3;
	_ =	sdelay $0x3  }
0x194: {  	[tilespmem:v57+s19+$0x0] =	vst.idx.msk $0xffff, v5  }
0x195: {  	v59 =	vor.u32 s2, v3;
	s6 =	spop (v2sf);
	v5 =	vld.idx.msk [tilespmem:v58+s17+$0x0], $0xffff  }
0x196: {  	s2 =	sand.u32 $0xFFFFFF80, s6  }
0x197: {  	p0 =	sgt.s32 s2, $0x0  }
0x198: {  	s2 =	simm.s32 @!p0 $0x0  }
0x199: {  	s7 =	sand.u32 $0x7F, s20;
	s2 =	smin.u32 s2, $0xF4200  }
0x19a: {  	s2 =	sadd.s32 s1, s2;
	[tilespmem:v59+s19+$0x0] =	vst.idx.msk $0xffff, v5;
	v5 =	vor.u32 s7, v0  }
0x19b: {  	[tilespmem:s17], [sflag:$0x7] =	stream.strided.gather [hbm4b:s2+s8], $0x2000, s9, s8, $0x38;
	[tilespmem:$0x12280] =	vst v63  }
0x19c: {  	_ =	swait.ge [sflag:s26], $0x2000  }
0x19d: {  	[sflag:s26] =	ssyncset.done $0x0;
	s10 =	rddreg [dreg:$0x9]  }
0x19e: {  	[sflag:s26] =	ssyncadd.s32 $0xFFFFE000;
	s18 =	sshllo.u32 s10, $0x4  }
0x19f: {  	v5 =	vld.idx.msk [tilespmem:v5+s13+$0x0], $0xffff;
	v60 =	vor.u32 s18, v0  }
0x1a0: {  	v61 =	vor.u32 s7, v1;
	_ =	sdelay $0x1  }
0x1a1: {  	(v2sf) =	vpush v4, $0x7;
	_ =	sdelay $0x1  }
0x1a2: {  	[tilespmem:v60+s19+$0x0] =	vst.idx.msk $0xffff, v5  }
0x1a3: {  	v5 =	vor.u32 s18, v1;
	v4 =	vld.idx.msk [tilespmem:v61+s13+$0x0], $0xffff  }
0x1a4: {  	v62 =	vor.u32 s7, v2;
	_ =	sdelay $0x3  }
0x1a5: {  	[tilespmem:v5+s19+$0x0] =	vst.idx.msk $0xffff, v4  }
0x1a6: {  	v5 =	vor.u32 s18, v2;
	v4 =	vld.idx.msk [tilespmem:v62+s13+$0x0], $0xffff  }
0x1a7: {  	v63 =	vor.u32 s7, v3;
	_ =	sdelay $0x3  }
0x1a8: {  	[tilespmem:v5+s19+$0x0] =	vst.idx.msk $0xffff, v4  }
0x1a9: {  	s20 =	spop (v2sf);
	v5 =	vor.u32 s18, v3;
	v4 =	vld.idx.msk [tilespmem:v63+s13+$0x0], $0xffff  }
0x1aa: {  	s2 =	sand.u32 $0xFFFFFF80, s20  }
0x1ab: {  	p0 =	sgt.s32 s2, $0x0  }
0x1ac: {  	s2 =	simm.s32 @!p0 $0x0  }
0x1ad: {  	s31 =	sadd.s32 $0x1, s31;
	s2 =	smin.u32 s2, $0xF4200  }
0x1ae: {  	p1 =	sne.s32 s31, $0x20;
	p0 =	sne.s32 s10, $0x7;
	s2 =	sadd.s32 s1, s2;
	[tilespmem:v5+s19+$0x0] =	vst.idx.msk $0xffff, v4  }
0x1af: {  	[tilespmem:s13], [sflag:$0x8] =	stream.strided.gather [hbm4b:s2+s8], $0x2000, s9, s8, $0x38;
	[tilespmem:$0x12280] =	vst v63  }
0x1b0: {  	s0 =	sand.u32 @!p0 $0x1FFFFF80, s30;
	s3 =	simm.s32 @!p0 $0x20000;
	s2 =	rddreg [dreg:$0x4]  }
0x1b1: {  	s4 =	simm.s32 @!p0 $0x10280;
	s0 =	sadd.s32 @!p0 s2, s0;
	s2 =	simm.s32 @!p0 $0x400  }
0x1b2: {  	[hbm4b:s0+s2] =	stream.strided.scatter @!p0 [tilespmem:s4], [sflag:$0x9], $0x2000, s3, s2, $0x38;
	[tilespmem:$0x12280] =	vst v63  }
.Ltmp0:
0x1b3: {  	_ = 	snop;
	(pc) =	sbr.rel @p1 .LBB2_2-.Ltmp0, $4  }
0x1b4: {  	s0 =	simm.s32 @!p0 $0x9  }
0x1b5: {  	_ =	swait.ge @!p0 [sflag:s0], $0x2000  }
0x1b6: {  	[sflag:s0] =	ssyncset.done @!p0 $0x0  }
0x1b7: {  	s29 =	sadd.s32 $0x10, s29;
	s30 =	sadd.s32 $0x10, s30;
	[sflag:s0] =	ssyncadd.s32 @!p0 $0xFFFFE000  }
0x1b8: {  	s0 =	simm.s32 $0x1  }
0x1b9: {  	_ =	swait.ge [sflag:s0], $0x2000  }
0x1ba: {  	[sflag:s0] =	ssyncset.done $0x0  }
0x1bb: {  	[sflag:s0] =	ssyncadd.s32 $0xFFFFE000  }
0x1bc: {  	_ =	swait.ge [sflag:s21], $0x2000  }
0x1bd: {  	[sflag:s21] =	ssyncset.done $0x0  }
0x1be: {  	s18 =	simm.s32 $0x3;
	[sflag:s21] =	ssyncadd.s32 $0xFFFFE000  }
0x1bf: {  	_ =	swait.ge [sflag:s18], $0x2000  }
0x1c0: {  	[sflag:s18] =	ssyncset.done $0x0  }
0x1c1: {  	s20 =	simm.s32 $0x4;
	[sflag:s18] =	ssyncadd.s32 $0xFFFFE000  }
0x1c2: {  	_ =	swait.ge [sflag:s20], $0x2000  }
0x1c3: {  	[sflag:s20] =	ssyncset.done $0x0  }
0x1c4: {  	s29 =	simm.s32 $0x5;
	[sflag:s20] =	ssyncadd.s32 $0xFFFFE000  }
0x1c5: {  	_ =	swait.ge [sflag:s29], $0x2000  }
0x1c6: {  	[sflag:s29] =	ssyncset.done $0x0  }
0x1c7: {  	[sflag:s29] =	ssyncadd.s32 $0xFFFFE000  }
0x1c8: {  	_ =	swait.ge [sflag:s28], $0x2000  }
0x1c9: {  	[sflag:s28] =	ssyncset.done $0x0  }
0x1ca: {  	s30 =	simm.s32 $0x7;
	[sflag:s28] =	ssyncadd.s32 $0xFFFFE000  }
0x1cb: {  	_ =	swait.ge [sflag:s30], $0x2000  }
0x1cc: {  	[sflag:s30] =	ssyncset.done $0x0  }
0x1cd: {  	s3 =	simm.s32 $0x8;
	[sflag:s30] =	ssyncadd.s32 $0xFFFFE000  }
0x1ce: {  	_ =	swait.ge [sflag:s3], $0x2000  }
0x1cf: {  	s2 =	rddreg [dreg:$0x8]  }
0x1d0: {  	s31 =	rddreg [dreg:$0x6];
	s2 =	sadd.s32 $0x1, s2  }
0x1d1: {  	p0 =	sne.s32 s2, s31  }
.Ltmp1:
0x1d2: {  	_ = 	snop;
	(pc) =	sbr.rel @p0 .LBB2_1-.Ltmp1, $4  }
0x1d3: {  	s4 =	simm.s32 $0x2280  }
0x1d4: {  	s5 =	simm.s32 $0x4280;
	s6 =	simm.s32 $0x6280;
	s7 =	simm.s32 $0x8280  }
0x1d5: {  	s10 =	simm.s32 $0xA280;
	s11 =	simm.s32 $0xC280;
	[sflag:s3] =	ssyncset.done $0x0  }
0x1d6: {  	s12 =	simm.s32 $0xE280;
	[sflag:s3] =	ssyncadd.s32 $0xFFFFE000;
	s3 =	simm.s32 $0x280  }
0x1d7: {  	_ =	sfence.sel $0x180000  }
0x1d8: {  	[bflag:$0x0] =	sbarrier.arrive $0xFFFF  }
0x1d9: {  	_ =	strace $0x90000047  }
0x1da: {  	s0 =	stileid.u32;
	[bflag:$0x2] =	sbarrier.arrive $0xFFFF  }
0x1db: {  	p0 =	sne.s32 s0, $0x0;
	s0 =	rddreg [dreg:$0x3]  }
0x1dc: {  	s0 =	sadd.s32 @!p0 $0x100000, s0  }
0x1dd: {  	[sflag:s0] =	ssyncadd.tile.s32 @!p0 $0x1;
	_ =	shalt  }
.Lfunc_end2:
_tile_overlayer_lowered:
.L_overlay_start_2:
0x1de: {  	(tag) =	ssettag $0x2  }
0x1df: {  	s0 =	rddreg [dreg:$0x0];
	s2 =	stileid.u32  }
0x1e0: {  	s1 =	rddreg [dreg:$0x1];
	p0 =	sne.s32 s2, $0x0  }
0x1e1: {  	s3 =	rddreg [dreg:$0x2];
	[bflag:$0x3] =	sbarrier.arrive $0xFFFF;
	s2 =	simm.s32 @!p0 $0x1C09  }
0x1e2: {  	[timem:s3], [sflag:s2] =	dma.local @!p0 [hbm:s0], s1  }
0x1e3: {  	s0 =	simm.s32 @!p0 $0x9  }
0x1e4: {  	_ =	swait.ge @!p0 [sflag:s0], s1  }
0x1e5: {  	s1 =	ssub.s32 @!p0 $0x0, s1;
	[sflag:s0] =	ssyncset.done @!p0 $0x0  }
0x1e6: {  	[sflag:s0] =	ssyncadd.s32 @!p0 s1  }
0x1e7: {  	[bflag:$0x3] =	sbarrier.arrive $0xFFFF  }
0x1e8: {  	_ =	shalt  }

</sc_bundles>
